<compile_context>
chip_gen: v7x
topology: tpu7x:2x2x1
jax: 0.10.2.dev20260603
libtpu: 0.0.44.dev20260713+nightly
codegen_flags: <defaults>
</compile_context>

<pallas_src>
import jax
import jax.numpy as jnp
from jax import lax
from jax.experimental import pallas as pl
from jax.experimental.pallas import tpu as pltpu
from jax.experimental.pallas import tpu_sc as plsc

N_CORES = 2
N_SUBCORES = 16
LANES = 16
NW = N_CORES * N_SUBCORES

E = 320000
N_NODES = 10000
D = 128
DW = D // 2
PER_W = E // NW
CHUNK = 128
N_CHUNK = -(-PER_W // CHUNK)
LAST_OFF = PER_W - CHUNK
N_PIPE = N_CHUNK + (N_CHUNK % 2)
GROUPS = CHUNK // LANES
ROWS_PT = N_NODES // N_SUBCORES


def _sc_body(xm_hbm, xd_hbm, src_hbm, dst_hbm, out_hbm,
             idx_all, rows_s, rows_t, out_all, ptile, spm_t,
             sem_s0, sem_s1, sem_t0, sem_t1):
    wid = lax.axis_index("s") * N_CORES + lax.axis_index("c")
    sid = lax.axis_index("s")
    base = wid * PER_W
    lane = lax.iota(jnp.int32, LANES)
    sem_s = [sem_s0, sem_s1]
    sem_t = [sem_t0, sem_t1]

    pltpu.sync_copy(xd_hbm.at[pl.ds(sid * ROWS_PT, ROWS_PT)],
                    spm_t.at[pl.ds(sid * ROWS_PT, ROWS_PT)])
    pltpu.sync_copy(src_hbm.at[pl.ds(base, PER_W)], idx_all.at[0])
    pltpu.sync_copy(dst_hbm.at[pl.ds(base, PER_W)], idx_all.at[1])
    plsc.subcore_barrier()

    def off_of(c):
        return jnp.minimum(c * CHUNK, LAST_OFF)

    def fire_gathers(c, b):
        off = off_of(c)
        pltpu.async_copy(xm_hbm.at[idx_all.at[0, pl.ds(off, CHUNK)]],
                         rows_s.at[b], sem_s[b])
        pltpu.async_copy(spm_t.at[idx_all.at[1, pl.ds(off, CHUNK)]],
                         rows_t.at[b], sem_t[b])

    def wait_gathers(b):
        pltpu.make_async_copy(xm_hbm.at[idx_all.at[0, pl.ds(0, CHUNK)]],
                              rows_s.at[b], sem_s[b]).wait()
        pltpu.make_async_copy(spm_t.at[idx_all.at[1, pl.ds(0, CHUNK)]],
                              rows_t.at[b], sem_t[b]).wait()

    def compute(c, b):
        olo = off_of(c)

        def g_body(g, gcarry):
            ebase = g * LANES
            partials = []
            for e16 in range(LANES):
                e = ebase + e16
                pa = None
                pb = None
                for k in range(4):
                    sk = plsc.bitcast(
                        rows_s[b, e, pl.ds(k * LANES, LANES)], jnp.bfloat16)
                    tk = plsc.bitcast(
                        rows_t[b, e, pl.ds(k * LANES, LANES)], jnp.bfloat16)
                    u0, u1 = plsc.unpack(sk * tk,
                                         format=plsc.PackFormat.INTERLEAVED)
                    pa = u0 if pa is None else pa + u0
                    pb = u1 if pb is None else pb + u1
                partials.append(pa + pb)
            for e16 in range(LANES):
                ptile[e16, pl.ds(0, LANES)] = partials[e16]
            acc0 = plsc.load_gather(ptile, [lane, jnp.zeros((LANES,),
                                                            jnp.int32)])
            acc1 = plsc.load_gather(ptile, [lane, jnp.full((LANES,), 1,
                                                           jnp.int32)])
            for j in range(2, LANES, 2):
                acc0 = acc0 + plsc.load_gather(
                    ptile, [lane, jnp.full((LANES,), j, jnp.int32)])
                acc1 = acc1 + plsc.load_gather(
                    ptile, [lane, jnp.full((LANES,), j + 1, jnp.int32)])
            out_all[pl.ds(olo + ebase, LANES)] = acc0 + acc1
            return gcarry

        lax.fori_loop(0, GROUPS, g_body, jnp.int32(0))

    def process(c, b):
        @pl.when(c + 1 <= N_PIPE - 1)
        def _():
            fire_gathers(c + 1, 1 - b)

        wait_gathers(b)
        compute(c, b)

    fire_gathers(jnp.int32(0), 0)

    def super_body(i, carry):
        c = i * 2
        process(c, 0)
        process(c + 1, 1)
        return carry

    lax.fori_loop(0, N_PIPE // 2, super_body, jnp.int32(0))

    pltpu.sync_copy(out_all, out_hbm.at[pl.ds(base, PER_W)])


_decode = pl.kernel(
    _sc_body,
    out_type=jax.ShapeDtypeStruct((E,), jnp.float32),
    mesh=plsc.VectorSubcoreMesh(core_axis_name="c", subcore_axis_name="s",
                                num_cores=N_CORES, num_subcores=N_SUBCORES),
    scratch_types=[
        pltpu.VMEM((2, PER_W), jnp.int32),
        pltpu.VMEM((2, CHUNK, DW), jnp.int32),
        pltpu.VMEM((2, CHUNK, DW), jnp.int32),
        pltpu.VMEM((PER_W,), jnp.float32),
        pltpu.VMEM((LANES, LANES + 1), jnp.float32),
        pltpu.VMEM_SHARED((N_NODES, DW), jnp.int32),
        pltpu.SemaphoreType.DMA,
        pltpu.SemaphoreType.DMA,
        pltpu.SemaphoreType.DMA,
        pltpu.SemaphoreType.DMA,
    ],
    compiler_params=pltpu.CompilerParams(needs_layout_passes=False,
                                         use_tc_tiling_on_sc=False),
)


def _to_i32_pairs(x):
    xb = x.astype(jnp.bfloat16).reshape(x.shape[0], x.shape[1] // 2, 2)
    return jax.lax.bitcast_convert_type(xb, jnp.int32)


def kernel(x_microbes, x_diseases, edge_label_index):
    src = edge_label_index[0].astype(jnp.int32)
    dst = edge_label_index[1].astype(jnp.int32)
    return _decode(_to_i32_pairs(x_microbes),
                   _to_i32_pairs(x_diseases), src, dst)

# --- scband reference (transcript-rebuilt; emitter-appended) ---
"""Pipeline reference for scband-inner-product-decoder-32186484916769 (READ-ONLY COPY).

The authoritative reference and input builder live on the scoring server;
editing this copy changes nothing except your own understanding.
"""

import jax, jax.numpy as jnp
import numpy as np

N_NODES = 10000
N_EDGES = 320000
D_FEAT = 128

def setup_inputs(seed: int = 0) -> dict:
    key = jax.random.key(seed)
    k1, k2, k3 = jax.random.split(key, 3)
    x_microbes = jax.random.normal(k1, (N_NODES, D_FEAT), dtype=jnp.float32)
    x_diseases = jax.random.normal(k2, (N_NODES, D_FEAT), dtype=jnp.float32)
    edge_label_index = jax.random.randint(k3, (2, N_EDGES), 0, N_NODES, dtype=jnp.int64 if jax.config.read('jax_enable_x64') else jnp.int32)
    return {"x_microbes": x_microbes, "x_diseases": x_diseases, "edge_label_index": edge_label_index}

def reference(x_microbes, x_diseases, edge_label_index):
    # x_dict = {'microbes': x_microbes, 'diseases': x_diseases}
    x_src = jnp.take(x_microbes, edge_label_index[0], axis=0)
    x_dst = jnp.take(x_diseases, edge_label_index[1], axis=0)
    return (x_src * x_dst).sum(axis=-1)

if __name__ == "__main__":
    import jax
    _d = setup_inputs()
    print(jax.jit(kernel)(*tuple(_d.values())))

</pallas_src>

<mosaic_0001>
#map = affine_map<(d0, d1) -> (0, 0)>
#map1 = affine_map<(d0, d1) -> (0)>
module attributes {stable_mosaic.version = 14 : i64} {
  func.func @_sc_body(%arg0: i32, %arg1: i32, %arg2: memref<10000x64xi32, #tpu.memory_space<hbm>>, %arg3: memref<10000x64xi32, #tpu.memory_space<hbm>>, %arg4: memref<320000xi32, #tpu.memory_space<hbm>>, %arg5: memref<320000xi32, #tpu.memory_space<hbm>>, %arg6: memref<320000xf32, #tpu.memory_space<hbm>>, %arg7: memref<2x10000xi32, #tpu.memory_space<vmem>>, %arg8: memref<2x128x64xi32, #tpu.memory_space<vmem>>, %arg9: memref<2x128x64xi32, #tpu.memory_space<vmem>>, %arg10: memref<10000xf32, #tpu.memory_space<vmem>>, %arg11: memref<16x17xf32, #tpu.memory_space<vmem>>, %arg12: memref<10000x64xi32, #tpu.memory_space<vmem_shared>>, %arg13: memref<!tpu.dma_semaphore, #tpu.memory_space<semaphore_mem>>, %arg14: memref<!tpu.dma_semaphore, #tpu.memory_space<semaphore_mem>>, %arg15: memref<!tpu.dma_semaphore, #tpu.memory_space<semaphore_mem>>, %arg16: memref<!tpu.dma_semaphore, #tpu.memory_space<semaphore_mem>>) attributes {dimension_semantics = [#tpu.dimension_semantics<core_parallel>, #tpu.dimension_semantics<subcore_parallel>], iteration_bounds = array<i64: 2, 16>, scalar_prefetch = 0 : i64, scratch_operands = 10 : i64, tpu.core_type = #tpu.core_type<sc_vector_subcore>, window_params = [{transform_indices = #map}, {transform_indices = #map}, {transform_indices = #map1}, {transform_indices = #map1}, {transform_indices = #map1}]} {
    %mul3A = arith.constant 2 : i32
    %mul3A_0 = arith.muli %arg1, %mul3A : i32
    %add3A = arith.addi %mul3A_0, %arg0 : i32
    %mul3A_1 = arith.constant 10000 : i32
    %mul3A_2 = arith.muli %add3A, %mul3A_1 : i32
    %iota3A = tpu.iota {dimensions = array<i32: 0>} : vector<16xi32>
    %mul3A_3 = arith.constant 625 : i32
    %mul3A_4 = arith.muli %arg1, %mul3A_3 : i32
    %mul3A_5 = arith.constant 625 : i32
    %mul3A_6 = arith.muli %arg1, %mul3A_5 : i32
    "tpu.region"() ({
      %run_scoped3A_38 = tpu.sem_alloc : memref<!tpu.dma_semaphore, #tpu.memory_space<semaphore_mem>>
      %dma_start3A_39 = arith.constant 0 : i32
      %dma_start3A_40 = tpu.memref_slice %arg12[%mul3A_6, %dma_start3A_39] : memref<10000x64xi32, #tpu.memory_space<vmem_shared>> -> memref<625x64xi32, #tpu.memory_space<vmem_shared>>
      %dma_start3A_41 = arith.constant 0 : i32
      %dma_start3A_42 = tpu.memref_slice %arg3[%mul3A_4, %dma_start3A_41] : memref<10000x64xi32, #tpu.memory_space<hbm>> -> memref<625x64xi32, #tpu.memory_space<hbm>>
      tpu.enqueue_dma source(%dma_start3A_42 : memref<625x64xi32, #tpu.memory_space<hbm>>) target(%dma_start3A_40 : memref<625x64xi32, #tpu.memory_space<vmem_shared>>) target_semaphore(%run_scoped3A_38 : memref<!tpu.dma_semaphore, #tpu.memory_space<semaphore_mem>>)
      %dma_wait3A = arith.constant 0 : i32
      %dma_wait3A_43 = tpu.memref_slice %arg12[%mul3A_6, %dma_wait3A] : memref<10000x64xi32, #tpu.memory_space<vmem_shared>> -> memref<625x64xi32, #tpu.memory_space<vmem_shared>>
      %dma_wait3A_44 = arith.constant 0 : i32
      %dma_wait3A_45 = tpu.memref_slice %arg3[%mul3A_4, %dma_wait3A_44] : memref<10000x64xi32, #tpu.memory_space<hbm>> -> memref<625x64xi32, #tpu.memory_space<hbm>>
      tpu.wait_dma2 semaphore(%run_scoped3A_38 : memref<!tpu.dma_semaphore, #tpu.memory_space<semaphore_mem>>) src(%dma_wait3A_45 : memref<625x64xi32, #tpu.memory_space<hbm>>) dst(%dma_wait3A_43 : memref<625x64xi32, #tpu.memory_space<vmem_shared>>)
      tpu.yield
    }) : () -> ()
    %run_scoped3A = arith.constant 0 : i32
    "tpu.region"() ({
      %run_scoped3A_38 = tpu.sem_alloc : memref<!tpu.dma_semaphore, #tpu.memory_space<semaphore_mem>>
      %dma_start3A_39 = arith.constant 0 : i32
      %dma_start3A_40 = tpu.memref_slice %arg7[%run_scoped3A, %dma_start3A_39] : memref<2x10000xi32, #tpu.memory_space<vmem>> -> memref<1x10000xi32, #tpu.memory_space<vmem>>
      %dma_start3A_41 = tpu.memref_squeeze %dma_start3A_40 : memref<1x10000xi32, #tpu.memory_space<vmem>> -> memref<10000xi32, #tpu.memory_space<vmem>>
      %dma_start3A_42 = tpu.memref_slice %arg4[%mul3A_2] : memref<320000xi32, #tpu.memory_space<hbm>> -> memref<10000xi32, #tpu.memory_space<hbm>>
      %dma_start3A_43 = arith.constant 0 : i32
      %dma_start3A_44 = tpu.memref_slice %arg7[%run_scoped3A, %dma_start3A_43] : memref<2x10000xi32, #tpu.memory_space<vmem>> -> memref<1x10000xi32, #tpu.memory_space<vmem>>
      %dma_start3A_45 = tpu.memref_squeeze %dma_start3A_44 : memref<1x10000xi32, #tpu.memory_space<vmem>> -> memref<10000xi32, #tpu.memory_space<vmem>>
      %dma_start3A_46 = tpu.memref_slice %arg4[%mul3A_2] : memref<320000xi32, #tpu.memory_space<hbm>> -> memref<10000xi32, #tpu.memory_space<hbm>>
      tpu.enqueue_dma source(%dma_start3A_46 : memref<10000xi32, #tpu.memory_space<hbm>>) target(%dma_start3A_45 : memref<10000xi32, #tpu.memory_space<vmem>>) target_semaphore(%run_scoped3A_38 : memref<!tpu.dma_semaphore, #tpu.memory_space<semaphore_mem>>)
      %dma_wait3A = arith.constant 0 : i32
      %dma_wait3A_47 = tpu.memref_slice %arg7[%run_scoped3A, %dma_wait3A] : memref<2x10000xi32, #tpu.memory_space<vmem>> -> memref<1x10000xi32, #tpu.memory_space<vmem>>
      %dma_wait3A_48 = tpu.memref_squeeze %dma_wait3A_47 : memref<1x10000xi32, #tpu.memory_space<vmem>> -> memref<10000xi32, #tpu.memory_space<vmem>>
      %dma_wait3A_49 = tpu.memref_slice %arg4[%mul3A_2] : memref<320000xi32, #tpu.memory_space<hbm>> -> memref<10000xi32, #tpu.memory_space<hbm>>
      %dma_wait3A_50 = arith.constant 0 : i32
      %dma_wait3A_51 = tpu.memref_slice %arg7[%run_scoped3A, %dma_wait3A_50] : memref<2x10000xi32, #tpu.memory_space<vmem>> -> memref<1x10000xi32, #tpu.memory_space<vmem>>
      %dma_wait3A_52 = tpu.memref_squeeze %dma_wait3A_51 : memref<1x10000xi32, #tpu.memory_space<vmem>> -> memref<10000xi32, #tpu.memory_space<vmem>>
      %dma_wait3A_53 = tpu.memref_slice %arg4[%mul3A_2] : memref<320000xi32, #tpu.memory_space<hbm>> -> memref<10000xi32, #tpu.memory_space<hbm>>
      tpu.wait_dma2 semaphore(%run_scoped3A_38 : memref<!tpu.dma_semaphore, #tpu.memory_space<semaphore_mem>>) src(%dma_wait3A_53 : memref<10000xi32, #tpu.memory_space<hbm>>) dst(%dma_wait3A_52 : memref<10000xi32, #tpu.memory_space<vmem>>)
      tpu.yield
    }) : () -> ()
    %run_scoped3A_7 = arith.constant 1 : i32
    "tpu.region"() ({
      %run_scoped3A_38 = tpu.sem_alloc : memref<!tpu.dma_semaphore, #tpu.memory_space<semaphore_mem>>
      %dma_start3A_39 = arith.constant 0 : i32
      %dma_start3A_40 = tpu.memref_slice %arg7[%run_scoped3A_7, %dma_start3A_39] : memref<2x10000xi32, #tpu.memory_space<vmem>> -> memref<1x10000xi32, #tpu.memory_space<vmem>>
      %dma_start3A_41 = tpu.memref_squeeze %dma_start3A_40 : memref<1x10000xi32, #tpu.memory_space<vmem>> -> memref<10000xi32, #tpu.memory_space<vmem>>
      %dma_start3A_42 = tpu.memref_slice %arg5[%mul3A_2] : memref<320000xi32, #tpu.memory_space<hbm>> -> memref<10000xi32, #tpu.memory_space<hbm>>
      %dma_start3A_43 = arith.constant 0 : i32
      %dma_start3A_44 = tpu.memref_slice %arg7[%run_scoped3A_7, %dma_start3A_43] : memref<2x10000xi32, #tpu.memory_space<vmem>> -> memref<1x10000xi32, #tpu.memory_space<vmem>>
      %dma_start3A_45 = tpu.memref_squeeze %dma_start3A_44 : memref<1x10000xi32, #tpu.memory_space<vmem>> -> memref<10000xi32, #tpu.memory_space<vmem>>
      %dma_start3A_46 = tpu.memref_slice %arg5[%mul3A_2] : memref<320000xi32, #tpu.memory_space<hbm>> -> memref<10000xi32, #tpu.memory_space<hbm>>
      tpu.enqueue_dma source(%dma_start3A_46 : memref<10000xi32, #tpu.memory_space<hbm>>) target(%dma_start3A_45 : memref<10000xi32, #tpu.memory_space<vmem>>) target_semaphore(%run_scoped3A_38 : memref<!tpu.dma_semaphore, #tpu.memory_space<semaphore_mem>>)
      %dma_wait3A = arith.constant 0 : i32
      %dma_wait3A_47 = tpu.memref_slice %arg7[%run_scoped3A_7, %dma_wait3A] : memref<2x10000xi32, #tpu.memory_space<vmem>> -> memref<1x10000xi32, #tpu.memory_space<vmem>>
      %dma_wait3A_48 = tpu.memref_squeeze %dma_wait3A_47 : memref<1x10000xi32, #tpu.memory_space<vmem>> -> memref<10000xi32, #tpu.memory_space<vmem>>
      %dma_wait3A_49 = tpu.memref_slice %arg5[%mul3A_2] : memref<320000xi32, #tpu.memory_space<hbm>> -> memref<10000xi32, #tpu.memory_space<hbm>>
      %dma_wait3A_50 = arith.constant 0 : i32
      %dma_wait3A_51 = tpu.memref_slice %arg7[%run_scoped3A_7, %dma_wait3A_50] : memref<2x10000xi32, #tpu.memory_space<vmem>> -> memref<1x10000xi32, #tpu.memory_space<vmem>>
      %dma_wait3A_52 = tpu.memref_squeeze %dma_wait3A_51 : memref<1x10000xi32, #tpu.memory_space<vmem>> -> memref<10000xi32, #tpu.memory_space<vmem>>
      %dma_wait3A_53 = tpu.memref_slice %arg5[%mul3A_2] : memref<320000xi32, #tpu.memory_space<hbm>> -> memref<10000xi32, #tpu.memory_space<hbm>>
      tpu.wait_dma2 semaphore(%run_scoped3A_38 : memref<!tpu.dma_semaphore, #tpu.memory_space<semaphore_mem>>) src(%dma_wait3A_53 : memref<10000xi32, #tpu.memory_space<hbm>>) dst(%dma_wait3A_52 : memref<10000xi32, #tpu.memory_space<vmem>>)
      tpu.yield
    }) : () -> ()
    %barrier3A = arith.constant 0 : index
    tpu.barrier barrier_id(%barrier3A)
    %mul3A_8 = arith.constant 0 : i32
    %mul3A_9 = arith.constant 128 : i32
    %mul3A_10 = arith.muli %mul3A_8, %mul3A_9 : i32
    %min3A = arith.constant 9872 : i32
    %min3A_11 = arith.minsi %mul3A_10, %min3A : i32
    %dma_start3A = arith.constant 0 : i32
    %dma_start3A_12 = arith.constant 0 : i32
    %dma_start3A_13 = arith.constant 0 : i32
    %dma_start3A_14 = arith.constant 0 : i32
    %dma_start3A_15 = tpu.memref_slice %arg8[%dma_start3A_12, %dma_start3A_13, %dma_start3A_14] : memref<2x128x64xi32, #tpu.memory_space<vmem>> -> memref<1x128x64xi32, #tpu.memory_space<vmem>>
    %dma_start3A_16 = tpu.memref_squeeze %dma_start3A_15 : memref<1x128x64xi32, #tpu.memory_space<vmem>> -> memref<128x64xi32, #tpu.memory_space<vmem>>
    %dma_start3A_17 = tpu.memref_slice %arg7[%dma_start3A, %min3A_11] : memref<2x10000xi32, #tpu.memory_space<vmem>> -> memref<1x128xi32, #tpu.memory_space<vmem>>
    %dma_start3A_18 = tpu.memref_squeeze %dma_start3A_17 : memref<1x128xi32, #tpu.memory_space<vmem>> -> memref<128xi32, #tpu.memory_space<vmem>>
    %dma_start3A_19 = arith.constant 0 : i32
    %dma_start3A_20 = arith.constant 0 : i32
    %dma_start3A_21 = tpu.memref_slice %arg2[%dma_start3A_19, %dma_start3A_20] : memref<10000x64xi32, #tpu.memory_space<hbm>> -> memref<10000x64xi32, #tpu.memory_space<hbm>>
    tpu.enqueue_indirect_dma source(%dma_start3A_21 : memref<10000x64xi32, #tpu.memory_space<hbm>>) target(%dma_start3A_16 : memref<128x64xi32, #tpu.memory_space<vmem>>) offsets(%dma_start3A_18 : memref<128xi32, #tpu.memory_space<vmem>>) semaphore(%arg13 : memref<!tpu.dma_semaphore, #tpu.memory_space<semaphore_mem>>)
    %dma_start3A_22 = arith.constant 1 : i32
    %dma_start3A_23 = arith.constant 0 : i32
    %dma_start3A_24 = arith.constant 0 : i32
    %dma_start3A_25 = arith.constant 0 : i32
    %dma_start3A_26 = tpu.memref_slice %arg9[%dma_start3A_23, %dma_start3A_24, %dma_start3A_25] : memref<2x128x64xi32, #tpu.memory_space<vmem>> -> memref<1x128x64xi32, #tpu.memory_space<vmem>>
    %dma_start3A_27 = tpu.memref_squeeze %dma_start3A_26 : memref<1x128x64xi32, #tpu.memory_space<vmem>> -> memref<128x64xi32, #tpu.memory_space<vmem>>
    %dma_start3A_28 = tpu.memref_slice %arg7[%dma_start3A_22, %min3A_11] : memref<2x10000xi32, #tpu.memory_space<vmem>> -> memref<1x128xi32, #tpu.memory_space<vmem>>
    %dma_start3A_29 = tpu.memref_squeeze %dma_start3A_28 : memref<1x128xi32, #tpu.memory_space<vmem>> -> memref<128xi32, #tpu.memory_space<vmem>>
    %dma_start3A_30 = arith.constant 0 : i32
    %dma_start3A_31 = arith.constant 0 : i32
    %dma_start3A_32 = tpu.memref_slice %arg12[%dma_start3A_30, %dma_start3A_31] : memref<10000x64xi32, #tpu.memory_space<vmem_shared>> -> memref<10000x64xi32, #tpu.memory_space<vmem_shared>>
    tpu.enqueue_indirect_dma source(%dma_start3A_32 : memref<10000x64xi32, #tpu.memory_space<vmem_shared>>) target(%dma_start3A_27 : memref<128x64xi32, #tpu.memory_space<vmem>>) offsets(%dma_start3A_29 : memref<128xi32, #tpu.memory_space<vmem>>) semaphore(%arg15 : memref<!tpu.dma_semaphore, #tpu.memory_space<semaphore_mem>>)
    %scan3A = arith.constant 0 : i32
    %scan3A_33 = arith.constant 0 : i32
    %scan3A_34 = arith.constant 40 : i32
    %scan3A_35 = arith.addi %scan3A_33, %scan3A_34 : i32
    %scan3A_36 = arith.constant 1 : i32
    scf.for %scan3A_38 = %scan3A_33 to %scan3A_35 step %scan3A_36  : i32 {
      %mul3A_39 = arith.constant 2 : i32
      %mul3A_40 = arith.muli %scan3A_38, %mul3A_39 : i32
      %add3A_41 = arith.constant 1 : i32
      %add3A_42 = arith.addi %mul3A_40, %add3A_41 : i32
      %le3A = arith.constant 79 : i32
      %le3A_43 = arith.cmpi sle, %add3A_42, %le3A : i32
      %convert_element_type3A = arith.extui %le3A_43 : i1 to i32
      %cond3A = arith.constant 0 : i32
      %cond3A_44 = arith.cmpi ne, %convert_element_type3A, %cond3A : i32
      scf.if %cond3A_44 {
        %add3A_121 = arith.constant 1 : i32
        %add3A_122 = arith.addi %mul3A_40, %add3A_121 : i32
        %mul3A_123 = arith.constant 128 : i32
        %mul3A_124 = arith.muli %add3A_122, %mul3A_123 : i32
        %min3A_125 = arith.constant 9872 : i32
        %min3A_126 = arith.minsi %mul3A_124, %min3A_125 : i32
        %dma_start3A_127 = arith.constant 0 : i32
        %dma_start3A_128 = arith.constant 1 : i32
        %dma_start3A_129 = arith.constant 0 : i32
        %dma_start3A_130 = arith.constant 0 : i32
        %dma_start3A_131 = tpu.memref_slice %arg8[%dma_start3A_128, %dma_start3A_129, %dma_start3A_130] : memref<2x128x64xi32, #tpu.memory_space<vmem>> -> memref<1x128x64xi32, #tpu.memory_space<vmem>>
        %dma_start3A_132 = tpu.memref_squeeze %dma_start3A_131 : memref<1x128x64xi32, #tpu.memory_space<vmem>> -> memref<128x64xi32, #tpu.memory_space<vmem>>
        %dma_start3A_133 = tpu.memref_slice %arg7[%dma_start3A_127, %min3A_126] : memref<2x10000xi32, #tpu.memory_space<vmem>> -> memref<1x128xi32, #tpu.memory_space<vmem>>
        %dma_start3A_134 = tpu.memref_squeeze %dma_start3A_133 : memref<1x128xi32, #tpu.memory_space<vmem>> -> memref<128xi32, #tpu.memory_space<vmem>>
        %dma_start3A_135 = arith.constant 0 : i32
        %dma_start3A_136 = arith.constant 0 : i32
        %dma_start3A_137 = tpu.memref_slice %arg2[%dma_start3A_135, %dma_start3A_136] : memref<10000x64xi32, #tpu.memory_space<hbm>> -> memref<10000x64xi32, #tpu.memory_space<hbm>>
        tpu.enqueue_indirect_dma source(%dma_start3A_137 : memref<10000x64xi32, #tpu.memory_space<hbm>>) target(%dma_start3A_132 : memref<128x64xi32, #tpu.memory_space<vmem>>) offsets(%dma_start3A_134 : memref<128xi32, #tpu.memory_space<vmem>>) semaphore(%arg14 : memref<!tpu.dma_semaphore, #tpu.memory_space<semaphore_mem>>)
        %dma_start3A_138 = arith.constant 1 : i32
        %dma_start3A_139 = arith.constant 1 : i32
        %dma_start3A_140 = arith.constant 0 : i32
        %dma_start3A_141 = arith.constant 0 : i32
        %dma_start3A_142 = tpu.memref_slice %arg9[%dma_start3A_139, %dma_start3A_140, %dma_start3A_141] : memref<2x128x64xi32, #tpu.memory_space<vmem>> -> memref<1x128x64xi32, #tpu.memory_space<vmem>>
        %dma_start3A_143 = tpu.memref_squeeze %dma_start3A_142 : memref<1x128x64xi32, #tpu.memory_space<vmem>> -> memref<128x64xi32, #tpu.memory_space<vmem>>
        %dma_start3A_144 = tpu.memref_slice %arg7[%dma_start3A_138, %min3A_126] : memref<2x10000xi32, #tpu.memory_space<vmem>> -> memref<1x128xi32, #tpu.memory_space<vmem>>
        %dma_start3A_145 = tpu.memref_squeeze %dma_start3A_144 : memref<1x128xi32, #tpu.memory_space<vmem>> -> memref<128xi32, #tpu.memory_space<vmem>>
        %dma_start3A_146 = arith.constant 0 : i32
        %dma_start3A_147 = arith.constant 0 : i32
        %dma_start3A_148 = tpu.memref_slice %arg12[%dma_start3A_146, %dma_start3A_147] : memref<10000x64xi32, #tpu.memory_space<vmem_shared>> -> memref<10000x64xi32, #tpu.memory_space<vmem_shared>>
        tpu.enqueue_indirect_dma source(%dma_start3A_148 : memref<10000x64xi32, #tpu.memory_space<vmem_shared>>) target(%dma_start3A_143 : memref<128x64xi32, #tpu.memory_space<vmem>>) offsets(%dma_start3A_145 : memref<128xi32, #tpu.memory_space<vmem>>) semaphore(%arg16 : memref<!tpu.dma_semaphore, #tpu.memory_space<semaphore_mem>>)
      } else {
      }
      %dma_wait3A = arith.constant 0 : i32
      %dma_wait3A_45 = arith.constant 0 : i32
      %dma_wait3A_46 = arith.constant 0 : i32
      %dma_wait3A_47 = arith.constant 0 : i32
      %dma_wait3A_48 = tpu.memref_slice %arg8[%dma_wait3A_45, %dma_wait3A_46, %dma_wait3A_47] : memref<2x128x64xi32, #tpu.memory_space<vmem>> -> memref<1x128x64xi32, #tpu.memory_space<vmem>>
      %dma_wait3A_49 = tpu.memref_squeeze %dma_wait3A_48 : memref<1x128x64xi32, #tpu.memory_space<vmem>> -> memref<128x64xi32, #tpu.memory_space<vmem>>
      %dma_wait3A_50 = arith.constant 0 : i32
      %dma_wait3A_51 = tpu.memref_slice %arg7[%dma_wait3A, %dma_wait3A_50] : memref<2x10000xi32, #tpu.memory_space<vmem>> -> memref<1x128xi32, #tpu.memory_space<vmem>>
      %dma_wait3A_52 = tpu.memref_squeeze %dma_wait3A_51 : memref<1x128xi32, #tpu.memory_space<vmem>> -> memref<128xi32, #tpu.memory_space<vmem>>
      %dma_wait3A_53 = arith.constant 0 : i32
      %dma_wait3A_54 = arith.constant 0 : i32
      %dma_wait3A_55 = tpu.memref_slice %arg2[%dma_wait3A_53, %dma_wait3A_54] : memref<10000x64xi32, #tpu.memory_space<hbm>> -> memref<10000x64xi32, #tpu.memory_space<hbm>>
      tpu.wait_indirect_dma semaphore(%arg13 : memref<!tpu.dma_semaphore, #tpu.memory_space<semaphore_mem>>) src(%dma_wait3A_55 : memref<10000x64xi32, #tpu.memory_space<hbm>>) dst(%dma_wait3A_49 : memref<128x64xi32, #tpu.memory_space<vmem>>)
      %dma_wait3A_56 = arith.constant 1 : i32
      %dma_wait3A_57 = arith.constant 0 : i32
      %dma_wait3A_58 = arith.constant 0 : i32
      %dma_wait3A_59 = arith.constant 0 : i32
      %dma_wait3A_60 = tpu.memref_slice %arg9[%dma_wait3A_57, %dma_wait3A_58, %dma_wait3A_59] : memref<2x128x64xi32, #tpu.memory_space<vmem>> -> memref<1x128x64xi32, #tpu.memory_space<vmem>>
      %dma_wait3A_61 = tpu.memref_squeeze %dma_wait3A_60 : memref<1x128x64xi32, #tpu.memory_space<vmem>> -> memref<128x64xi32, #tpu.memory_space<vmem>>
      %dma_wait3A_62 = arith.constant 0 : i32
      %dma_wait3A_63 = tpu.memref_slice %arg7[%dma_wait3A_56, %dma_wait3A_62] : memref<2x10000xi32, #tpu.memory_space<vmem>> -> memref<1x128xi32, #tpu.memory_space<vmem>>
      %dma_wait3A_64 = tpu.memref_squeeze %dma_wait3A_63 : memref<1x128xi32, #tpu.memory_space<vmem>> -> memref<128xi32, #tpu.memory_space<vmem>>
      %dma_wait3A_65 = arith.constant 0 : i32
      %dma_wait3A_66 = arith.constant 0 : i32
      %dma_wait3A_67 = tpu.memref_slice %arg12[%dma_wait3A_65, %dma_wait3A_66] : memref<10000x64xi32, #tpu.memory_space<vmem_shared>> -> memref<10000x64xi32, #tpu.memory_space<vmem_shared>>
      tpu.wait_indirect_dma semaphore(%arg15 : memref<!tpu.dma_semaphore, #tpu.memory_space<semaphore_mem>>) src(%dma_wait3A_67 : memref<10000x64xi32, #tpu.memory_space<vmem_shared>>) dst(%dma_wait3A_61 : memref<128x64xi32, #tpu.memory_space<vmem>>)
      %mul3A_68 = arith.constant 128 : i32
      %mul3A_69 = arith.muli %mul3A_40, %mul3A_68 : i32
      %min3A_70 = arith.constant 9872 : i32
      %min3A_71 = arith.minsi %mul3A_69, %min3A_70 : i32
      %scan3A_72 = arith.constant 0 : i32
      %scan3A_73 = arith.constant 0 : i32
      %scan3A_74 = arith.constant 8 : i32
      %scan3A_75 = arith.addi %scan3A_73, %scan3A_74 : i32
      %scan3A_76 = arith.constant 1 : i32
      scf.for %scan3A_121 = %scan3A_73 to %scan3A_75 step %scan3A_76  : i32 {
        %mul3A_122 = arith.constant 16 : i32
        %mul3A_123 = arith.muli %scan3A_121, %mul3A_122 : i32
        %add3A_124 = arith.constant 0 : i32
        %add3A_125 = arith.addi %mul3A_123, %add3A_124 : i32
        %get3A = arith.constant 0 : i32
        %get3A_126 = arith.index_cast %get3A : i32 to index
        %get3A_127 = arith.index_cast %add3A_125 : i32 to index
        %get3A_128 = arith.constant 0 : index
        %get3A_129 = tpu.vector_load %arg8[%get3A_126, %get3A_127, %get3A_128] {strides = array<i32>} : memref<2x128x64xi32, #tpu.memory_space<vmem>>, vector<16xi32>,
        %bitcast3A = vector.bitcast %get3A_129 : vector<16xi32> to vector<32xbf16>
        %get3A_130 = arith.constant 0 : i32
        %get3A_131 = arith.index_cast %get3A_130 : i32 to index
        %get3A_132 = arith.index_cast %add3A_125 : i32 to index
        %get3A_133 = arith.constant 0 : index
        %get3A_134 = tpu.vector_load %arg9[%get3A_131, %get3A_132, %get3A_133] {strides = array<i32>} : memref<2x128x64xi32, #tpu.memory_space<vmem>>, vector<16xi32>,
        %bitcast3A_135 = vector.bitcast %get3A_134 : vector<16xi32> to vector<32xbf16>
        %mul3A_136 = arith.mulf %bitcast3A, %bitcast3A_135 : vector<32xbf16>
        %unpack3A = tpu.unpack_subelements %mul3A_136, 0 {pack_format = #tpu.pack_format<interleaved>} : vector<32xbf16> -> vector<16xf32>
        %unpack3A_137 = tpu.unpack_subelements %mul3A_136, 1 {pack_format = #tpu.pack_format<interleaved>} : vector<32xbf16> -> vector<16xf32>
        %get3A_138 = arith.constant 0 : i32
        %get3A_139 = arith.index_cast %get3A_138 : i32 to index
        %get3A_140 = arith.index_cast %add3A_125 : i32 to index
        %get3A_141 = arith.constant 16 : index
        %get3A_142 = tpu.vector_load %arg8[%get3A_139, %get3A_140, %get3A_141] {strides = array<i32>} : memref<2x128x64xi32, #tpu.memory_space<vmem>>, vector<16xi32>,
        %bitcast3A_143 = vector.bitcast %get3A_142 : vector<16xi32> to vector<32xbf16>
        %get3A_144 = arith.constant 0 : i32
        %get3A_145 = arith.index_cast %get3A_144 : i32 to index
        %get3A_146 = arith.index_cast %add3A_125 : i32 to index
        %get3A_147 = arith.constant 16 : index
        %get3A_148 = tpu.vector_load %arg9[%get3A_145, %get3A_146, %get3A_147] {strides = array<i32>} : memref<2x128x64xi32, #tpu.memory_space<vmem>>, vector<16xi32>,
        %bitcast3A_149 = vector.bitcast %get3A_148 : vector<16xi32> to vector<32xbf16>
        %mul3A_150 = arith.mulf %bitcast3A_143, %bitcast3A_149 : vector<32xbf16>
        %unpack3A_151 = tpu.unpack_subelements %mul3A_150, 0 {pack_format = #tpu.pack_format<interleaved>} : vector<32xbf16> -> vector<16xf32>
        %unpack3A_152 = tpu.unpack_subelements %mul3A_150, 1 {pack_format = #tpu.pack_format<interleaved>} : vector<32xbf16> -> vector<16xf32>
        %add3A_153 = arith.addf %unpack3A, %unpack3A_151 : vector<16xf32>
        %add3A_154 = arith.addf %unpack3A_137, %unpack3A_152 : vector<16xf32>
        %get3A_155 = arith.constant 0 : i32
        %get3A_156 = arith.index_cast %get3A_155 : i32 to index
        %get3A_157 = arith.index_cast %add3A_125 : i32 to index
        %get3A_158 = arith.constant 32 : index
        %get3A_159 = tpu.vector_load %arg8[%get3A_156, %get3A_157, %get3A_158] {strides = array<i32>} : memref<2x128x64xi32, #tpu.memory_space<vmem>>, vector<16xi32>,
        %bitcast3A_160 = vector.bitcast %get3A_159 : vector<16xi32> to vector<32xbf16>
        %get3A_161 = arith.constant 0 : i32
        %get3A_162 = arith.index_cast %get3A_161 : i32 to index
        %get3A_163 = arith.index_cast %add3A_125 : i32 to index
        %get3A_164 = arith.constant 32 : index
        %get3A_165 = tpu.vector_load %arg9[%get3A_162, %get3A_163, %get3A_164] {strides = array<i32>} : memref<2x128x64xi32, #tpu.memory_space<vmem>>, vector<16xi32>,
        %bitcast3A_166 = vector.bitcast %get3A_165 : vector<16xi32> to vector<32xbf16>
        %mul3A_167 = arith.mulf %bitcast3A_160, %bitcast3A_166 : vector<32xbf16>
        %unpack3A_168 = tpu.unpack_subelements %mul3A_167, 0 {pack_format = #tpu.pack_format<interleaved>} : vector<32xbf16> -> vector<16xf32>
        %unpack3A_169 = tpu.unpack_subelements %mul3A_167, 1 {pack_format = #tpu.pack_format<interleaved>} : vector<32xbf16> -> vector<16xf32>
        %add3A_170 = arith.addf %add3A_153, %unpack3A_168 : vector<16xf32>
        %add3A_171 = arith.addf %add3A_154, %unpack3A_169 : vector<16xf32>
        %get3A_172 = arith.constant 0 : i32
        %get3A_173 = arith.index_cast %get3A_172 : i32 to index
        %get3A_174 = arith.index_cast %add3A_125 : i32 to index
        %get3A_175 = arith.constant 48 : index
        %get3A_176 = tpu.vector_load %arg8[%get3A_173, %get3A_174, %get3A_175] {strides = array<i32>} : memref<2x128x64xi32, #tpu.memory_space<vmem>>, vector<16xi32>,
        %bitcast3A_177 = vector.bitcast %get3A_176 : vector<16xi32> to vector<32xbf16>
        %get3A_178 = arith.constant 0 : i32
        %get3A_179 = arith.index_cast %get3A_178 : i32 to index
        %get3A_180 = arith.index_cast %add3A_125 : i32 to index
        %get3A_181 = arith.constant 48 : index
        %get3A_182 = tpu.vector_load %arg9[%get3A_179, %get3A_180, %get3A_181] {strides = array<i32>} : memref<2x128x64xi32, #tpu.memory_space<vmem>>, vector<16xi32>,
        %bitcast3A_183 = vector.bitcast %get3A_182 : vector<16xi32> to vector<32xbf16>
        %mul3A_184 = arith.mulf %bitcast3A_177, %bitcast3A_183 : vector<32xbf16>
        %unpack3A_185 = tpu.unpack_subelements %mul3A_184, 0 {pack_format = #tpu.pack_format<interleaved>} : vector<32xbf16> -> vector<16xf32>
        %unpack3A_186 = tpu.unpack_subelements %mul3A_184, 1 {pack_format = #tpu.pack_format<interleaved>} : vector<32xbf16> -> vector<16xf32>
        %add3A_187 = arith.addf %add3A_170, %unpack3A_185 : vector<16xf32>
        %add3A_188 = arith.addf %add3A_171, %unpack3A_186 : vector<16xf32>
        %add3A_189 = arith.addf %add3A_187, %add3A_188 : vector<16xf32>
        %add3A_190 = arith.constant 1 : i32
        %add3A_191 = arith.addi %mul3A_123, %add3A_190 : i32
        %get3A_192 = arith.constant 0 : i32
        %get3A_193 = arith.index_cast %get3A_192 : i32 to index
        %get3A_194 = arith.index_cast %add3A_191 : i32 to index
        %get3A_195 = arith.constant 0 : index
        %get3A_196 = tpu.vector_load %arg8[%get3A_193, %get3A_194, %get3A_195] {strides = array<i32>} : memref<2x128x64xi32, #tpu.memory_space<vmem>>, vector<16xi32>,
        %bitcast3A_197 = vector.bitcast %get3A_196 : vector<16xi32> to vector<32xbf16>
        %get3A_198 = arith.constant 0 : i32
        %get3A_199 = arith.index_cast %get3A_198 : i32 to index
        %get3A_200 = arith.index_cast %add3A_191 : i32 to index
        %get3A_201 = arith.constant 0 : index
        %get3A_202 = tpu.vector_load %arg9[%get3A_199, %get3A_200, %get3A_201] {strides = array<i32>} : memref<2x128x64xi32, #tpu.memory_space<vmem>>, vector<16xi32>,
        %bitcast3A_203 = vector.bitcast %get3A_202 : vector<16xi32> to vector<32xbf16>
        %mul3A_204 = arith.mulf %bitcast3A_197, %bitcast3A_203 : vector<32xbf16>
        %unpack3A_205 = tpu.unpack_subelements %mul3A_204, 0 {pack_format = #tpu.pack_format<interleaved>} : vector<32xbf16> -> vector<16xf32>
        %unpack3A_206 = tpu.unpack_subelements %mul3A_204, 1 {pack_format = #tpu.pack_format<interleaved>} : vector<32xbf16> -> vector<16xf32>
        %get3A_207 = arith.constant 0 : i32
        %get3A_208 = arith.index_cast %get3A_207 : i32 to index
        %get3A_209 = arith.index_cast %add3A_191 : i32 to index
        %get3A_210 = arith.constant 16 : index
        %get3A_211 = tpu.vector_load %arg8[%get3A_208, %get3A_209, %get3A_210] {strides = array<i32>} : memref<2x128x64xi32, #tpu.memory_space<vmem>>, vector<16xi32>,
        %bitcast3A_212 = vector.bitcast %get3A_211 : vector<16xi32> to vector<32xbf16>
        %get3A_213 = arith.constant 0 : i32
        %get3A_214 = arith.index_cast %get3A_213 : i32 to index
        %get3A_215 = arith.index_cast %add3A_191 : i32 to index
        %get3A_216 = arith.constant 16 : index
        %get3A_217 = tpu.vector_load %arg9[%get3A_214, %get3A_215, %get3A_216] {strides = array<i32>} : memref<2x128x64xi32, #tpu.memory_space<vmem>>, vector<16xi32>,
        %bitcast3A_218 = vector.bitcast %get3A_217 : vector<16xi32> to vector<32xbf16>
        %mul3A_219 = arith.mulf %bitcast3A_212, %bitcast3A_218 : vector<32xbf16>
        %unpack3A_220 = tpu.unpack_subelements %mul3A_219, 0 {pack_format = #tpu.pack_format<interleaved>} : vector<32xbf16> -> vector<16xf32>
        %unpack3A_221 = tpu.unpack_subelements %mul3A_219, 1 {pack_format = #tpu.pack_format<interleaved>} : vector<32xbf16> -> vector<16xf32>
        %add3A_222 = arith.addf %unpack3A_205, %unpack3A_220 : vector<16xf32>
        %add3A_223 = arith.addf %unpack3A_206, %unpack3A_221 : vector<16xf32>
        %get3A_224 = arith.constant 0 : i32
        %get3A_225 = arith.index_cast %get3A_224 : i32 to index
        %get3A_226 = arith.index_cast %add3A_191 : i32 to index
        %get3A_227 = arith.constant 32 : index
        %get3A_228 = tpu.vector_load %arg8[%get3A_225, %get3A_226, %get3A_227] {strides = array<i32>} : memref<2x128x64xi32, #tpu.memory_space<vmem>>, vector<16xi32>,
        %bitcast3A_229 = vector.bitcast %get3A_228 : vector<16xi32> to vector<32xbf16>
        %get3A_230 = arith.constant 0 : i32
        %get3A_231 = arith.index_cast %get3A_230 : i32 to index
        %get3A_232 = arith.index_cast %add3A_191 : i32 to index
        %get3A_233 = arith.constant 32 : index
        %get3A_234 = tpu.vector_load %arg9[%get3A_231, %get3A_232, %get3A_233] {strides = array<i32>} : memref<2x128x64xi32, #tpu.memory_space<vmem>>, vector<16xi32>,
        %bitcast3A_235 = vector.bitcast %get3A_234 : vector<16xi32> to vector<32xbf16>
        %mul3A_236 = arith.mulf %bitcast3A_229, %bitcast3A_235 : vector<32xbf16>
        %unpack3A_237 = tpu.unpack_subelements %mul3A_236, 0 {pack_format = #tpu.pack_format<interleaved>} : vector<32xbf16> -> vector<16xf32>
        %unpack3A_238 = tpu.unpack_subelements %mul3A_236, 1 {pack_format = #tpu.pack_format<interleaved>} : vector<32xbf16> -> vector<16xf32>
        %add3A_239 = arith.addf %add3A_222, %unpack3A_237 : vector<16xf32>
        %add3A_240 = arith.addf %add3A_223, %unpack3A_238 : vector<16xf32>
        %get3A_241 = arith.constant 0 : i32
        %get3A_242 = arith.index_cast %get3A_241 : i32 to index
        %get3A_243 = arith.index_cast %add3A_191 : i32 to index
        %get3A_244 = arith.constant 48 : index
        %get3A_245 = tpu.vector_load %arg8[%get3A_242, %get3A_243, %get3A_244] {strides = array<i32>} : memref<2x128x64xi32, #tpu.memory_space<vmem>>, vector<16xi32>,
        %bitcast3A_246 = vector.bitcast %get3A_245 : vector<16xi32> to vector<32xbf16>
        %get3A_247 = arith.constant 0 : i32
        %get3A_248 = arith.index_cast %get3A_247 : i32 to index
        %get3A_249 = arith.index_cast %add3A_191 : i32 to index
        %get3A_250 = arith.constant 48 : index
        %get3A_251 = tpu.vector_load %arg9[%get3A_248, %get3A_249, %get3A_250] {strides = array<i32>} : memref<2x128x64xi32, #tpu.memory_space<vmem>>, vector<16xi32>,
        %bitcast3A_252 = vector.bitcast %get3A_251 : vector<16xi32> to vector<32xbf16>
        %mul3A_253 = arith.mulf %bitcast3A_246, %bitcast3A_252 : vector<32xbf16>
        %unpack3A_254 = tpu.unpack_subelements %mul3A_253, 0 {pack_format = #tpu.pack_format<interleaved>} : vector<32xbf16> -> vector<16xf32>
        %unpack3A_255 = tpu.unpack_subelements %mul3A_253, 1 {pack_format = #tpu.pack_format<interleaved>} : vector<32xbf16> -> vector<16xf32>
        %add3A_256 = arith.addf %add3A_239, %unpack3A_254 : vector<16xf32>
        %add3A_257 = arith.addf %add3A_240, %unpack3A_255 : vector<16xf32>
        %add3A_258 = arith.addf %add3A_256, %add3A_257 : vector<16xf32>
        %add3A_259 = arith.constant 2 : i32
        %add3A_260 = arith.addi %mul3A_123, %add3A_259 : i32
        %get3A_261 = arith.constant 0 : i32
        %get3A_262 = arith.index_cast %get3A_261 : i32 to index
        %get3A_263 = arith.index_cast %add3A_260 : i32 to index
        %get3A_264 = arith.constant 0 : index
        %get3A_265 = tpu.vector_load %arg8[%get3A_262, %get3A_263, %get3A_264] {strides = array<i32>} : memref<2x128x64xi32, #tpu.memory_space<vmem>>, vector<16xi32>,
        %bitcast3A_266 = vector.bitcast %get3A_265 : vector<16xi32> to vector<32xbf16>
        %get3A_267 = arith.constant 0 : i32
        %get3A_268 = arith.index_cast %get3A_267 : i32 to index
        %get3A_269 = arith.index_cast %add3A_260 : i32 to index
        %get3A_270 = arith.constant 0 : index
        %get3A_271 = tpu.vector_load %arg9[%get3A_268, %get3A_269, %get3A_270] {strides = array<i32>} : memref<2x128x64xi32, #tpu.memory_space<vmem>>, vector<16xi32>,
        %bitcast3A_272 = vector.bitcast %get3A_271 : vector<16xi32> to vector<32xbf16>
        %mul3A_273 = arith.mulf %bitcast3A_266, %bitcast3A_272 : vector<32xbf16>
        %unpack3A_274 = tpu.unpack_subelements %mul3A_273, 0 {pack_format = #tpu.pack_format<interleaved>} : vector<32xbf16> -> vector<16xf32>
        %unpack3A_275 = tpu.unpack_subelements %mul3A_273, 1 {pack_format = #tpu.pack_format<interleaved>} : vector<32xbf16> -> vector<16xf32>
        %get3A_276 = arith.constant 0 : i32
        %get3A_277 = arith.index_cast %get3A_276 : i32 to index
        %get3A_278 = arith.index_cast %add3A_260 : i32 to index
        %get3A_279 = arith.constant 16 : index
        %get3A_280 = tpu.vector_load %arg8[%get3A_277, %get3A_278, %get3A_279] {strides = array<i32>} : memref<2x128x64xi32, #tpu.memory_space<vmem>>, vector<16xi32>,
        %bitcast3A_281 = vector.bitcast %get3A_280 : vector<16xi32> to vector<32xbf16>
        %get3A_282 = arith.constant 0 : i32
        %get3A_283 = arith.index_cast %get3A_282 : i32 to index
        %get3A_284 = arith.index_cast %add3A_260 : i32 to index
        %get3A_285 = arith.constant 16 : index
        %get3A_286 = tpu.vector_load %arg9[%get3A_283, %get3A_284, %get3A_285] {strides = array<i32>} : memref<2x128x64xi32, #tpu.memory_space<vmem>>, vector<16xi32>,
        %bitcast3A_287 = vector.bitcast %get3A_286 : vector<16xi32> to vector<32xbf16>
        %mul3A_288 = arith.mulf %bitcast3A_281, %bitcast3A_287 : vector<32xbf16>
        %unpack3A_289 = tpu.unpack_subelements %mul3A_288, 0 {pack_format = #tpu.pack_format<interleaved>} : vector<32xbf16> -> vector<16xf32>
        %unpack3A_290 = tpu.unpack_subelements %mul3A_288, 1 {pack_format = #tpu.pack_format<interleaved>} : vector<32xbf16> -> vector<16xf32>
        %add3A_291 = arith.addf %unpack3A_274, %unpack3A_289 : vector<16xf32>
        %add3A_292 = arith.addf %unpack3A_275, %unpack3A_290 : vector<16xf32>
        %get3A_293 = arith.constant 0 : i32
        %get3A_294 = arith.index_cast %get3A_293 : i32 to index
        %get3A_295 = arith.index_cast %add3A_260 : i32 to index
        %get3A_296 = arith.constant 32 : index
        %get3A_297 = tpu.vector_load %arg8[%get3A_294, %get3A_295, %get3A_296] {strides = array<i32>} : memref<2x128x64xi32, #tpu.memory_space<vmem>>, vector<16xi32>,
        %bitcast3A_298 = vector.bitcast %get3A_297 : vector<16xi32> to vector<32xbf16>
        %get3A_299 = arith.constant 0 : i32
        %get3A_300 = arith.index_cast %get3A_299 : i32 to index
        %get3A_301 = arith.index_cast %add3A_260 : i32 to index
        %get3A_302 = arith.constant 32 : index
        %get3A_303 = tpu.vector_load %arg9[%get3A_300, %get3A_301, %get3A_302] {strides = array<i32>} : memref<2x128x64xi32, #tpu.memory_space<vmem>>, vector<16xi32>,
        %bitcast3A_304 = vector.bitcast %get3A_303 : vector<16xi32> to vector<32xbf16>
        %mul3A_305 = arith.mulf %bitcast3A_298, %bitcast3A_304 : vector<32xbf16>
        %unpack3A_306 = tpu.unpack_subelements %mul3A_305, 0 {pack_format = #tpu.pack_format<interleaved>} : vector<32xbf16> -> vector<16xf32>
        %unpack3A_307 = tpu.unpack_subelements %mul3A_305, 1 {pack_format = #tpu.pack_format<interleaved>} : vector<32xbf16> -> vector<16xf32>
        %add3A_308 = arith.addf %add3A_291, %unpack3A_306 : vector<16xf32>
        %add3A_309 = arith.addf %add3A_292, %unpack3A_307 : vector<16xf32>
        %get3A_310 = arith.constant 0 : i32
        %get3A_311 = arith.index_cast %get3A_310 : i32 to index
        %get3A_312 = arith.index_cast %add3A_260 : i32 to index
        %get3A_313 = arith.constant 48 : index
        %get3A_314 = tpu.vector_load %arg8[%get3A_311, %get3A_312, %get3A_313] {strides = array<i32>} : memref<2x128x64xi32, #tpu.memory_space<vmem>>, vector<16xi32>,
        %bitcast3A_315 = vector.bitcast %get3A_314 : vector<16xi32> to vector<32xbf16>
        %get3A_316 = arith.constant 0 : i32
        %get3A_317 = arith.index_cast %get3A_316 : i32 to index
        %get3A_318 = arith.index_cast %add3A_260 : i32 to index
        %get3A_319 = arith.constant 48 : index
        %get3A_320 = tpu.vector_load %arg9[%get3A_317, %get3A_318, %get3A_319] {strides = array<i32>} : memref<2x128x64xi32, #tpu.memory_space<vmem>>, vector<16xi32>,
        %bitcast3A_321 = vector.bitcast %get3A_320 : vector<16xi32> to vector<32xbf16>
        %mul3A_322 = arith.mulf %bitcast3A_315, %bitcast3A_321 : vector<32xbf16>
        %unpack3A_323 = tpu.unpack_subelements %mul3A_322, 0 {pack_format = #tpu.pack_format<interleaved>} : vector<32xbf16> -> vector<16xf32>
        %unpack3A_324 = tpu.unpack_subelements %mul3A_322, 1 {pack_format = #tpu.pack_format<interleaved>} : vector<32xbf16> -> vector<16xf32>
        %add3A_325 = arith.addf %add3A_308, %unpack3A_323 : vector<16xf32>
        %add3A_326 = arith.addf %add3A_309, %unpack3A_324 : vector<16xf32>
        %add3A_327 = arith.addf %add3A_325, %add3A_326 : vector<16xf32>
        %add3A_328 = arith.constant 3 : i32
        %add3A_329 = arith.addi %mul3A_123, %add3A_328 : i32
        %get3A_330 = arith.constant 0 : i32
        %get3A_331 = arith.index_cast %get3A_330 : i32 to index
        %get3A_332 = arith.index_cast %add3A_329 : i32 to index
        %get3A_333 = arith.constant 0 : index
        %get3A_334 = tpu.vector_load %arg8[%get3A_331, %get3A_332, %get3A_333] {strides = array<i32>} : memref<2x128x64xi32, #tpu.memory_space<vmem>>, vector<16xi32>,
        %bitcast3A_335 = vector.bitcast %get3A_334 : vector<16xi32> to vector<32xbf16>
        %get3A_336 = arith.constant 0 : i32
        %get3A_337 = arith.index_cast %get3A_336 : i32 to index
        %get3A_338 = arith.index_cast %add3A_329 : i32 to index
        %get3A_339 = arith.constant 0 : index
        %get3A_340 = tpu.vector_load %arg9[%get3A_337, %get3A_338, %get3A_339] {strides = array<i32>} : memref<2x128x64xi32, #tpu.memory_space<vmem>>, vector<16xi32>,
        %bitcast3A_341 = vector.bitcast %get3A_340 : vector<16xi32> to vector<32xbf16>
        %mul3A_342 = arith.mulf %bitcast3A_335, %bitcast3A_341 : vector<32xbf16>
        %unpack3A_343 = tpu.unpack_subelements %mul3A_342, 0 {pack_format = #tpu.pack_format<interleaved>} : vector<32xbf16> -> vector<16xf32>
        %unpack3A_344 = tpu.unpack_subelements %mul3A_342, 1 {pack_format = #tpu.pack_format<interleaved>} : vector<32xbf16> -> vector<16xf32>
        %get3A_345 = arith.constant 0 : i32
        %get3A_346 = arith.index_cast %get3A_345 : i32 to index
        %get3A_347 = arith.index_cast %add3A_329 : i32 to index
        %get3A_348 = arith.constant 16 : index
        %get3A_349 = tpu.vector_load %arg8[%get3A_346, %get3A_347, %get3A_348] {strides = array<i32>} : memref<2x128x64xi32, #tpu.memory_space<vmem>>, vector<16xi32>,
        %bitcast3A_350 = vector.bitcast %get3A_349 : vector<16xi32> to vector<32xbf16>
        %get3A_351 = arith.constant 0 : i32
        %get3A_352 = arith.index_cast %get3A_351 : i32 to index
        %get3A_353 = arith.index_cast %add3A_329 : i32 to index
        %get3A_354 = arith.constant 16 : index
        %get3A_355 = tpu.vector_load %arg9[%get3A_352, %get3A_353, %get3A_354] {strides = array<i32>} : memref<2x128x64xi32, #tpu.memory_space<vmem>>, vector<16xi32>,
        %bitcast3A_356 = vector.bitcast %get3A_355 : vector<16xi32> to vector<32xbf16>
        %mul3A_357 = arith.mulf %bitcast3A_350, %bitcast3A_356 : vector<32xbf16>
        %unpack3A_358 = tpu.unpack_subelements %mul3A_357, 0 {pack_format = #tpu.pack_format<interleaved>} : vector<32xbf16> -> vector<16xf32>
        %unpack3A_359 = tpu.unpack_subelements %mul3A_357, 1 {pack_format = #tpu.pack_format<interleaved>} : vector<32xbf16> -> vector<16xf32>
        %add3A_360 = arith.addf %unpack3A_343, %unpack3A_358 : vector<16xf32>
        %add3A_361 = arith.addf %unpack3A_344, %unpack3A_359 : vector<16xf32>
        %get3A_362 = arith.constant 0 : i32
        %get3A_363 = arith.index_cast %get3A_362 : i32 to index
        %get3A_364 = arith.index_cast %add3A_329 : i32 to index
        %get3A_365 = arith.constant 32 : index
        %get3A_366 = tpu.vector_load %arg8[%get3A_363, %get3A_364, %get3A_365] {strides = array<i32>} : memref<2x128x64xi32, #tpu.memory_space<vmem>>, vector<16xi32>,
        %bitcast3A_367 = vector.bitcast %get3A_366 : vector<16xi32> to vector<32xbf16>
        %get3A_368 = arith.constant 0 : i32
        %get3A_369 = arith.index_cast %get3A_368 : i32 to index
        %get3A_370 = arith.index_cast %add3A_329 : i32 to index
        %get3A_371 = arith.constant 32 : index
        %get3A_372 = tpu.vector_load %arg9[%get3A_369, %get3A_370, %get3A_371] {strides = array<i32>} : memref<2x128x64xi32, #tpu.memory_space<vmem>>, vector<16xi32>,
        %bitcast3A_373 = vector.bitcast %get3A_372 : vector<16xi32> to vector<32xbf16>
        %mul3A_374 = arith.mulf %bitcast3A_367, %bitcast3A_373 : vector<32xbf16>
        %unpack3A_375 = tpu.unpack_subelements %mul3A_374, 0 {pack_format = #tpu.pack_format<interleaved>} : vector<32xbf16> -> vector<16xf32>
        %unpack3A_376 = tpu.unpack_subelements %mul3A_374, 1 {pack_format = #tpu.pack_format<interleaved>} : vector<32xbf16> -> vector<16xf32>
        %add3A_377 = arith.addf %add3A_360, %unpack3A_375 : vector<16xf32>
        %add3A_378 = arith.addf %add3A_361, %unpack3A_376 : vector<16xf32>
        %get3A_379 = arith.constant 0 : i32
        %get3A_380 = arith.index_cast %get3A_379 : i32 to index
        %get3A_381 = arith.index_cast %add3A_329 : i32 to index
        %get3A_382 = arith.constant 48 : index
        %get3A_383 = tpu.vector_load %arg8[%get3A_380, %get3A_381, %get3A_382] {strides = array<i32>} : memref<2x128x64xi32, #tpu.memory_space<vmem>>, vector<16xi32>,
        %bitcast3A_384 = vector.bitcast %get3A_383 : vector<16xi32> to vector<32xbf16>
        %get3A_385 = arith.constant 0 : i32
        %get3A_386 = arith.index_cast %get3A_385 : i32 to index
        %get3A_387 = arith.index_cast %add3A_329 : i32 to index
        %get3A_388 = arith.constant 48 : index
        %get3A_389 = tpu.vector_load %arg9[%get3A_386, %get3A_387, %get3A_388] {strides = array<i32>} : memref<2x128x64xi32, #tpu.memory_space<vmem>>, vector<16xi32>,
        %bitcast3A_390 = vector.bitcast %get3A_389 : vector<16xi32> to vector<32xbf16>
        %mul3A_391 = arith.mulf %bitcast3A_384, %bitcast3A_390 : vector<32xbf16>
        %unpack3A_392 = tpu.unpack_subelements %mul3A_391, 0 {pack_format = #tpu.pack_format<interleaved>} : vector<32xbf16> -> vector<16xf32>
        %unpack3A_393 = tpu.unpack_subelements %mul3A_391, 1 {pack_format = #tpu.pack_format<interleaved>} : vector<32xbf16> -> vector<16xf32>
        %add3A_394 = arith.addf %add3A_377, %unpack3A_392 : vector<16xf32>
        %add3A_395 = arith.addf %add3A_378, %unpack3A_393 : vector<16xf32>
        %add3A_396 = arith.addf %add3A_394, %add3A_395 : vector<16xf32>
        %add3A_397 = arith.constant 4 : i32
        %add3A_398 = arith.addi %mul3A_123, %add3A_397 : i32
        %get3A_399 = arith.constant 0 : i32
        %get3A_400 = arith.index_cast %get3A_399 : i32 to index
        %get3A_401 = arith.index_cast %add3A_398 : i32 to index
        %get3A_402 = arith.constant 0 : index
        %get3A_403 = tpu.vector_load %arg8[%get3A_400, %get3A_401, %get3A_402] {strides = array<i32>} : memref<2x128x64xi32, #tpu.memory_space<vmem>>, vector<16xi32>,
        %bitcast3A_404 = vector.bitcast %get3A_403 : vector<16xi32> to vector<32xbf16>
        %get3A_405 = arith.constant 0 : i32
        %get3A_406 = arith.index_cast %get3A_405 : i32 to index
        %get3A_407 = arith.index_cast %add3A_398 : i32 to index
        %get3A_408 = arith.constant 0 : index
        %get3A_409 = tpu.vector_load %arg9[%get3A_406, %get3A_407, %get3A_408] {strides = array<i32>} : memref<2x128x64xi32, #tpu.memory_space<vmem>>, vector<16xi32>,
        %bitcast3A_410 = vector.bitcast %get3A_409 : vector<16xi32> to vector<32xbf16>
        %mul3A_411 = arith.mulf %bitcast3A_404, %bitcast3A_410 : vector<32xbf16>
        %unpack3A_412 = tpu.unpack_subelements %mul3A_411, 0 {pack_format = #tpu.pack_format<interleaved>} : vector<32xbf16> -> vector<16xf32>
        %unpack3A_413 = tpu.unpack_subelements %mul3A_411, 1 {pack_format = #tpu.pack_format<interleaved>} : vector<32xbf16> -> vector<16xf32>
        %get3A_414 = arith.constant 0 : i32
        %get3A_415 = arith.index_cast %get3A_414 : i32 to index
        %get3A_416 = arith.index_cast %add3A_398 : i32 to index
        %get3A_417 = arith.constant 16 : index
        %get3A_418 = tpu.vector_load %arg8[%get3A_415, %get3A_416, %get3A_417] {strides = array<i32>} : memref<2x128x64xi32, #tpu.memory_space<vmem>>, vector<16xi32>,
        %bitcast3A_419 = vector.bitcast %get3A_418 : vector<16xi32> to vector<32xbf16>
        %get3A_420 = arith.constant 0 : i32
        %get3A_421 = arith.index_cast %get3A_420 : i32 to index
        %get3A_422 = arith.index_cast %add3A_398 : i32 to index
        %get3A_423 = arith.constant 16 : index
        %get3A_424 = tpu.vector_load %arg9[%get3A_421, %get3A_422, %get3A_423] {strides = array<i32>} : memref<2x128x64xi32, #tpu.memory_space<vmem>>, vector<16xi32>,
        %bitcast3A_425 = vector.bitcast %get3A_424 : vector<16xi32> to vector<32xbf16>
        %mul3A_426 = arith.mulf %bitcast3A_419, %bitcast3A_425 : vector<32xbf16>
        %unpack3A_427 = tpu.unpack_subelements %mul3A_426, 0 {pack_format = #tpu.pack_format<interleaved>} : vector<32xbf16> -> vector<16xf32>
        %unpack3A_428 = tpu.unpack_subelements %mul3A_426, 1 {pack_format = #tpu.pack_format<interleaved>} : vector<32xbf16> -> vector<16xf32>
        %add3A_429 = arith.addf %unpack3A_412, %unpack3A_427 : vector<16xf32>
        %add3A_430 = arith.addf %unpack3A_413, %unpack3A_428 : vector<16xf32>
        %get3A_431 = arith.constant 0 : i32
        %get3A_432 = arith.index_cast %get3A_431 : i32 to index
        %get3A_433 = arith.index_cast %add3A_398 : i32 to index
        %get3A_434 = arith.constant 32 : index
        %get3A_435 = tpu.vector_load %arg8[%get3A_432, %get3A_433, %get3A_434] {strides = array<i32>} : memref<2x128x64xi32, #tpu.memory_space<vmem>>, vector<16xi32>,
        %bitcast3A_436 = vector.bitcast %get3A_435 : vector<16xi32> to vector<32xbf16>
        %get3A_437 = arith.constant 0 : i32
        %get3A_438 = arith.index_cast %get3A_437 : i32 to index
        %get3A_439 = arith.index_cast %add3A_398 : i32 to index
        %get3A_440 = arith.constant 32 : index
        %get3A_441 = tpu.vector_load %arg9[%get3A_438, %get3A_439, %get3A_440] {strides = array<i32>} : memref<2x128x64xi32, #tpu.memory_space<vmem>>, vector<16xi32>,
        %bitcast3A_442 = vector.bitcast %get3A_441 : vector<16xi32> to vector<32xbf16>
        %mul3A_443 = arith.mulf %bitcast3A_436, %bitcast3A_442 : vector<32xbf16>
        %unpack3A_444 = tpu.unpack_subelements %mul3A_443, 0 {pack_format = #tpu.pack_format<interleaved>} : vector<32xbf16> -> vector<16xf32>
        %unpack3A_445 = tpu.unpack_subelements %mul3A_443, 1 {pack_format = #tpu.pack_format<interleaved>} : vector<32xbf16> -> vector<16xf32>
        %add3A_446 = arith.addf %add3A_429, %unpack3A_444 : vector<16xf32>
        %add3A_447 = arith.addf %add3A_430, %unpack3A_445 : vector<16xf32>
        %get3A_448 = arith.constant 0 : i32
        %get3A_449 = arith.index_cast %get3A_448 : i32 to index
        %get3A_450 = arith.index_cast %add3A_398 : i32 to index
        %get3A_451 = arith.constant 48 : index
        %get3A_452 = tpu.vector_load %arg8[%get3A_449, %get3A_450, %get3A_451] {strides = array<i32>} : memref<2x128x64xi32, #tpu.memory_space<vmem>>, vector<16xi32>,
        %bitcast3A_453 = vector.bitcast %get3A_452 : vector<16xi32> to vector<32xbf16>
        %get3A_454 = arith.constant 0 : i32
        %get3A_455 = arith.index_cast %get3A_454 : i32 to index
        %get3A_456 = arith.index_cast %add3A_398 : i32 to index
        %get3A_457 = arith.constant 48 : index
        %get3A_458 = tpu.vector_load %arg9[%get3A_455, %get3A_456, %get3A_457] {strides = array<i32>} : memref<2x128x64xi32, #tpu.memory_space<vmem>>, vector<16xi32>,
        %bitcast3A_459 = vector.bitcast %get3A_458 : vector<16xi32> to vector<32xbf16>
        %mul3A_460 = arith.mulf %bitcast3A_453, %bitcast3A_459 : vector<32xbf16>
        %unpack3A_461 = tpu.unpack_subelements %mul3A_460, 0 {pack_format = #tpu.pack_format<interleaved>} : vector<32xbf16> -> vector<16xf32>
        %unpack3A_462 = tpu.unpack_subelements %mul3A_460, 1 {pack_format = #tpu.pack_format<interleaved>} : vector<32xbf16> -> vector<16xf32>
        %add3A_463 = arith.addf %add3A_446, %unpack3A_461 : vector<16xf32>
        %add3A_464 = arith.addf %add3A_447, %unpack3A_462 : vector<16xf32>
        %add3A_465 = arith.addf %add3A_463, %add3A_464 : vector<16xf32>
        %add3A_466 = arith.constant 5 : i32
        %add3A_467 = arith.addi %mul3A_123, %add3A_466 : i32
        %get3A_468 = arith.constant 0 : i32
        %get3A_469 = arith.index_cast %get3A_468 : i32 to index
        %get3A_470 = arith.index_cast %add3A_467 : i32 to index
        %get3A_471 = arith.constant 0 : index
        %get3A_472 = tpu.vector_load %arg8[%get3A_469, %get3A_470, %get3A_471] {strides = array<i32>} : memref<2x128x64xi32, #tpu.memory_space<vmem>>, vector<16xi32>,
        %bitcast3A_473 = vector.bitcast %get3A_472 : vector<16xi32> to vector<32xbf16>
        %get3A_474 = arith.constant 0 : i32
        %get3A_475 = arith.index_cast %get3A_474 : i32 to index
        %get3A_476 = arith.index_cast %add3A_467 : i32 to index
        %get3A_477 = arith.constant 0 : index
        %get3A_478 = tpu.vector_load %arg9[%get3A_475, %get3A_476, %get3A_477] {strides = array<i32>} : memref<2x128x64xi32, #tpu.memory_space<vmem>>, vector<16xi32>,
        %bitcast3A_479 = vector.bitcast %get3A_478 : vector<16xi32> to vector<32xbf16>
        %mul3A_480 = arith.mulf %bitcast3A_473, %bitcast3A_479 : vector<32xbf16>
        %unpack3A_481 = tpu.unpack_subelements %mul3A_480, 0 {pack_format = #tpu.pack_format<interleaved>} : vector<32xbf16> -> vector<16xf32>
        %unpack3A_482 = tpu.unpack_subelements %mul3A_480, 1 {pack_format = #tpu.pack_format<interleaved>} : vector<32xbf16> -> vector<16xf32>
        %get3A_483 = arith.constant 0 : i32
        %get3A_484 = arith.index_cast %get3A_483 : i32 to index
        %get3A_485 = arith.index_cast %add3A_467 : i32 to index
        %get3A_486 = arith.constant 16 : index
        %get3A_487 = tpu.vector_load %arg8[%get3A_484, %get3A_485, %get3A_486] {strides = array<i32>} : memref<2x128x64xi32, #tpu.memory_space<vmem>>, vector<16xi32>,
        %bitcast3A_488 = vector.bitcast %get3A_487 : vector<16xi32> to vector<32xbf16>
        %get3A_489 = arith.constant 0 : i32
        %get3A_490 = arith.index_cast %get3A_489 : i32 to index
        %get3A_491 = arith.index_cast %add3A_467 : i32 to index
        %get3A_492 = arith.constant 16 : index
        %get3A_493 = tpu.vector_load %arg9[%get3A_490, %get3A_491, %get3A_492] {strides = array<i32>} : memref<2x128x64xi32, #tpu.memory_space<vmem>>, vector<16xi32>,
        %bitcast3A_494 = vector.bitcast %get3A_493 : vector<16xi32> to vector<32xbf16>
        %mul3A_495 = arith.mulf %bitcast3A_488, %bitcast3A_494 : vector<32xbf16>
        %unpack3A_496 = tpu.unpack_subelements %mul3A_495, 0 {pack_format = #tpu.pack_format<interleaved>} : vector<32xbf16> -> vector<16xf32>
        %unpack3A_497 = tpu.unpack_subelements %mul3A_495, 1 {pack_format = #tpu.pack_format<interleaved>} : vector<32xbf16> -> vector<16xf32>
        %add3A_498 = arith.addf %unpack3A_481, %unpack3A_496 : vector<16xf32>
        %add3A_499 = arith.addf %unpack3A_482, %unpack3A_497 : vector<16xf32>
        %get3A_500 = arith.constant 0 : i32
        %get3A_501 = arith.index_cast %get3A_500 : i32 to index
        %get3A_502 = arith.index_cast %add3A_467 : i32 to index
        %get3A_503 = arith.constant 32 : index
        %get3A_504 = tpu.vector_load %arg8[%get3A_501, %get3A_502, %get3A_503] {strides = array<i32>} : memref<2x128x64xi32, #tpu.memory_space<vmem>>, vector<16xi32>,
        %bitcast3A_505 = vector.bitcast %get3A_504 : vector<16xi32> to vector<32xbf16>
        %get3A_506 = arith.constant 0 : i32
        %get3A_507 = arith.index_cast %get3A_506 : i32 to index
        %get3A_508 = arith.index_cast %add3A_467 : i32 to index
        %get3A_509 = arith.constant 32 : index
        %get3A_510 = tpu.vector_load %arg9[%get3A_507, %get3A_508, %get3A_509] {strides = array<i32>} : memref<2x128x64xi32, #tpu.memory_space<vmem>>, vector<16xi32>,
        %bitcast3A_511 = vector.bitcast %get3A_510 : vector<16xi32> to vector<32xbf16>
        %mul3A_512 = arith.mulf %bitcast3A_505, %bitcast3A_511 : vector<32xbf16>
        %unpack3A_513 = tpu.unpack_subelements %mul3A_512, 0 {pack_format = #tpu.pack_format<interleaved>} : vector<32xbf16> -> vector<16xf32>
        %unpack3A_514 = tpu.unpack_subelements %mul3A_512, 1 {pack_format = #tpu.pack_format<interleaved>} : vector<32xbf16> -> vector<16xf32>
        %add3A_515 = arith.addf %add3A_498, %unpack3A_513 : vector<16xf32>
        %add3A_516 = arith.addf %add3A_499, %unpack3A_514 : vector<16xf32>
        %get3A_517 = arith.constant 0 : i32
        %get3A_518 = arith.index_cast %get3A_517 : i32 to index
        %get3A_519 = arith.index_cast %add3A_467 : i32 to index
        %get3A_520 = arith.constant 48 : index
        %get3A_521 = tpu.vector_load %arg8[%get3A_518, %get3A_519, %get3A_520] {strides = array<i32>} : memref<2x128x64xi32, #tpu.memory_space<vmem>>, vector<16xi32>,
        %bitcast3A_522 = vector.bitcast %get3A_521 : vector<16xi32> to vector<32xbf16>
        %get3A_523 = arith.constant 0 : i32
        %get3A_524 = arith.index_cast %get3A_523 : i32 to index
        %get3A_525 = arith.index_cast %add3A_467 : i32 to index
        %get3A_526 = arith.constant 48 : index
        %get3A_527 = tpu.vector_load %arg9[%get3A_524, %get3A_525, %get3A_526] {strides = array<i32>} : memref<2x128x64xi32, #tpu.memory_space<vmem>>, vector<16xi32>,
        %bitcast3A_528 = vector.bitcast %get3A_527 : vector<16xi32> to vector<32xbf16>
        %mul3A_529 = arith.mulf %bitcast3A_522, %bitcast3A_528 : vector<32xbf16>
        %unpack3A_530 = tpu.unpack_subelements %mul3A_529, 0 {pack_format = #tpu.pack_format<interleaved>} : vector<32xbf16> -> vector<16xf32>
        %unpack3A_531 = tpu.unpack_subelements %mul3A_529, 1 {pack_format = #tpu.pack_format<interleaved>} : vector<32xbf16> -> vector<16xf32>
        %add3A_532 = arith.addf %add3A_515, %unpack3A_530 : vector<16xf32>
        %add3A_533 = arith.addf %add3A_516, %unpack3A_531 : vector<16xf32>
        %add3A_534 = arith.addf %add3A_532, %add3A_533 : vector<16xf32>
        %add3A_535 = arith.constant 6 : i32
        %add3A_536 = arith.addi %mul3A_123, %add3A_535 : i32
        %get3A_537 = arith.constant 0 : i32
        %get3A_538 = arith.index_cast %get3A_537 : i32 to index
        %get3A_539 = arith.index_cast %add3A_536 : i32 to index
        %get3A_540 = arith.constant 0 : index
        %get3A_541 = tpu.vector_load %arg8[%get3A_538, %get3A_539, %get3A_540] {strides = array<i32>} : memref<2x128x64xi32, #tpu.memory_space<vmem>>, vector<16xi32>,
        %bitcast3A_542 = vector.bitcast %get3A_541 : vector<16xi32> to vector<32xbf16>
        %get3A_543 = arith.constant 0 : i32
        %get3A_544 = arith.index_cast %get3A_543 : i32 to index
        %get3A_545 = arith.index_cast %add3A_536 : i32 to index
        %get3A_546 = arith.constant 0 : index
        %get3A_547 = tpu.vector_load %arg9[%get3A_544, %get3A_545, %get3A_546] {strides = array<i32>} : memref<2x128x64xi32, #tpu.memory_space<vmem>>, vector<16xi32>,
        %bitcast3A_548 = vector.bitcast %get3A_547 : vector<16xi32> to vector<32xbf16>
        %mul3A_549 = arith.mulf %bitcast3A_542, %bitcast3A_548 : vector<32xbf16>
        %unpack3A_550 = tpu.unpack_subelements %mul3A_549, 0 {pack_format = #tpu.pack_format<interleaved>} : vector<32xbf16> -> vector<16xf32>
        %unpack3A_551 = tpu.unpack_subelements %mul3A_549, 1 {pack_format = #tpu.pack_format<interleaved>} : vector<32xbf16> -> vector<16xf32>
        %get3A_552 = arith.constant 0 : i32
        %get3A_553 = arith.index_cast %get3A_552 : i32 to index
        %get3A_554 = arith.index_cast %add3A_536 : i32 to index
        %get3A_555 = arith.constant 16 : index
        %get3A_556 = tpu.vector_load %arg8[%get3A_553, %get3A_554, %get3A_555] {strides = array<i32>} : memref<2x128x64xi32, #tpu.memory_space<vmem>>, vector<16xi32>,
        %bitcast3A_557 = vector.bitcast %get3A_556 : vector<16xi32> to vector<32xbf16>
        %get3A_558 = arith.constant 0 : i32
        %get3A_559 = arith.index_cast %get3A_558 : i32 to index
        %get3A_560 = arith.index_cast %add3A_536 : i32 to index
        %get3A_561 = arith.constant 16 : index
        %get3A_562 = tpu.vector_load %arg9[%get3A_559, %get3A_560, %get3A_561] {strides = array<i32>} : memref<2x128x64xi32, #tpu.memory_space<vmem>>, vector<16xi32>,
        %bitcast3A_563 = vector.bitcast %get3A_562 : vector<16xi32> to vector<32xbf16>
        %mul3A_564 = arith.mulf %bitcast3A_557, %bitcast3A_563 : vector<32xbf16>
        %unpack3A_565 = tpu.unpack_subelements %mul3A_564, 0 {pack_format = #tpu.pack_format<interleaved>} : vector<32xbf16> -> vector<16xf32>
        %unpack3A_566 = tpu.unpack_subelements %mul3A_564, 1 {pack_format = #tpu.pack_format<interleaved>} : vector<32xbf16> -> vector<16xf32>
        %add3A_567 = arith.addf %unpack3A_550, %unpack3A_565 : vector<16xf32>
        %add3A_568 = arith.addf %unpack3A_551, %unpack3A_566 : vector<16xf32>
        %get3A_569 = arith.constant 0 : i32
        %get3A_570 = arith.index_cast %get3A_569 : i32 to index
        %get3A_571 = arith.index_cast %add3A_536 : i32 to index
        %get3A_572 = arith.constant 32 : index
        %get3A_573 = tpu.vector_load %arg8[%get3A_570, %get3A_571, %get3A_572] {strides = array<i32>} : memref<2x128x64xi32, #tpu.memory_space<vmem>>, vector<16xi32>,
        %bitcast3A_574 = vector.bitcast %get3A_573 : vector<16xi32> to vector<32xbf16>
        %get3A_575 = arith.constant 0 : i32
        %get3A_576 = arith.index_cast %get3A_575 : i32 to index
        %get3A_577 = arith.index_cast %add3A_536 : i32 to index
        %get3A_578 = arith.constant 32 : index
        %get3A_579 = tpu.vector_load %arg9[%get3A_576, %get3A_577, %get3A_578] {strides = array<i32>} : memref<2x128x64xi32, #tpu.memory_space<vmem>>, vector<16xi32>,
        %bitcast3A_580 = vector.bitcast %get3A_579 : vector<16xi32> to vector<32xbf16>
        %mul3A_581 = arith.mulf %bitcast3A_574, %bitcast3A_580 : vector<32xbf16>
        %unpack3A_582 = tpu.unpack_subelements %mul3A_581, 0 {pack_format = #tpu.pack_format<interleaved>} : vector<32xbf16> -> vector<16xf32>
        %unpack3A_583 = tpu.unpack_subelements %mul3A_581, 1 {pack_format = #tpu.pack_format<interleaved>} : vector<32xbf16> -> vector<16xf32>
        %add3A_584 = arith.addf %add3A_567, %unpack3A_582 : vector<16xf32>
        %add3A_585 = arith.addf %add3A_568, %unpack3A_583 : vector<16xf32>
        %get3A_586 = arith.constant 0 : i32
        %get3A_587 = arith.index_cast %get3A_586 : i32 to index
        %get3A_588 = arith.index_cast %add3A_536 : i32 to index
        %get3A_589 = arith.constant 48 : index
        %get3A_590 = tpu.vector_load %arg8[%get3A_587, %get3A_588, %get3A_589] {strides = array<i32>} : memref<2x128x64xi32, #tpu.memory_space<vmem>>, vector<16xi32>,
        %bitcast3A_591 = vector.bitcast %get3A_590 : vector<16xi32> to vector<32xbf16>
        %get3A_592 = arith.constant 0 : i32
        %get3A_593 = arith.index_cast %get3A_592 : i32 to index
        %get3A_594 = arith.index_cast %add3A_536 : i32 to index
        %get3A_595 = arith.constant 48 : index
        %get3A_596 = tpu.vector_load %arg9[%get3A_593, %get3A_594, %get3A_595] {strides = array<i32>} : memref<2x128x64xi32, #tpu.memory_space<vmem>>, vector<16xi32>,
        %bitcast3A_597 = vector.bitcast %get3A_596 : vector<16xi32> to vector<32xbf16>
        %mul3A_598 = arith.mulf %bitcast3A_591, %bitcast3A_597 : vector<32xbf16>
        %unpack3A_599 = tpu.unpack_subelements %mul3A_598, 0 {pack_format = #tpu.pack_format<interleaved>} : vector<32xbf16> -> vector<16xf32>
        %unpack3A_600 = tpu.unpack_subelements %mul3A_598, 1 {pack_format = #tpu.pack_format<interleaved>} : vector<32xbf16> -> vector<16xf32>
        %add3A_601 = arith.addf %add3A_584, %unpack3A_599 : vector<16xf32>
        %add3A_602 = arith.addf %add3A_585, %unpack3A_600 : vector<16xf32>
        %add3A_603 = arith.addf %add3A_601, %add3A_602 : vector<16xf32>
        %add3A_604 = arith.constant 7 : i32
        %add3A_605 = arith.addi %mul3A_123, %add3A_604 : i32
        %get3A_606 = arith.constant 0 : i32
        %get3A_607 = arith.index_cast %get3A_606 : i32 to index
        %get3A_608 = arith.index_cast %add3A_605 : i32 to index
        %get3A_609 = arith.constant 0 : index
        %get3A_610 = tpu.vector_load %arg8[%get3A_607, %get3A_608, %get3A_609] {strides = array<i32>} : memref<2x128x64xi32, #tpu.memory_space<vmem>>, vector<16xi32>,
        %bitcast3A_611 = vector.bitcast %get3A_610 : vector<16xi32> to vector<32xbf16>
        %get3A_612 = arith.constant 0 : i32
        %get3A_613 = arith.index_cast %get3A_612 : i32 to index
        %get3A_614 = arith.index_cast %add3A_605 : i32 to index
        %get3A_615 = arith.constant 0 : index
        %get3A_616 = tpu.vector_load %arg9[%get3A_613, %get3A_614, %get3A_615] {strides = array<i32>} : memref<2x128x64xi32, #tpu.memory_space<vmem>>, vector<16xi32>,
        %bitcast3A_617 = vector.bitcast %get3A_616 : vector<16xi32> to vector<32xbf16>
        %mul3A_618 = arith.mulf %bitcast3A_611, %bitcast3A_617 : vector<32xbf16>
        %unpack3A_619 = tpu.unpack_subelements %mul3A_618, 0 {pack_format = #tpu.pack_format<interleaved>} : vector<32xbf16> -> vector<16xf32>
        %unpack3A_620 = tpu.unpack_subelements %mul3A_618, 1 {pack_format = #tpu.pack_format<interleaved>} : vector<32xbf16> -> vector<16xf32>
        %get3A_621 = arith.constant 0 : i32
        %get3A_622 = arith.index_cast %get3A_621 : i32 to index
        %get3A_623 = arith.index_cast %add3A_605 : i32 to index
        %get3A_624 = arith.constant 16 : index
        %get3A_625 = tpu.vector_load %arg8[%get3A_622, %get3A_623, %get3A_624] {strides = array<i32>} : memref<2x128x64xi32, #tpu.memory_space<vmem>>, vector<16xi32>,
        %bitcast3A_626 = vector.bitcast %get3A_625 : vector<16xi32> to vector<32xbf16>
        %get3A_627 = arith.constant 0 : i32
        %get3A_628 = arith.index_cast %get3A_627 : i32 to index
        %get3A_629 = arith.index_cast %add3A_605 : i32 to index
        %get3A_630 = arith.constant 16 : index
        %get3A_631 = tpu.vector_load %arg9[%get3A_628, %get3A_629, %get3A_630] {strides = array<i32>} : memref<2x128x64xi32, #tpu.memory_space<vmem>>, vector<16xi32>,
        %bitcast3A_632 = vector.bitcast %get3A_631 : vector<16xi32> to vector<32xbf16>
        %mul3A_633 = arith.mulf %bitcast3A_626, %bitcast3A_632 : vector<32xbf16>
        %unpack3A_634 = tpu.unpack_subelements %mul3A_633, 0 {pack_format = #tpu.pack_format<interleaved>} : vector<32xbf16> -> vector<16xf32>
        %unpack3A_635 = tpu.unpack_subelements %mul3A_633, 1 {pack_format = #tpu.pack_format<interleaved>} : vector<32xbf16> -> vector<16xf32>
        %add3A_636 = arith.addf %unpack3A_619, %unpack3A_634 : vector<16xf32>
        %add3A_637 = arith.addf %unpack3A_620, %unpack3A_635 : vector<16xf32>
        %get3A_638 = arith.constant 0 : i32
        %get3A_639 = arith.index_cast %get3A_638 : i32 to index
        %get3A_640 = arith.index_cast %add3A_605 : i32 to index
        %get3A_641 = arith.constant 32 : index
        %get3A_642 = tpu.vector_load %arg8[%get3A_639, %get3A_640, %get3A_641] {strides = array<i32>} : memref<2x128x64xi32, #tpu.memory_space<vmem>>, vector<16xi32>,
        %bitcast3A_643 = vector.bitcast %get3A_642 : vector<16xi32> to vector<32xbf16>
        %get3A_644 = arith.constant 0 : i32
        %get3A_645 = arith.index_cast %get3A_644 : i32 to index
        %get3A_646 = arith.index_cast %add3A_605 : i32 to index
        %get3A_647 = arith.constant 32 : index
        %get3A_648 = tpu.vector_load %arg9[%get3A_645, %get3A_646, %get3A_647] {strides = array<i32>} : memref<2x128x64xi32, #tpu.memory_space<vmem>>, vector<16xi32>,
        %bitcast3A_649 = vector.bitcast %get3A_648 : vector<16xi32> to vector<32xbf16>
        %mul3A_650 = arith.mulf %bitcast3A_643, %bitcast3A_649 : vector<32xbf16>
        %unpack3A_651 = tpu.unpack_subelements %mul3A_650, 0 {pack_format = #tpu.pack_format<interleaved>} : vector<32xbf16> -> vector<16xf32>
        %unpack3A_652 = tpu.unpack_subelements %mul3A_650, 1 {pack_format = #tpu.pack_format<interleaved>} : vector<32xbf16> -> vector<16xf32>
        %add3A_653 = arith.addf %add3A_636, %unpack3A_651 : vector<16xf32>
        %add3A_654 = arith.addf %add3A_637, %unpack3A_652 : vector<16xf32>
        %get3A_655 = arith.constant 0 : i32
        %get3A_656 = arith.index_cast %get3A_655 : i32 to index
        %get3A_657 = arith.index_cast %add3A_605 : i32 to index
        %get3A_658 = arith.constant 48 : index
        %get3A_659 = tpu.vector_load %arg8[%get3A_656, %get3A_657, %get3A_658] {strides = array<i32>} : memref<2x128x64xi32, #tpu.memory_space<vmem>>, vector<16xi32>,
        %bitcast3A_660 = vector.bitcast %get3A_659 : vector<16xi32> to vector<32xbf16>
        %get3A_661 = arith.constant 0 : i32
        %get3A_662 = arith.index_cast %get3A_661 : i32 to index
        %get3A_663 = arith.index_cast %add3A_605 : i32 to index
        %get3A_664 = arith.constant 48 : index
        %get3A_665 = tpu.vector_load %arg9[%get3A_662, %get3A_663, %get3A_664] {strides = array<i32>} : memref<2x128x64xi32, #tpu.memory_space<vmem>>, vector<16xi32>,
        %bitcast3A_666 = vector.bitcast %get3A_665 : vector<16xi32> to vector<32xbf16>
        %mul3A_667 = arith.mulf %bitcast3A_660, %bitcast3A_666 : vector<32xbf16>
        %unpack3A_668 = tpu.unpack_subelements %mul3A_667, 0 {pack_format = #tpu.pack_format<interleaved>} : vector<32xbf16> -> vector<16xf32>
        %unpack3A_669 = tpu.unpack_subelements %mul3A_667, 1 {pack_format = #tpu.pack_format<interleaved>} : vector<32xbf16> -> vector<16xf32>
        %add3A_670 = arith.addf %add3A_653, %unpack3A_668 : vector<16xf32>
        %add3A_671 = arith.addf %add3A_654, %unpack3A_669 : vector<16xf32>
        %add3A_672 = arith.addf %add3A_670, %add3A_671 : vector<16xf32>
        %add3A_673 = arith.constant 8 : i32
        %add3A_674 = arith.addi %mul3A_123, %add3A_673 : i32
        %get3A_675 = arith.constant 0 : i32
        %get3A_676 = arith.index_cast %get3A_675 : i32 to index
        %get3A_677 = arith.index_cast %add3A_674 : i32 to index
        %get3A_678 = arith.constant 0 : index
        %get3A_679 = tpu.vector_load %arg8[%get3A_676, %get3A_677, %get3A_678] {strides = array<i32>} : memref<2x128x64xi32, #tpu.memory_space<vmem>>, vector<16xi32>,
        %bitcast3A_680 = vector.bitcast %get3A_679 : vector<16xi32> to vector<32xbf16>
        %get3A_681 = arith.constant 0 : i32
        %get3A_682 = arith.index_cast %get3A_681 : i32 to index
        %get3A_683 = arith.index_cast %add3A_674 : i32 to index
        %get3A_684 = arith.constant 0 : index
        %get3A_685 = tpu.vector_load %arg9[%get3A_682, %get3A_683, %get3A_684] {strides = array<i32>} : memref<2x128x64xi32, #tpu.memory_space<vmem>>, vector<16xi32>,
        %bitcast3A_686 = vector.bitcast %get3A_685 : vector<16xi32> to vector<32xbf16>
        %mul3A_687 = arith.mulf %bitcast3A_680, %bitcast3A_686 : vector<32xbf16>
        %unpack3A_688 = tpu.unpack_subelements %mul3A_687, 0 {pack_format = #tpu.pack_format<interleaved>} : vector<32xbf16> -> vector<16xf32>
        %unpack3A_689 = tpu.unpack_subelements %mul3A_687, 1 {pack_format = #tpu.pack_format<interleaved>} : vector<32xbf16> -> vector<16xf32>
        %get3A_690 = arith.constant 0 : i32
        %get3A_691 = arith.index_cast %get3A_690 : i32 to index
        %get3A_692 = arith.index_cast %add3A_674 : i32 to index
        %get3A_693 = arith.constant 16 : index
        %get3A_694 = tpu.vector_load %arg8[%get3A_691, %get3A_692, %get3A_693] {strides = array<i32>} : memref<2x128x64xi32, #tpu.memory_space<vmem>>, vector<16xi32>,
        %bitcast3A_695 = vector.bitcast %get3A_694 : vector<16xi32> to vector<32xbf16>
        %get3A_696 = arith.constant 0 : i32
        %get3A_697 = arith.index_cast %get3A_696 : i32 to index
        %get3A_698 = arith.index_cast %add3A_674 : i32 to index
        %get3A_699 = arith.constant 16 : index
        %get3A_700 = tpu.vector_load %arg9[%get3A_697, %get3A_698, %get3A_699] {strides = array<i32>} : memref<2x128x64xi32, #tpu.memory_space<vmem>>, vector<16xi32>,
        %bitcast3A_701 = vector.bitcast %get3A_700 : vector<16xi32> to vector<32xbf16>
        %mul3A_702 = arith.mulf %bitcast3A_695, %bitcast3A_701 : vector<32xbf16>
        %unpack3A_703 = tpu.unpack_subelements %mul3A_702, 0 {pack_format = #tpu.pack_format<interleaved>} : vector<32xbf16> -> vector<16xf32>
        %unpack3A_704 = tpu.unpack_subelements %mul3A_702, 1 {pack_format = #tpu.pack_format<interleaved>} : vector<32xbf16> -> vector<16xf32>
        %add3A_705 = arith.addf %unpack3A_688, %unpack3A_703 : vector<16xf32>
        %add3A_706 = arith.addf %unpack3A_689, %unpack3A_704 : vector<16xf32>
        %get3A_707 = arith.constant 0 : i32
        %get3A_708 = arith.index_cast %get3A_707 : i32 to index
        %get3A_709 = arith.index_cast %add3A_674 : i32 to index
        %get3A_710 = arith.constant 32 : index
        %get3A_711 = tpu.vector_load %arg8[%get3A_708, %get3A_709, %get3A_710] {strides = array<i32>} : memref<2x128x64xi32, #tpu.memory_space<vmem>>, vector<16xi32>,
        %bitcast3A_712 = vector.bitcast %get3A_711 : vector<16xi32> to vector<32xbf16>
        %get3A_713 = arith.constant 0 : i32
        %get3A_714 = arith.index_cast %get3A_713 : i32 to index
        %get3A_715 = arith.index_cast %add3A_674 : i32 to index
        %get3A_716 = arith.constant 32 : index
        %get3A_717 = tpu.vector_load %arg9[%get3A_714, %get3A_715, %get3A_716] {strides = array<i32>} : memref<2x128x64xi32, #tpu.memory_space<vmem>>, vector<16xi32>,
        %bitcast3A_718 = vector.bitcast %get3A_717 : vector<16xi32> to vector<32xbf16>
        %mul3A_719 = arith.mulf %bitcast3A_712, %bitcast3A_718 : vector<32xbf16>
        %unpack3A_720 = tpu.unpack_subelements %mul3A_719, 0 {pack_format = #tpu.pack_format<interleaved>} : vector<32xbf16> -> vector<16xf32>
        %unpack3A_721 = tpu.unpack_subelements %mul3A_719, 1 {pack_format = #tpu.pack_format<interleaved>} : vector<32xbf16> -> vector<16xf32>
        %add3A_722 = arith.addf %add3A_705, %unpack3A_720 : vector<16xf32>
        %add3A_723 = arith.addf %add3A_706, %unpack3A_721 : vector<16xf32>
        %get3A_724 = arith.constant 0 : i32
        %get3A_725 = arith.index_cast %get3A_724 : i32 to index
        %get3A_726 = arith.index_cast %add3A_674 : i32 to index
        %get3A_727 = arith.constant 48 : index
        %get3A_728 = tpu.vector_load %arg8[%get3A_725, %get3A_726, %get3A_727] {strides = array<i32>} : memref<2x128x64xi32, #tpu.memory_space<vmem>>, vector<16xi32>,
        %bitcast3A_729 = vector.bitcast %get3A_728 : vector<16xi32> to vector<32xbf16>
        %get3A_730 = arith.constant 0 : i32
        %get3A_731 = arith.index_cast %get3A_730 : i32 to index
        %get3A_732 = arith.index_cast %add3A_674 : i32 to index
        %get3A_733 = arith.constant 48 : index
        %get3A_734 = tpu.vector_load %arg9[%get3A_731, %get3A_732, %get3A_733] {strides = array<i32>} : memref<2x128x64xi32, #tpu.memory_space<vmem>>, vector<16xi32>,
        %bitcast3A_735 = vector.bitcast %get3A_734 : vector<16xi32> to vector<32xbf16>
        %mul3A_736 = arith.mulf %bitcast3A_729, %bitcast3A_735 : vector<32xbf16>
        %unpack3A_737 = tpu.unpack_subelements %mul3A_736, 0 {pack_format = #tpu.pack_format<interleaved>} : vector<32xbf16> -> vector<16xf32>
        %unpack3A_738 = tpu.unpack_subelements %mul3A_736, 1 {pack_format = #tpu.pack_format<interleaved>} : vector<32xbf16> -> vector<16xf32>
        %add3A_739 = arith.addf %add3A_722, %unpack3A_737 : vector<16xf32>
        %add3A_740 = arith.addf %add3A_723, %unpack3A_738 : vector<16xf32>
        %add3A_741 = arith.addf %add3A_739, %add3A_740 : vector<16xf32>
        %add3A_742 = arith.constant 9 : i32
        %add3A_743 = arith.addi %mul3A_123, %add3A_742 : i32
        %get3A_744 = arith.constant 0 : i32
        %get3A_745 = arith.index_cast %get3A_744 : i32 to index
        %get3A_746 = arith.index_cast %add3A_743 : i32 to index
        %get3A_747 = arith.constant 0 : index
        %get3A_748 = tpu.vector_load %arg8[%get3A_745, %get3A_746, %get3A_747] {strides = array<i32>} : memref<2x128x64xi32, #tpu.memory_space<vmem>>, vector<16xi32>,
        %bitcast3A_749 = vector.bitcast %get3A_748 : vector<16xi32> to vector<32xbf16>
        %get3A_750 = arith.constant 0 : i32
        %get3A_751 = arith.index_cast %get3A_750 : i32 to index
        %get3A_752 = arith.index_cast %add3A_743 : i32 to index
        %get3A_753 = arith.constant 0 : index
        %get3A_754 = tpu.vector_load %arg9[%get3A_751, %get3A_752, %get3A_753] {strides = array<i32>} : memref<2x128x64xi32, #tpu.memory_space<vmem>>, vector<16xi32>,
        %bitcast3A_755 = vector.bitcast %get3A_754 : vector<16xi32> to vector<32xbf16>
        %mul3A_756 = arith.mulf %bitcast3A_749, %bitcast3A_755 : vector<32xbf16>
        %unpack3A_757 = tpu.unpack_subelements %mul3A_756, 0 {pack_format = #tpu.pack_format<interleaved>} : vector<32xbf16> -> vector<16xf32>
        %unpack3A_758 = tpu.unpack_subelements %mul3A_756, 1 {pack_format = #tpu.pack_format<interleaved>} : vector<32xbf16> -> vector<16xf32>
        %get3A_759 = arith.constant 0 : i32
        %get3A_760 = arith.index_cast %get3A_759 : i32 to index
        %get3A_761 = arith.index_cast %add3A_743 : i32 to index
        %get3A_762 = arith.constant 16 : index
        %get3A_763 = tpu.vector_load %arg8[%get3A_760, %get3A_761, %get3A_762] {strides = array<i32>} : memref<2x128x64xi32, #tpu.memory_space<vmem>>, vector<16xi32>,
        %bitcast3A_764 = vector.bitcast %get3A_763 : vector<16xi32> to vector<32xbf16>
        %get3A_765 = arith.constant 0 : i32
        %get3A_766 = arith.index_cast %get3A_765 : i32 to index
        %get3A_767 = arith.index_cast %add3A_743 : i32 to index
        %get3A_768 = arith.constant 16 : index
        %get3A_769 = tpu.vector_load %arg9[%get3A_766, %get3A_767, %get3A_768] {strides = array<i32>} : memref<2x128x64xi32, #tpu.memory_space<vmem>>, vector<16xi32>,
        %bitcast3A_770 = vector.bitcast %get3A_769 : vector<16xi32> to vector<32xbf16>
        %mul3A_771 = arith.mulf %bitcast3A_764, %bitcast3A_770 : vector<32xbf16>
        %unpack3A_772 = tpu.unpack_subelements %mul3A_771, 0 {pack_format = #tpu.pack_format<interleaved>} : vector<32xbf16> -> vector<16xf32>
        %unpack3A_773 = tpu.unpack_subelements %mul3A_771, 1 {pack_format = #tpu.pack_format<interleaved>} : vector<32xbf16> -> vector<16xf32>
        %add3A_774 = arith.addf %unpack3A_757, %unpack3A_772 : vector<16xf32>
        %add3A_775 = arith.addf %unpack3A_758, %unpack3A_773 : vector<16xf32>
        %get3A_776 = arith.constant 0 : i32
        %get3A_777 = arith.index_cast %get3A_776 : i32 to index
        %get3A_778 = arith.index_cast %add3A_743 : i32 to index
        %get3A_779 = arith.constant 32 : index
        %get3A_780 = tpu.vector_load %arg8[%get3A_777, %get3A_778, %get3A_779] {strides = array<i32>} : memref<2x128x64xi32, #tpu.memory_space<vmem>>, vector<16xi32>,
        %bitcast3A_781 = vector.bitcast %get3A_780 : vector<16xi32> to vector<32xbf16>
        %get3A_782 = arith.constant 0 : i32
        %get3A_783 = arith.index_cast %get3A_782 : i32 to index
        %get3A_784 = arith.index_cast %add3A_743 : i32 to index
        %get3A_785 = arith.constant 32 : index
        %get3A_786 = tpu.vector_load %arg9[%get3A_783, %get3A_784, %get3A_785] {strides = array<i32>} : memref<2x128x64xi32, #tpu.memory_space<vmem>>, vector<16xi32>,
        %bitcast3A_787 = vector.bitcast %get3A_786 : vector<16xi32> to vector<32xbf16>
        %mul3A_788 = arith.mulf %bitcast3A_781, %bitcast3A_787 : vector<32xbf16>
        %unpack3A_789 = tpu.unpack_subelements %mul3A_788, 0 {pack_format = #tpu.pack_format<interleaved>} : vector<32xbf16> -> vector<16xf32>
        %unpack3A_790 = tpu.unpack_subelements %mul3A_788, 1 {pack_format = #tpu.pack_format<interleaved>} : vector<32xbf16> -> vector<16xf32>
        %add3A_791 = arith.addf %add3A_774, %unpack3A_789 : vector<16xf32>
        %add3A_792 = arith.addf %add3A_775, %unpack3A_790 : vector<16xf32>
        %get3A_793 = arith.constant 0 : i32
        %get3A_794 = arith.index_cast %get3A_793 : i32 to index
        %get3A_795 = arith.index_cast %add3A_743 : i32 to index
        %get3A_796 = arith.constant 48 : index
        %get3A_797 = tpu.vector_load %arg8[%get3A_794, %get3A_795, %get3A_796] {strides = array<i32>} : memref<2x128x64xi32, #tpu.memory_space<vmem>>, vector<16xi32>,
        %bitcast3A_798 = vector.bitcast %get3A_797 : vector<16xi32> to vector<32xbf16>
        %get3A_799 = arith.constant 0 : i32
        %get3A_800 = arith.index_cast %get3A_799 : i32 to index
        %get3A_801 = arith.index_cast %add3A_743 : i32 to index
        %get3A_802 = arith.constant 48 : index
        %get3A_803 = tpu.vector_load %arg9[%get3A_800, %get3A_801, %get3A_802] {strides = array<i32>} : memref<2x128x64xi32, #tpu.memory_space<vmem>>, vector<16xi32>,
        %bitcast3A_804 = vector.bitcast %get3A_803 : vector<16xi32> to vector<32xbf16>
        %mul3A_805 = arith.mulf %bitcast3A_798, %bitcast3A_804 : vector<32xbf16>
        %unpack3A_806 = tpu.unpack_subelements %mul3A_805, 0 {pack_format = #tpu.pack_format<interleaved>} : vector<32xbf16> -> vector<16xf32>
        %unpack3A_807 = tpu.unpack_subelements %mul3A_805, 1 {pack_format = #tpu.pack_format<interleaved>} : vector<32xbf16> -> vector<16xf32>
        %add3A_808 = arith.addf %add3A_791, %unpack3A_806 : vector<16xf32>
        %add3A_809 = arith.addf %add3A_792, %unpack3A_807 : vector<16xf32>
        %add3A_810 = arith.addf %add3A_808, %add3A_809 : vector<16xf32>
        %add3A_811 = arith.constant 10 : i32
        %add3A_812 = arith.addi %mul3A_123, %add3A_811 : i32
        %get3A_813 = arith.constant 0 : i32
        %get3A_814 = arith.index_cast %get3A_813 : i32 to index
        %get3A_815 = arith.index_cast %add3A_812 : i32 to index
        %get3A_816 = arith.constant 0 : index
        %get3A_817 = tpu.vector_load %arg8[%get3A_814, %get3A_815, %get3A_816] {strides = array<i32>} : memref<2x128x64xi32, #tpu.memory_space<vmem>>, vector<16xi32>,
        %bitcast3A_818 = vector.bitcast %get3A_817 : vector<16xi32> to vector<32xbf16>
        %get3A_819 = arith.constant 0 : i32
        %get3A_820 = arith.index_cast %get3A_819 : i32 to index
        %get3A_821 = arith.index_cast %add3A_812 : i32 to index
        %get3A_822 = arith.constant 0 : index
        %get3A_823 = tpu.vector_load %arg9[%get3A_820, %get3A_821, %get3A_822] {strides = array<i32>} : memref<2x128x64xi32, #tpu.memory_space<vmem>>, vector<16xi32>,
        %bitcast3A_824 = vector.bitcast %get3A_823 : vector<16xi32> to vector<32xbf16>
        %mul3A_825 = arith.mulf %bitcast3A_818, %bitcast3A_824 : vector<32xbf16>
        %unpack3A_826 = tpu.unpack_subelements %mul3A_825, 0 {pack_format = #tpu.pack_format<interleaved>} : vector<32xbf16> -> vector<16xf32>
        %unpack3A_827 = tpu.unpack_subelements %mul3A_825, 1 {pack_format = #tpu.pack_format<interleaved>} : vector<32xbf16> -> vector<16xf32>
        %get3A_828 = arith.constant 0 : i32
        %get3A_829 = arith.index_cast %get3A_828 : i32 to index
        %get3A_830 = arith.index_cast %add3A_812 : i32 to index
        %get3A_831 = arith.constant 16 : index
        %get3A_832 = tpu.vector_load %arg8[%get3A_829, %get3A_830, %get3A_831] {strides = array<i32>} : memref<2x128x64xi32, #tpu.memory_space<vmem>>, vector<16xi32>,
        %bitcast3A_833 = vector.bitcast %get3A_832 : vector<16xi32> to vector<32xbf16>
        %get3A_834 = arith.constant 0 : i32
        %get3A_835 = arith.index_cast %get3A_834 : i32 to index
        %get3A_836 = arith.index_cast %add3A_812 : i32 to index
        %get3A_837 = arith.constant 16 : index
        %get3A_838 = tpu.vector_load %arg9[%get3A_835, %get3A_836, %get3A_837] {strides = array<i32>} : memref<2x128x64xi32, #tpu.memory_space<vmem>>, vector<16xi32>,
        %bitcast3A_839 = vector.bitcast %get3A_838 : vector<16xi32> to vector<32xbf16>
        %mul3A_840 = arith.mulf %bitcast3A_833, %bitcast3A_839 : vector<32xbf16>
        %unpack3A_841 = tpu.unpack_subelements %mul3A_840, 0 {pack_format = #tpu.pack_format<interleaved>} : vector<32xbf16> -> vector<16xf32>
        %unpack3A_842 = tpu.unpack_subelements %mul3A_840, 1 {pack_format = #tpu.pack_format<interleaved>} : vector<32xbf16> -> vector<16xf32>
        %add3A_843 = arith.addf %unpack3A_826, %unpack3A_841 : vector<16xf32>
        %add3A_844 = arith.addf %unpack3A_827, %unpack3A_842 : vector<16xf32>
        %get3A_845 = arith.constant 0 : i32
        %get3A_846 = arith.index_cast %get3A_845 : i32 to index
        %get3A_847 = arith.index_cast %add3A_812 : i32 to index
        %get3A_848 = arith.constant 32 : index
        %get3A_849 = tpu.vector_load %arg8[%get3A_846, %get3A_847, %get3A_848] {strides = array<i32>} : memref<2x128x64xi32, #tpu.memory_space<vmem>>, vector<16xi32>,
        %bitcast3A_850 = vector.bitcast %get3A_849 : vector<16xi32> to vector<32xbf16>
        %get3A_851 = arith.constant 0 : i32
        %get3A_852 = arith.index_cast %get3A_851 : i32 to index
        %get3A_853 = arith.index_cast %add3A_812 : i32 to index
        %get3A_854 = arith.constant 32 : index
        %get3A_855 = tpu.vector_load %arg9[%get3A_852, %get3A_853, %get3A_854] {strides = array<i32>} : memref<2x128x64xi32, #tpu.memory_space<vmem>>, vector<16xi32>,
        %bitcast3A_856 = vector.bitcast %get3A_855 : vector<16xi32> to vector<32xbf16>
        %mul3A_857 = arith.mulf %bitcast3A_850, %bitcast3A_856 : vector<32xbf16>
        %unpack3A_858 = tpu.unpack_subelements %mul3A_857, 0 {pack_format = #tpu.pack_format<interleaved>} : vector<32xbf16> -> vector<16xf32>
        %unpack3A_859 = tpu.unpack_subelements %mul3A_857, 1 {pack_format = #tpu.pack_format<interleaved>} : vector<32xbf16> -> vector<16xf32>
        %add3A_860 = arith.addf %add3A_843, %unpack3A_858 : vector<16xf32>
        %add3A_861 = arith.addf %add3A_844, %unpack3A_859 : vector<16xf32>
        %get3A_862 = arith.constant 0 : i32
        %get3A_863 = arith.index_cast %get3A_862 : i32 to index
        %get3A_864 = arith.index_cast %add3A_812 : i32 to index
        %get3A_865 = arith.constant 48 : index
        %get3A_866 = tpu.vector_load %arg8[%get3A_863, %get3A_864, %get3A_865] {strides = array<i32>} : memref<2x128x64xi32, #tpu.memory_space<vmem>>, vector<16xi32>,
        %bitcast3A_867 = vector.bitcast %get3A_866 : vector<16xi32> to vector<32xbf16>
        %get3A_868 = arith.constant 0 : i32
        %get3A_869 = arith.index_cast %get3A_868 : i32 to index
        %get3A_870 = arith.index_cast %add3A_812 : i32 to index
        %get3A_871 = arith.constant 48 : index
        %get3A_872 = tpu.vector_load %arg9[%get3A_869, %get3A_870, %get3A_871] {strides = array<i32>} : memref<2x128x64xi32, #tpu.memory_space<vmem>>, vector<16xi32>,
        %bitcast3A_873 = vector.bitcast %get3A_872 : vector<16xi32> to vector<32xbf16>
        %mul3A_874 = arith.mulf %bitcast3A_867, %bitcast3A_873 : vector<32xbf16>
        %unpack3A_875 = tpu.unpack_subelements %mul3A_874, 0 {pack_format = #tpu.pack_format<interleaved>} : vector<32xbf16> -> vector<16xf32>
        %unpack3A_876 = tpu.unpack_subelements %mul3A_874, 1 {pack_format = #tpu.pack_format<interleaved>} : vector<32xbf16> -> vector<16xf32>
        %add3A_877 = arith.addf %add3A_860, %unpack3A_875 : vector<16xf32>
        %add3A_878 = arith.addf %add3A_861, %unpack3A_876 : vector<16xf32>
        %add3A_879 = arith.addf %add3A_877, %add3A_878 : vector<16xf32>
        %add3A_880 = arith.constant 11 : i32
        %add3A_881 = arith.addi %mul3A_123, %add3A_880 : i32
        %get3A_882 = arith.constant 0 : i32
        %get3A_883 = arith.index_cast %get3A_882 : i32 to index
        %get3A_884 = arith.index_cast %add3A_881 : i32 to index
        %get3A_885 = arith.constant 0 : index
        %get3A_886 = tpu.vector_load %arg8[%get3A_883, %get3A_884, %get3A_885] {strides = array<i32>} : memref<2x128x64xi32, #tpu.memory_space<vmem>>, vector<16xi32>,
        %bitcast3A_887 = vector.bitcast %get3A_886 : vector<16xi32> to vector<32xbf16>
        %get3A_888 = arith.constant 0 : i32
        %get3A_889 = arith.index_cast %get3A_888 : i32 to index
        %get3A_890 = arith.index_cast %add3A_881 : i32 to index
        %get3A_891 = arith.constant 0 : index
        %get3A_892 = tpu.vector_load %arg9[%get3A_889, %get3A_890, %get3A_891] {strides = array<i32>} : memref<2x128x64xi32, #tpu.memory_space<vmem>>, vector<16xi32>,
        %bitcast3A_893 = vector.bitcast %get3A_892 : vector<16xi32> to vector<32xbf16>
        %mul3A_894 = arith.mulf %bitcast3A_887, %bitcast3A_893 : vector<32xbf16>
        %unpack3A_895 = tpu.unpack_subelements %mul3A_894, 0 {pack_format = #tpu.pack_format<interleaved>} : vector<32xbf16> -> vector<16xf32>
        %unpack3A_896 = tpu.unpack_subelements %mul3A_894, 1 {pack_format = #tpu.pack_format<interleaved>} : vector<32xbf16> -> vector<16xf32>
        %get3A_897 = arith.constant 0 : i32
        %get3A_898 = arith.index_cast %get3A_897 : i32 to index
        %get3A_899 = arith.index_cast %add3A_881 : i32 to index
        %get3A_900 = arith.constant 16 : index
        %get3A_901 = tpu.vector_load %arg8[%get3A_898, %get3A_899, %get3A_900] {strides = array<i32>} : memref<2x128x64xi32, #tpu.memory_space<vmem>>, vector<16xi32>,
        %bitcast3A_902 = vector.bitcast %get3A_901 : vector<16xi32> to vector<32xbf16>
        %get3A_903 = arith.constant 0 : i32
        %get3A_904 = arith.index_cast %get3A_903 : i32 to index
        %get3A_905 = arith.index_cast %add3A_881 : i32 to index
        %get3A_906 = arith.constant 16 : index
        %get3A_907 = tpu.vector_load %arg9[%get3A_904, %get3A_905, %get3A_906] {strides = array<i32>} : memref<2x128x64xi32, #tpu.memory_space<vmem>>, vector<16xi32>,
        %bitcast3A_908 = vector.bitcast %get3A_907 : vector<16xi32> to vector<32xbf16>
        %mul3A_909 = arith.mulf %bitcast3A_902, %bitcast3A_908 : vector<32xbf16>
        %unpack3A_910 = tpu.unpack_subelements %mul3A_909, 0 {pack_format = #tpu.pack_format<interleaved>} : vector<32xbf16> -> vector<16xf32>
        %unpack3A_911 = tpu.unpack_subelements %mul3A_909, 1 {pack_format = #tpu.pack_format<interleaved>} : vector<32xbf16> -> vector<16xf32>
        %add3A_912 = arith.addf %unpack3A_895, %unpack3A_910 : vector<16xf32>
        %add3A_913 = arith.addf %unpack3A_896, %unpack3A_911 : vector<16xf32>
        %get3A_914 = arith.constant 0 : i32
        %get3A_915 = arith.index_cast %get3A_914 : i32 to index
        %get3A_916 = arith.index_cast %add3A_881 : i32 to index
        %get3A_917 = arith.constant 32 : index
        %get3A_918 = tpu.vector_load %arg8[%get3A_915, %get3A_916, %get3A_917] {strides = array<i32>} : memref<2x128x64xi32, #tpu.memory_space<vmem>>, vector<16xi32>,
        %bitcast3A_919 = vector.bitcast %get3A_918 : vector<16xi32> to vector<32xbf16>
        %get3A_920 = arith.constant 0 : i32
        %get3A_921 = arith.index_cast %get3A_920 : i32 to index
        %get3A_922 = arith.index_cast %add3A_881 : i32 to index
        %get3A_923 = arith.constant 32 : index
        %get3A_924 = tpu.vector_load %arg9[%get3A_921, %get3A_922, %get3A_923] {strides = array<i32>} : memref<2x128x64xi32, #tpu.memory_space<vmem>>, vector<16xi32>,
        %bitcast3A_925 = vector.bitcast %get3A_924 : vector<16xi32> to vector<32xbf16>
        %mul3A_926 = arith.mulf %bitcast3A_919, %bitcast3A_925 : vector<32xbf16>
        %unpack3A_927 = tpu.unpack_subelements %mul3A_926, 0 {pack_format = #tpu.pack_format<interleaved>} : vector<32xbf16> -> vector<16xf32>
        %unpack3A_928 = tpu.unpack_subelements %mul3A_926, 1 {pack_format = #tpu.pack_format<interleaved>} : vector<32xbf16> -> vector<16xf32>
        %add3A_929 = arith.addf %add3A_912, %unpack3A_927 : vector<16xf32>
        %add3A_930 = arith.addf %add3A_913, %unpack3A_928 : vector<16xf32>
        %get3A_931 = arith.constant 0 : i32
        %get3A_932 = arith.index_cast %get3A_931 : i32 to index
        %get3A_933 = arith.index_cast %add3A_881 : i32 to index
        %get3A_934 = arith.constant 48 : index
        %get3A_935 = tpu.vector_load %arg8[%get3A_932, %get3A_933, %get3A_934] {strides = array<i32>} : memref<2x128x64xi32, #tpu.memory_space<vmem>>, vector<16xi32>,
        %bitcast3A_936 = vector.bitcast %get3A_935 : vector<16xi32> to vector<32xbf16>
        %get3A_937 = arith.constant 0 : i32
        %get3A_938 = arith.index_cast %get3A_937 : i32 to index
        %get3A_939 = arith.index_cast %add3A_881 : i32 to index
        %get3A_940 = arith.constant 48 : index
        %get3A_941 = tpu.vector_load %arg9[%get3A_938, %get3A_939, %get3A_940] {strides = array<i32>} : memref<2x128x64xi32, #tpu.memory_space<vmem>>, vector<16xi32>,
        %bitcast3A_942 = vector.bitcast %get3A_941 : vector<16xi32> to vector<32xbf16>
        %mul3A_943 = arith.mulf %bitcast3A_936, %bitcast3A_942 : vector<32xbf16>
        %unpack3A_944 = tpu.unpack_subelements %mul3A_943, 0 {pack_format = #tpu.pack_format<interleaved>} : vector<32xbf16> -> vector<16xf32>
        %unpack3A_945 = tpu.unpack_subelements %mul3A_943, 1 {pack_format = #tpu.pack_format<interleaved>} : vector<32xbf16> -> vector<16xf32>
        %add3A_946 = arith.addf %add3A_929, %unpack3A_944 : vector<16xf32>
        %add3A_947 = arith.addf %add3A_930, %unpack3A_945 : vector<16xf32>
        %add3A_948 = arith.addf %add3A_946, %add3A_947 : vector<16xf32>
        %add3A_949 = arith.constant 12 : i32
        %add3A_950 = arith.addi %mul3A_123, %add3A_949 : i32
        %get3A_951 = arith.constant 0 : i32
        %get3A_952 = arith.index_cast %get3A_951 : i32 to index
        %get3A_953 = arith.index_cast %add3A_950 : i32 to index
        %get3A_954 = arith.constant 0 : index
        %get3A_955 = tpu.vector_load %arg8[%get3A_952, %get3A_953, %get3A_954] {strides = array<i32>} : memref<2x128x64xi32, #tpu.memory_space<vmem>>, vector<16xi32>,
        %bitcast3A_956 = vector.bitcast %get3A_955 : vector<16xi32> to vector<32xbf16>
        %get3A_957 = arith.constant 0 : i32
        %get3A_958 = arith.index_cast %get3A_957 : i32 to index
        %get3A_959 = arith.index_cast %add3A_950 : i32 to index
        %get3A_960 = arith.constant 0 : index
        %get3A_961 = tpu.vector_load %arg9[%get3A_958, %get3A_959, %get3A_960] {strides = array<i32>} : memref<2x128x64xi32, #tpu.memory_space<vmem>>, vector<16xi32>,
        %bitcast3A_962 = vector.bitcast %get3A_961 : vector<16xi32> to vector<32xbf16>
        %mul3A_963 = arith.mulf %bitcast3A_956, %bitcast3A_962 : vector<32xbf16>
        %unpack3A_964 = tpu.unpack_subelements %mul3A_963, 0 {pack_format = #tpu.pack_format<interleaved>} : vector<32xbf16> -> vector<16xf32>
        %unpack3A_965 = tpu.unpack_subelements %mul3A_963, 1 {pack_format = #tpu.pack_format<interleaved>} : vector<32xbf16> -> vector<16xf32>
        %get3A_966 = arith.constant 0 : i32
        %get3A_967 = arith.index_cast %get3A_966 : i32 to index
        %get3A_968 = arith.index_cast %add3A_950 : i32 to index
        %get3A_969 = arith.constant 16 : index
        %get3A_970 = tpu.vector_load %arg8[%get3A_967, %get3A_968, %get3A_969] {strides = array<i32>} : memref<2x128x64xi32, #tpu.memory_space<vmem>>, vector<16xi32>,
        %bitcast3A_971 = vector.bitcast %get3A_970 : vector<16xi32> to vector<32xbf16>
        %get3A_972 = arith.constant 0 : i32
        %get3A_973 = arith.index_cast %get3A_972 : i32 to index
        %get3A_974 = arith.index_cast %add3A_950 : i32 to index
        %get3A_975 = arith.constant 16 : index
        %get3A_976 = tpu.vector_load %arg9[%get3A_973, %get3A_974, %get3A_975] {strides = array<i32>} : memref<2x128x64xi32, #tpu.memory_space<vmem>>, vector<16xi32>,
        %bitcast3A_977 = vector.bitcast %get3A_976 : vector<16xi32> to vector<32xbf16>
        %mul3A_978 = arith.mulf %bitcast3A_971, %bitcast3A_977 : vector<32xbf16>
        %unpack3A_979 = tpu.unpack_subelements %mul3A_978, 0 {pack_format = #tpu.pack_format<interleaved>} : vector<32xbf16> -> vector<16xf32>
        %unpack3A_980 = tpu.unpack_subelements %mul3A_978, 1 {pack_format = #tpu.pack_format<interleaved>} : vector<32xbf16> -> vector<16xf32>
        %add3A_981 = arith.addf %unpack3A_964, %unpack3A_979 : vector<16xf32>
        %add3A_982 = arith.addf %unpack3A_965, %unpack3A_980 : vector<16xf32>
        %get3A_983 = arith.constant 0 : i32
        %get3A_984 = arith.index_cast %get3A_983 : i32 to index
        %get3A_985 = arith.index_cast %add3A_950 : i32 to index
        %get3A_986 = arith.constant 32 : index
        %get3A_987 = tpu.vector_load %arg8[%get3A_984, %get3A_985, %get3A_986] {strides = array<i32>} : memref<2x128x64xi32, #tpu.memory_space<vmem>>, vector<16xi32>,
        %bitcast3A_988 = vector.bitcast %get3A_987 : vector<16xi32> to vector<32xbf16>
        %get3A_989 = arith.constant 0 : i32
        %get3A_990 = arith.index_cast %get3A_989 : i32 to index
        %get3A_991 = arith.index_cast %add3A_950 : i32 to index
        %get3A_992 = arith.constant 32 : index
        %get3A_993 = tpu.vector_load %arg9[%get3A_990, %get3A_991, %get3A_992] {strides = array<i32>} : memref<2x128x64xi32, #tpu.memory_space<vmem>>, vector<16xi32>,
        %bitcast3A_994 = vector.bitcast %get3A_993 : vector<16xi32> to vector<32xbf16>
        %mul3A_995 = arith.mulf %bitcast3A_988, %bitcast3A_994 : vector<32xbf16>
        %unpack3A_996 = tpu.unpack_subelements %mul3A_995, 0 {pack_format = #tpu.pack_format<interleaved>} : vector<32xbf16> -> vector<16xf32>
        %unpack3A_997 = tpu.unpack_subelements %mul3A_995, 1 {pack_format = #tpu.pack_format<interleaved>} : vector<32xbf16> -> vector<16xf32>
        %add3A_998 = arith.addf %add3A_981, %unpack3A_996 : vector<16xf32>
        %add3A_999 = arith.addf %add3A_982, %unpack3A_997 : vector<16xf32>
        %get3A_1000 = arith.constant 0 : i32
        %get3A_1001 = arith.index_cast %get3A_1000 : i32 to index
        %get3A_1002 = arith.index_cast %add3A_950 : i32 to index
        %get3A_1003 = arith.constant 48 : index
        %get3A_1004 = tpu.vector_load %arg8[%get3A_1001, %get3A_1002, %get3A_1003] {strides = array<i32>} : memref<2x128x64xi32, #tpu.memory_space<vmem>>, vector<16xi32>,
        %bitcast3A_1005 = vector.bitcast %get3A_1004 : vector<16xi32> to vector<32xbf16>
        %get3A_1006 = arith.constant 0 : i32
        %get3A_1007 = arith.index_cast %get3A_1006 : i32 to index
        %get3A_1008 = arith.index_cast %add3A_950 : i32 to index
        %get3A_1009 = arith.constant 48 : index
        %get3A_1010 = tpu.vector_load %arg9[%get3A_1007, %get3A_1008, %get3A_1009] {strides = array<i32>} : memref<2x128x64xi32, #tpu.memory_space<vmem>>, vector<16xi32>,
        %bitcast3A_1011 = vector.bitcast %get3A_1010 : vector<16xi32> to vector<32xbf16>
        %mul3A_1012 = arith.mulf %bitcast3A_1005, %bitcast3A_1011 : vector<32xbf16>
        %unpack3A_1013 = tpu.unpack_subelements %mul3A_1012, 0 {pack_format = #tpu.pack_format<interleaved>} : vector<32xbf16> -> vector<16xf32>
        %unpack3A_1014 = tpu.unpack_subelements %mul3A_1012, 1 {pack_format = #tpu.pack_format<interleaved>} : vector<32xbf16> -> vector<16xf32>
        %add3A_1015 = arith.addf %add3A_998, %unpack3A_1013 : vector<16xf32>
        %add3A_1016 = arith.addf %add3A_999, %unpack3A_1014 : vector<16xf32>
        %add3A_1017 = arith.addf %add3A_1015, %add3A_1016 : vector<16xf32>
        %add3A_1018 = arith.constant 13 : i32
        %add3A_1019 = arith.addi %mul3A_123, %add3A_1018 : i32
        %get3A_1020 = arith.constant 0 : i32
        %get3A_1021 = arith.index_cast %get3A_1020 : i32 to index
        %get3A_1022 = arith.index_cast %add3A_1019 : i32 to index
        %get3A_1023 = arith.constant 0 : index
        %get3A_1024 = tpu.vector_load %arg8[%get3A_1021, %get3A_1022, %get3A_1023] {strides = array<i32>} : memref<2x128x64xi32, #tpu.memory_space<vmem>>, vector<16xi32>,
        %bitcast3A_1025 = vector.bitcast %get3A_1024 : vector<16xi32> to vector<32xbf16>
        %get3A_1026 = arith.constant 0 : i32
        %get3A_1027 = arith.index_cast %get3A_1026 : i32 to index
        %get3A_1028 = arith.index_cast %add3A_1019 : i32 to index
        %get3A_1029 = arith.constant 0 : index
        %get3A_1030 = tpu.vector_load %arg9[%get3A_1027, %get3A_1028, %get3A_1029] {strides = array<i32>} : memref<2x128x64xi32, #tpu.memory_space<vmem>>, vector<16xi32>,
        %bitcast3A_1031 = vector.bitcast %get3A_1030 : vector<16xi32> to vector<32xbf16>
        %mul3A_1032 = arith.mulf %bitcast3A_1025, %bitcast3A_1031 : vector<32xbf16>
        %unpack3A_1033 = tpu.unpack_subelements %mul3A_1032, 0 {pack_format = #tpu.pack_format<interleaved>} : vector<32xbf16> -> vector<16xf32>
        %unpack3A_1034 = tpu.unpack_subelements %mul3A_1032, 1 {pack_format = #tpu.pack_format<interleaved>} : vector<32xbf16> -> vector<16xf32>
        %get3A_1035 = arith.constant 0 : i32
        %get3A_1036 = arith.index_cast %get3A_1035 : i32 to index
        %get3A_1037 = arith.index_cast %add3A_1019 : i32 to index
        %get3A_1038 = arith.constant 16 : index
        %get3A_1039 = tpu.vector_load %arg8[%get3A_1036, %get3A_1037, %get3A_1038] {strides = array<i32>} : memref<2x128x64xi32, #tpu.memory_space<vmem>>, vector<16xi32>,
        %bitcast3A_1040 = vector.bitcast %get3A_1039 : vector<16xi32> to vector<32xbf16>
        %get3A_1041 = arith.constant 0 : i32
        %get3A_1042 = arith.index_cast %get3A_1041 : i32 to index
        %get3A_1043 = arith.index_cast %add3A_1019 : i32 to index
        %get3A_1044 = arith.constant 16 : index
        %get3A_1045 = tpu.vector_load %arg9[%get3A_1042, %get3A_1043, %get3A_1044] {strides = array<i32>} : memref<2x128x64xi32, #tpu.memory_space<vmem>>, vector<16xi32>,
        %bitcast3A_1046 = vector.bitcast %get3A_1045 : vector<16xi32> to vector<32xbf16>
        %mul3A_1047 = arith.mulf %bitcast3A_1040, %bitcast3A_1046 : vector<32xbf16>
        %unpack3A_1048 = tpu.unpack_subelements %mul3A_1047, 0 {pack_format = #tpu.pack_format<interleaved>} : vector<32xbf16> -> vector<16xf32>
        %unpack3A_1049 = tpu.unpack_subelements %mul3A_1047, 1 {pack_format = #tpu.pack_format<interleaved>} : vector<32xbf16> -> vector<16xf32>
        %add3A_1050 = arith.addf %unpack3A_1033, %unpack3A_1048 : vector<16xf32>
        %add3A_1051 = arith.addf %unpack3A_1034, %unpack3A_1049 : vector<16xf32>
        %get3A_1052 = arith.constant 0 : i32
        %get3A_1053 = arith.index_cast %get3A_1052 : i32 to index
        %get3A_1054 = arith.index_cast %add3A_1019 : i32 to index
        %get3A_1055 = arith.constant 32 : index
        %get3A_1056 = tpu.vector_load %arg8[%get3A_1053, %get3A_1054, %get3A_1055] {strides = array<i32>} : memref<2x128x64xi32, #tpu.memory_space<vmem>>, vector<16xi32>,
        %bitcast3A_1057 = vector.bitcast %get3A_1056 : vector<16xi32> to vector<32xbf16>
        %get3A_1058 = arith.constant 0 : i32
        %get3A_1059 = arith.index_cast %get3A_1058 : i32 to index
        %get3A_1060 = arith.index_cast %add3A_1019 : i32 to index
        %get3A_1061 = arith.constant 32 : index
        %get3A_1062 = tpu.vector_load %arg9[%get3A_1059, %get3A_1060, %get3A_1061] {strides = array<i32>} : memref<2x128x64xi32, #tpu.memory_space<vmem>>, vector<16xi32>,
        %bitcast3A_1063 = vector.bitcast %get3A_1062 : vector<16xi32> to vector<32xbf16>
        %mul3A_1064 = arith.mulf %bitcast3A_1057, %bitcast3A_1063 : vector<32xbf16>
        %unpack3A_1065 = tpu.unpack_subelements %mul3A_1064, 0 {pack_format = #tpu.pack_format<interleaved>} : vector<32xbf16> -> vector<16xf32>
        %unpack3A_1066 = tpu.unpack_subelements %mul3A_1064, 1 {pack_format = #tpu.pack_format<interleaved>} : vector<32xbf16> -> vector<16xf32>
        %add3A_1067 = arith.addf %add3A_1050, %unpack3A_1065 : vector<16xf32>
        %add3A_1068 = arith.addf %add3A_1051, %unpack3A_1066 : vector<16xf32>
        %get3A_1069 = arith.constant 0 : i32
        %get3A_1070 = arith.index_cast %get3A_1069 : i32 to index
        %get3A_1071 = arith.index_cast %add3A_1019 : i32 to index
        %get3A_1072 = arith.constant 48 : index
        %get3A_1073 = tpu.vector_load %arg8[%get3A_1070, %get3A_1071, %get3A_1072] {strides = array<i32>} : memref<2x128x64xi32, #tpu.memory_space<vmem>>, vector<16xi32>,
        %bitcast3A_1074 = vector.bitcast %get3A_1073 : vector<16xi32> to vector<32xbf16>
        %get3A_1075 = arith.constant 0 : i32
        %get3A_1076 = arith.index_cast %get3A_1075 : i32 to index
        %get3A_1077 = arith.index_cast %add3A_1019 : i32 to index
        %get3A_1078 = arith.constant 48 : index
        %get3A_1079 = tpu.vector_load %arg9[%get3A_1076, %get3A_1077, %get3A_1078] {strides = array<i32>} : memref<2x128x64xi32, #tpu.memory_space<vmem>>, vector<16xi32>,
        %bitcast3A_1080 = vector.bitcast %get3A_1079 : vector<16xi32> to vector<32xbf16>
        %mul3A_1081 = arith.mulf %bitcast3A_1074, %bitcast3A_1080 : vector<32xbf16>
        %unpack3A_1082 = tpu.unpack_subelements %mul3A_1081, 0 {pack_format = #tpu.pack_format<interleaved>} : vector<32xbf16> -> vector<16xf32>
        %unpack3A_1083 = tpu.unpack_subelements %mul3A_1081, 1 {pack_format = #tpu.pack_format<interleaved>} : vector<32xbf16> -> vector<16xf32>
        %add3A_1084 = arith.addf %add3A_1067, %unpack3A_1082 : vector<16xf32>
        %add3A_1085 = arith.addf %add3A_1068, %unpack3A_1083 : vector<16xf32>
        %add3A_1086 = arith.addf %add3A_1084, %add3A_1085 : vector<16xf32>
        %add3A_1087 = arith.constant 14 : i32
        %add3A_1088 = arith.addi %mul3A_123, %add3A_1087 : i32
        %get3A_1089 = arith.constant 0 : i32
        %get3A_1090 = arith.index_cast %get3A_1089 : i32 to index
        %get3A_1091 = arith.index_cast %add3A_1088 : i32 to index
        %get3A_1092 = arith.constant 0 : index
        %get3A_1093 = tpu.vector_load %arg8[%get3A_1090, %get3A_1091, %get3A_1092] {strides = array<i32>} : memref<2x128x64xi32, #tpu.memory_space<vmem>>, vector<16xi32>,
        %bitcast3A_1094 = vector.bitcast %get3A_1093 : vector<16xi32> to vector<32xbf16>
        %get3A_1095 = arith.constant 0 : i32
        %get3A_1096 = arith.index_cast %get3A_1095 : i32 to index
        %get3A_1097 = arith.index_cast %add3A_1088 : i32 to index
        %get3A_1098 = arith.constant 0 : index
        %get3A_1099 = tpu.vector_load %arg9[%get3A_1096, %get3A_1097, %get3A_1098] {strides = array<i32>} : memref<2x128x64xi32, #tpu.memory_space<vmem>>, vector<16xi32>,
        %bitcast3A_1100 = vector.bitcast %get3A_1099 : vector<16xi32> to vector<32xbf16>
        %mul3A_1101 = arith.mulf %bitcast3A_1094, %bitcast3A_1100 : vector<32xbf16>
        %unpack3A_1102 = tpu.unpack_subelements %mul3A_1101, 0 {pack_format = #tpu.pack_format<interleaved>} : vector<32xbf16> -> vector<16xf32>
        %unpack3A_1103 = tpu.unpack_subelements %mul3A_1101, 1 {pack_format = #tpu.pack_format<interleaved>} : vector<32xbf16> -> vector<16xf32>
        %get3A_1104 = arith.constant 0 : i32
        %get3A_1105 = arith.index_cast %get3A_1104 : i32 to index
        %get3A_1106 = arith.index_cast %add3A_1088 : i32 to index
        %get3A_1107 = arith.constant 16 : index
        %get3A_1108 = tpu.vector_load %arg8[%get3A_1105, %get3A_1106, %get3A_1107] {strides = array<i32>} : memref<2x128x64xi32, #tpu.memory_space<vmem>>, vector<16xi32>,
        %bitcast3A_1109 = vector.bitcast %get3A_1108 : vector<16xi32> to vector<32xbf16>
        %get3A_1110 = arith.constant 0 : i32
        %get3A_1111 = arith.index_cast %get3A_1110 : i32 to index
        %get3A_1112 = arith.index_cast %add3A_1088 : i32 to index
        %get3A_1113 = arith.constant 16 : index
        %get3A_1114 = tpu.vector_load %arg9[%get3A_1111, %get3A_1112, %get3A_1113] {strides = array<i32>} : memref<2x128x64xi32, #tpu.memory_space<vmem>>, vector<16xi32>,
        %bitcast3A_1115 = vector.bitcast %get3A_1114 : vector<16xi32> to vector<32xbf16>
        %mul3A_1116 = arith.mulf %bitcast3A_1109, %bitcast3A_1115 : vector<32xbf16>
        %unpack3A_1117 = tpu.unpack_subelements %mul3A_1116, 0 {pack_format = #tpu.pack_format<interleaved>} : vector<32xbf16> -> vector<16xf32>
        %unpack3A_1118 = tpu.unpack_subelements %mul3A_1116, 1 {pack_format = #tpu.pack_format<interleaved>} : vector<32xbf16> -> vector<16xf32>
        %add3A_1119 = arith.addf %unpack3A_1102, %unpack3A_1117 : vector<16xf32>
        %add3A_1120 = arith.addf %unpack3A_1103, %unpack3A_1118 : vector<16xf32>
        %get3A_1121 = arith.constant 0 : i32
        %get3A_1122 = arith.index_cast %get3A_1121 : i32 to index
        %get3A_1123 = arith.index_cast %add3A_1088 : i32 to index
        %get3A_1124 = arith.constant 32 : index
        %get3A_1125 = tpu.vector_load %arg8[%get3A_1122, %get3A_1123, %get3A_1124] {strides = array<i32>} : memref<2x128x64xi32, #tpu.memory_space<vmem>>, vector<16xi32>,
        %bitcast3A_1126 = vector.bitcast %get3A_1125 : vector<16xi32> to vector<32xbf16>
        %get3A_1127 = arith.constant 0 : i32
        %get3A_1128 = arith.index_cast %get3A_1127 : i32 to index
        %get3A_1129 = arith.index_cast %add3A_1088 : i32 to index
        %get3A_1130 = arith.constant 32 : index
        %get3A_1131 = tpu.vector_load %arg9[%get3A_1128, %get3A_1129, %get3A_1130] {strides = array<i32>} : memref<2x128x64xi32, #tpu.memory_space<vmem>>, vector<16xi32>,
        %bitcast3A_1132 = vector.bitcast %get3A_1131 : vector<16xi32> to vector<32xbf16>
        %mul3A_1133 = arith.mulf %bitcast3A_1126, %bitcast3A_1132 : vector<32xbf16>
        %unpack3A_1134 = tpu.unpack_subelements %mul3A_1133, 0 {pack_format = #tpu.pack_format<interleaved>} : vector<32xbf16> -> vector<16xf32>
        %unpack3A_1135 = tpu.unpack_subelements %mul3A_1133, 1 {pack_format = #tpu.pack_format<interleaved>} : vector<32xbf16> -> vector<16xf32>
        %add3A_1136 = arith.addf %add3A_1119, %unpack3A_1134 : vector<16xf32>
        %add3A_1137 = arith.addf %add3A_1120, %unpack3A_1135 : vector<16xf32>
        %get3A_1138 = arith.constant 0 : i32
        %get3A_1139 = arith.index_cast %get3A_1138 : i32 to index
        %get3A_1140 = arith.index_cast %add3A_1088 : i32 to index
        %get3A_1141 = arith.constant 48 : index
        %get3A_1142 = tpu.vector_load %arg8[%get3A_1139, %get3A_1140, %get3A_1141] {strides = array<i32>} : memref<2x128x64xi32, #tpu.memory_space<vmem>>, vector<16xi32>,
        %bitcast3A_1143 = vector.bitcast %get3A_1142 : vector<16xi32> to vector<32xbf16>
        %get3A_1144 = arith.constant 0 : i32
        %get3A_1145 = arith.index_cast %get3A_1144 : i32 to index
        %get3A_1146 = arith.index_cast %add3A_1088 : i32 to index
        %get3A_1147 = arith.constant 48 : index
        %get3A_1148 = tpu.vector_load %arg9[%get3A_1145, %get3A_1146, %get3A_1147] {strides = array<i32>} : memref<2x128x64xi32, #tpu.memory_space<vmem>>, vector<16xi32>,
        %bitcast3A_1149 = vector.bitcast %get3A_1148 : vector<16xi32> to vector<32xbf16>
        %mul3A_1150 = arith.mulf %bitcast3A_1143, %bitcast3A_1149 : vector<32xbf16>
        %unpack3A_1151 = tpu.unpack_subelements %mul3A_1150, 0 {pack_format = #tpu.pack_format<interleaved>} : vector<32xbf16> -> vector<16xf32>
        %unpack3A_1152 = tpu.unpack_subelements %mul3A_1150, 1 {pack_format = #tpu.pack_format<interleaved>} : vector<32xbf16> -> vector<16xf32>
        %add3A_1153 = arith.addf %add3A_1136, %unpack3A_1151 : vector<16xf32>
        %add3A_1154 = arith.addf %add3A_1137, %unpack3A_1152 : vector<16xf32>
        %add3A_1155 = arith.addf %add3A_1153, %add3A_1154 : vector<16xf32>
        %add3A_1156 = arith.constant 15 : i32
        %add3A_1157 = arith.addi %mul3A_123, %add3A_1156 : i32
        %get3A_1158 = arith.constant 0 : i32
        %get3A_1159 = arith.index_cast %get3A_1158 : i32 to index
        %get3A_1160 = arith.index_cast %add3A_1157 : i32 to index
        %get3A_1161 = arith.constant 0 : index
        %get3A_1162 = tpu.vector_load %arg8[%get3A_1159, %get3A_1160, %get3A_1161] {strides = array<i32>} : memref<2x128x64xi32, #tpu.memory_space<vmem>>, vector<16xi32>,
        %bitcast3A_1163 = vector.bitcast %get3A_1162 : vector<16xi32> to vector<32xbf16>
        %get3A_1164 = arith.constant 0 : i32
        %get3A_1165 = arith.index_cast %get3A_1164 : i32 to index
        %get3A_1166 = arith.index_cast %add3A_1157 : i32 to index
        %get3A_1167 = arith.constant 0 : index
        %get3A_1168 = tpu.vector_load %arg9[%get3A_1165, %get3A_1166, %get3A_1167] {strides = array<i32>} : memref<2x128x64xi32, #tpu.memory_space<vmem>>, vector<16xi32>,
        %bitcast3A_1169 = vector.bitcast %get3A_1168 : vector<16xi32> to vector<32xbf16>
        %mul3A_1170 = arith.mulf %bitcast3A_1163, %bitcast3A_1169 : vector<32xbf16>
        %unpack3A_1171 = tpu.unpack_subelements %mul3A_1170, 0 {pack_format = #tpu.pack_format<interleaved>} : vector<32xbf16> -> vector<16xf32>
        %unpack3A_1172 = tpu.unpack_subelements %mul3A_1170, 1 {pack_format = #tpu.pack_format<interleaved>} : vector<32xbf16> -> vector<16xf32>
        %get3A_1173 = arith.constant 0 : i32
        %get3A_1174 = arith.index_cast %get3A_1173 : i32 to index
        %get3A_1175 = arith.index_cast %add3A_1157 : i32 to index
        %get3A_1176 = arith.constant 16 : index
        %get3A_1177 = tpu.vector_load %arg8[%get3A_1174, %get3A_1175, %get3A_1176] {strides = array<i32>} : memref<2x128x64xi32, #tpu.memory_space<vmem>>, vector<16xi32>,
        %bitcast3A_1178 = vector.bitcast %get3A_1177 : vector<16xi32> to vector<32xbf16>
        %get3A_1179 = arith.constant 0 : i32
        %get3A_1180 = arith.index_cast %get3A_1179 : i32 to index
        %get3A_1181 = arith.index_cast %add3A_1157 : i32 to index
        %get3A_1182 = arith.constant 16 : index
        %get3A_1183 = tpu.vector_load %arg9[%get3A_1180, %get3A_1181, %get3A_1182] {strides = array<i32>} : memref<2x128x64xi32, #tpu.memory_space<vmem>>, vector<16xi32>,
        %bitcast3A_1184 = vector.bitcast %get3A_1183 : vector<16xi32> to vector<32xbf16>
        %mul3A_1185 = arith.mulf %bitcast3A_1178, %bitcast3A_1184 : vector<32xbf16>
        %unpack3A_1186 = tpu.unpack_subelements %mul3A_1185, 0 {pack_format = #tpu.pack_format<interleaved>} : vector<32xbf16> -> vector<16xf32>
        %unpack3A_1187 = tpu.unpack_subelements %mul3A_1185, 1 {pack_format = #tpu.pack_format<interleaved>} : vector<32xbf16> -> vector<16xf32>
        %add3A_1188 = arith.addf %unpack3A_1171, %unpack3A_1186 : vector<16xf32>
        %add3A_1189 = arith.addf %unpack3A_1172, %unpack3A_1187 : vector<16xf32>
        %get3A_1190 = arith.constant 0 : i32
        %get3A_1191 = arith.index_cast %get3A_1190 : i32 to index
        %get3A_1192 = arith.index_cast %add3A_1157 : i32 to index
        %get3A_1193 = arith.constant 32 : index
        %get3A_1194 = tpu.vector_load %arg8[%get3A_1191, %get3A_1192, %get3A_1193] {strides = array<i32>} : memref<2x128x64xi32, #tpu.memory_space<vmem>>, vector<16xi32>,
        %bitcast3A_1195 = vector.bitcast %get3A_1194 : vector<16xi32> to vector<32xbf16>
        %get3A_1196 = arith.constant 0 : i32
        %get3A_1197 = arith.index_cast %get3A_1196 : i32 to index
        %get3A_1198 = arith.index_cast %add3A_1157 : i32 to index
        %get3A_1199 = arith.constant 32 : index
        %get3A_1200 = tpu.vector_load %arg9[%get3A_1197, %get3A_1198, %get3A_1199] {strides = array<i32>} : memref<2x128x64xi32, #tpu.memory_space<vmem>>, vector<16xi32>,
        %bitcast3A_1201 = vector.bitcast %get3A_1200 : vector<16xi32> to vector<32xbf16>
        %mul3A_1202 = arith.mulf %bitcast3A_1195, %bitcast3A_1201 : vector<32xbf16>
        %unpack3A_1203 = tpu.unpack_subelements %mul3A_1202, 0 {pack_format = #tpu.pack_format<interleaved>} : vector<32xbf16> -> vector<16xf32>
        %unpack3A_1204 = tpu.unpack_subelements %mul3A_1202, 1 {pack_format = #tpu.pack_format<interleaved>} : vector<32xbf16> -> vector<16xf32>
        %add3A_1205 = arith.addf %add3A_1188, %unpack3A_1203 : vector<16xf32>
        %add3A_1206 = arith.addf %add3A_1189, %unpack3A_1204 : vector<16xf32>
        %get3A_1207 = arith.constant 0 : i32
        %get3A_1208 = arith.index_cast %get3A_1207 : i32 to index
        %get3A_1209 = arith.index_cast %add3A_1157 : i32 to index
        %get3A_1210 = arith.constant 48 : index
        %get3A_1211 = tpu.vector_load %arg8[%get3A_1208, %get3A_1209, %get3A_1210] {strides = array<i32>} : memref<2x128x64xi32, #tpu.memory_space<vmem>>, vector<16xi32>,
        %bitcast3A_1212 = vector.bitcast %get3A_1211 : vector<16xi32> to vector<32xbf16>
        %get3A_1213 = arith.constant 0 : i32
        %get3A_1214 = arith.index_cast %get3A_1213 : i32 to index
        %get3A_1215 = arith.index_cast %add3A_1157 : i32 to index
        %get3A_1216 = arith.constant 48 : index
        %get3A_1217 = tpu.vector_load %arg9[%get3A_1214, %get3A_1215, %get3A_1216] {strides = array<i32>} : memref<2x128x64xi32, #tpu.memory_space<vmem>>, vector<16xi32>,
        %bitcast3A_1218 = vector.bitcast %get3A_1217 : vector<16xi32> to vector<32xbf16>
        %mul3A_1219 = arith.mulf %bitcast3A_1212, %bitcast3A_1218 : vector<32xbf16>
        %unpack3A_1220 = tpu.unpack_subelements %mul3A_1219, 0 {pack_format = #tpu.pack_format<interleaved>} : vector<32xbf16> -> vector<16xf32>
        %unpack3A_1221 = tpu.unpack_subelements %mul3A_1219, 1 {pack_format = #tpu.pack_format<interleaved>} : vector<32xbf16> -> vector<16xf32>
        %add3A_1222 = arith.addf %add3A_1205, %unpack3A_1220 : vector<16xf32>
        %add3A_1223 = arith.addf %add3A_1206, %unpack3A_1221 : vector<16xf32>
        %add3A_1224 = arith.addf %add3A_1222, %add3A_1223 : vector<16xf32>
        %swap3A = arith.constant 0 : i32
        %swap3A_1225 = arith.index_cast %swap3A : i32 to index
        %swap3A_1226 = arith.constant 0 : index
        %swap3A_1227 = tpu.vector_load %arg11[%swap3A_1225, %swap3A_1226] {strides = array<i32>} : memref<16x17xf32, #tpu.memory_space<vmem>>, vector<16xf32>,
        tpu.vector_store %arg11[%swap3A_1225, %swap3A_1226], %add3A_189 {strides = array<i32>} : memref<16x17xf32, #tpu.memory_space<vmem>>, vector<16xf32>,
        %swap3A_1228 = arith.constant 1 : i32
        %swap3A_1229 = arith.index_cast %swap3A_1228 : i32 to index
        %swap3A_1230 = arith.constant 0 : index
        %swap3A_1231 = tpu.vector_load %arg11[%swap3A_1229, %swap3A_1230] {strides = array<i32>} : memref<16x17xf32, #tpu.memory_space<vmem>>, vector<16xf32>,
        tpu.vector_store %arg11[%swap3A_1229, %swap3A_1230], %add3A_258 {strides = array<i32>} : memref<16x17xf32, #tpu.memory_space<vmem>>, vector<16xf32>,
        %swap3A_1232 = arith.constant 2 : i32
        %swap3A_1233 = arith.index_cast %swap3A_1232 : i32 to index
        %swap3A_1234 = arith.constant 0 : index
        %swap3A_1235 = tpu.vector_load %arg11[%swap3A_1233, %swap3A_1234] {strides = array<i32>} : memref<16x17xf32, #tpu.memory_space<vmem>>, vector<16xf32>,
        tpu.vector_store %arg11[%swap3A_1233, %swap3A_1234], %add3A_327 {strides = array<i32>} : memref<16x17xf32, #tpu.memory_space<vmem>>, vector<16xf32>,
        %swap3A_1236 = arith.constant 3 : i32
        %swap3A_1237 = arith.index_cast %swap3A_1236 : i32 to index
        %swap3A_1238 = arith.constant 0 : index
        %swap3A_1239 = tpu.vector_load %arg11[%swap3A_1237, %swap3A_1238] {strides = array<i32>} : memref<16x17xf32, #tpu.memory_space<vmem>>, vector<16xf32>,
        tpu.vector_store %arg11[%swap3A_1237, %swap3A_1238], %add3A_396 {strides = array<i32>} : memref<16x17xf32, #tpu.memory_space<vmem>>, vector<16xf32>,
        %swap3A_1240 = arith.constant 4 : i32
        %swap3A_1241 = arith.index_cast %swap3A_1240 : i32 to index
        %swap3A_1242 = arith.constant 0 : index
        %swap3A_1243 = tpu.vector_load %arg11[%swap3A_1241, %swap3A_1242] {strides = array<i32>} : memref<16x17xf32, #tpu.memory_space<vmem>>, vector<16xf32>,
        tpu.vector_store %arg11[%swap3A_1241, %swap3A_1242], %add3A_465 {strides = array<i32>} : memref<16x17xf32, #tpu.memory_space<vmem>>, vector<16xf32>,
        %swap3A_1244 = arith.constant 5 : i32
        %swap3A_1245 = arith.index_cast %swap3A_1244 : i32 to index
        %swap3A_1246 = arith.constant 0 : index
        %swap3A_1247 = tpu.vector_load %arg11[%swap3A_1245, %swap3A_1246] {strides = array<i32>} : memref<16x17xf32, #tpu.memory_space<vmem>>, vector<16xf32>,
        tpu.vector_store %arg11[%swap3A_1245, %swap3A_1246], %add3A_534 {strides = array<i32>} : memref<16x17xf32, #tpu.memory_space<vmem>>, vector<16xf32>,
        %swap3A_1248 = arith.constant 6 : i32
        %swap3A_1249 = arith.index_cast %swap3A_1248 : i32 to index
        %swap3A_1250 = arith.constant 0 : index
        %swap3A_1251 = tpu.vector_load %arg11[%swap3A_1249, %swap3A_1250] {strides = array<i32>} : memref<16x17xf32, #tpu.memory_space<vmem>>, vector<16xf32>,
        tpu.vector_store %arg11[%swap3A_1249, %swap3A_1250], %add3A_603 {strides = array<i32>} : memref<16x17xf32, #tpu.memory_space<vmem>>, vector<16xf32>,
        %swap3A_1252 = arith.constant 7 : i32
        %swap3A_1253 = arith.index_cast %swap3A_1252 : i32 to index
        %swap3A_1254 = arith.constant 0 : index
        %swap3A_1255 = tpu.vector_load %arg11[%swap3A_1253, %swap3A_1254] {strides = array<i32>} : memref<16x17xf32, #tpu.memory_space<vmem>>, vector<16xf32>,
        tpu.vector_store %arg11[%swap3A_1253, %swap3A_1254], %add3A_672 {strides = array<i32>} : memref<16x17xf32, #tpu.memory_space<vmem>>, vector<16xf32>,
        %swap3A_1256 = arith.constant 8 : i32
        %swap3A_1257 = arith.index_cast %swap3A_1256 : i32 to index
        %swap3A_1258 = arith.constant 0 : index
        %swap3A_1259 = tpu.vector_load %arg11[%swap3A_1257, %swap3A_1258] {strides = array<i32>} : memref<16x17xf32, #tpu.memory_space<vmem>>, vector<16xf32>,
        tpu.vector_store %arg11[%swap3A_1257, %swap3A_1258], %add3A_741 {strides = array<i32>} : memref<16x17xf32, #tpu.memory_space<vmem>>, vector<16xf32>,
        %swap3A_1260 = arith.constant 9 : i32
        %swap3A_1261 = arith.index_cast %swap3A_1260 : i32 to index
        %swap3A_1262 = arith.constant 0 : index
        %swap3A_1263 = tpu.vector_load %arg11[%swap3A_1261, %swap3A_1262] {strides = array<i32>} : memref<16x17xf32, #tpu.memory_space<vmem>>, vector<16xf32>,
        tpu.vector_store %arg11[%swap3A_1261, %swap3A_1262], %add3A_810 {strides = array<i32>} : memref<16x17xf32, #tpu.memory_space<vmem>>, vector<16xf32>,
        %swap3A_1264 = arith.constant 10 : i32
        %swap3A_1265 = arith.index_cast %swap3A_1264 : i32 to index
        %swap3A_1266 = arith.constant 0 : index
        %swap3A_1267 = tpu.vector_load %arg11[%swap3A_1265, %swap3A_1266] {strides = array<i32>} : memref<16x17xf32, #tpu.memory_space<vmem>>, vector<16xf32>,
        tpu.vector_store %arg11[%swap3A_1265, %swap3A_1266], %add3A_879 {strides = array<i32>} : memref<16x17xf32, #tpu.memory_space<vmem>>, vector<16xf32>,
        %swap3A_1268 = arith.constant 11 : i32
        %swap3A_1269 = arith.index_cast %swap3A_1268 : i32 to index
        %swap3A_1270 = arith.constant 0 : index
        %swap3A_1271 = tpu.vector_load %arg11[%swap3A_1269, %swap3A_1270] {strides = array<i32>} : memref<16x17xf32, #tpu.memory_space<vmem>>, vector<16xf32>,
        tpu.vector_store %arg11[%swap3A_1269, %swap3A_1270], %add3A_948 {strides = array<i32>} : memref<16x17xf32, #tpu.memory_space<vmem>>, vector<16xf32>,
        %swap3A_1272 = arith.constant 12 : i32
        %swap3A_1273 = arith.index_cast %swap3A_1272 : i32 to index
        %swap3A_1274 = arith.constant 0 : index
        %swap3A_1275 = tpu.vector_load %arg11[%swap3A_1273, %swap3A_1274] {strides = array<i32>} : memref<16x17xf32, #tpu.memory_space<vmem>>, vector<16xf32>,
        tpu.vector_store %arg11[%swap3A_1273, %swap3A_1274], %add3A_1017 {strides = array<i32>} : memref<16x17xf32, #tpu.memory_space<vmem>>, vector<16xf32>,
        %swap3A_1276 = arith.constant 13 : i32
        %swap3A_1277 = arith.index_cast %swap3A_1276 : i32 to index
        %swap3A_1278 = arith.constant 0 : index
        %swap3A_1279 = tpu.vector_load %arg11[%swap3A_1277, %swap3A_1278] {strides = array<i32>} : memref<16x17xf32, #tpu.memory_space<vmem>>, vector<16xf32>,
        tpu.vector_store %arg11[%swap3A_1277, %swap3A_1278], %add3A_1086 {strides = array<i32>} : memref<16x17xf32, #tpu.memory_space<vmem>>, vector<16xf32>,
        %swap3A_1280 = arith.constant 14 : i32
        %swap3A_1281 = arith.index_cast %swap3A_1280 : i32 to index
        %swap3A_1282 = arith.constant 0 : index
        %swap3A_1283 = tpu.vector_load %arg11[%swap3A_1281, %swap3A_1282] {strides = array<i32>} : memref<16x17xf32, #tpu.memory_space<vmem>>, vector<16xf32>,
        tpu.vector_store %arg11[%swap3A_1281, %swap3A_1282], %add3A_1155 {strides = array<i32>} : memref<16x17xf32, #tpu.memory_space<vmem>>, vector<16xf32>,
        %swap3A_1284 = arith.constant 15 : i32
        %swap3A_1285 = arith.index_cast %swap3A_1284 : i32 to index
        %swap3A_1286 = arith.constant 0 : index
        %swap3A_1287 = tpu.vector_load %arg11[%swap3A_1285, %swap3A_1286] {strides = array<i32>} : memref<16x17xf32, #tpu.memory_space<vmem>>, vector<16xf32>,
        tpu.vector_store %arg11[%swap3A_1285, %swap3A_1286], %add3A_1224 {strides = array<i32>} : memref<16x17xf32, #tpu.memory_space<vmem>>, vector<16xf32>,
        %broadcast_in_dim3A = arith.constant 0 : i32
        %broadcast_in_dim3A_1288 = vector.broadcast %broadcast_in_dim3A : i32 to vector<16xi32>
        %gather3A = tpu.vector_load_idx %arg11[%iota3A, %broadcast_in_dim3A_1288] : memref<16x17xf32, #tpu.memory_space<vmem>>[vector<16xi32>, vector<16xi32>], vector<16xf32>,
        %broadcast_in_dim3A_1289 = arith.constant 1 : i32
        %broadcast_in_dim3A_1290 = vector.broadcast %broadcast_in_dim3A_1289 : i32 to vector<16xi32>
        %gather3A_1291 = tpu.vector_load_idx %arg11[%iota3A, %broadcast_in_dim3A_1290] : memref<16x17xf32, #tpu.memory_space<vmem>>[vector<16xi32>, vector<16xi32>], vector<16xf32>,
        %broadcast_in_dim3A_1292 = arith.constant 2 : i32
        %broadcast_in_dim3A_1293 = vector.broadcast %broadcast_in_dim3A_1292 : i32 to vector<16xi32>
        %gather3A_1294 = tpu.vector_load_idx %arg11[%iota3A, %broadcast_in_dim3A_1293] : memref<16x17xf32, #tpu.memory_space<vmem>>[vector<16xi32>, vector<16xi32>], vector<16xf32>,
        %add3A_1295 = arith.addf %gather3A, %gather3A_1294 : vector<16xf32>
        %broadcast_in_dim3A_1296 = arith.constant 3 : i32
        %broadcast_in_dim3A_1297 = vector.broadcast %broadcast_in_dim3A_1296 : i32 to vector<16xi32>
        %gather3A_1298 = tpu.vector_load_idx %arg11[%iota3A, %broadcast_in_dim3A_1297] : memref<16x17xf32, #tpu.memory_space<vmem>>[vector<16xi32>, vector<16xi32>], vector<16xf32>,
        %add3A_1299 = arith.addf %gather3A_1291, %gather3A_1298 : vector<16xf32>
        %broadcast_in_dim3A_1300 = arith.constant 4 : i32
        %broadcast_in_dim3A_1301 = vector.broadcast %broadcast_in_dim3A_1300 : i32 to vector<16xi32>
        %gather3A_1302 = tpu.vector_load_idx %arg11[%iota3A, %broadcast_in_dim3A_1301] : memref<16x17xf32, #tpu.memory_space<vmem>>[vector<16xi32>, vector<16xi32>], vector<16xf32>,
        %add3A_1303 = arith.addf %add3A_1295, %gather3A_1302 : vector<16xf32>
        %broadcast_in_dim3A_1304 = arith.constant 5 : i32
        %broadcast_in_dim3A_1305 = vector.broadcast %broadcast_in_dim3A_1304 : i32 to vector<16xi32>
        %gather3A_1306 = tpu.vector_load_idx %arg11[%iota3A, %broadcast_in_dim3A_1305] : memref<16x17xf32, #tpu.memory_space<vmem>>[vector<16xi32>, vector<16xi32>], vector<16xf32>,
        %add3A_1307 = arith.addf %add3A_1299, %gather3A_1306 : vector<16xf32>
        %broadcast_in_dim3A_1308 = arith.constant 6 : i32
        %broadcast_in_dim3A_1309 = vector.broadcast %broadcast_in_dim3A_1308 : i32 to vector<16xi32>
        %gather3A_1310 = tpu.vector_load_idx %arg11[%iota3A, %broadcast_in_dim3A_1309] : memref<16x17xf32, #tpu.memory_space<vmem>>[vector<16xi32>, vector<16xi32>], vector<16xf32>,
        %add3A_1311 = arith.addf %add3A_1303, %gather3A_1310 : vector<16xf32>
        %broadcast_in_dim3A_1312 = arith.constant 7 : i32
        %broadcast_in_dim3A_1313 = vector.broadcast %broadcast_in_dim3A_1312 : i32 to vector<16xi32>
        %gather3A_1314 = tpu.vector_load_idx %arg11[%iota3A, %broadcast_in_dim3A_1313] : memref<16x17xf32, #tpu.memory_space<vmem>>[vector<16xi32>, vector<16xi32>], vector<16xf32>,
        %add3A_1315 = arith.addf %add3A_1307, %gather3A_1314 : vector<16xf32>
        %broadcast_in_dim3A_1316 = arith.constant 8 : i32
        %broadcast_in_dim3A_1317 = vector.broadcast %broadcast_in_dim3A_1316 : i32 to vector<16xi32>
        %gather3A_1318 = tpu.vector_load_idx %arg11[%iota3A, %broadcast_in_dim3A_1317] : memref<16x17xf32, #tpu.memory_space<vmem>>[vector<16xi32>, vector<16xi32>], vector<16xf32>,
        %add3A_1319 = arith.addf %add3A_1311, %gather3A_1318 : vector<16xf32>
        %broadcast_in_dim3A_1320 = arith.constant 9 : i32
        %broadcast_in_dim3A_1321 = vector.broadcast %broadcast_in_dim3A_1320 : i32 to vector<16xi32>
        %gather3A_1322 = tpu.vector_load_idx %arg11[%iota3A, %broadcast_in_dim3A_1321] : memref<16x17xf32, #tpu.memory_space<vmem>>[vector<16xi32>, vector<16xi32>], vector<16xf32>,
        %add3A_1323 = arith.addf %add3A_1315, %gather3A_1322 : vector<16xf32>
        %broadcast_in_dim3A_1324 = arith.constant 10 : i32
        %broadcast_in_dim3A_1325 = vector.broadcast %broadcast_in_dim3A_1324 : i32 to vector<16xi32>
        %gather3A_1326 = tpu.vector_load_idx %arg11[%iota3A, %broadcast_in_dim3A_1325] : memref<16x17xf32, #tpu.memory_space<vmem>>[vector<16xi32>, vector<16xi32>], vector<16xf32>,
        %add3A_1327 = arith.addf %add3A_1319, %gather3A_1326 : vector<16xf32>
        %broadcast_in_dim3A_1328 = arith.constant 11 : i32
        %broadcast_in_dim3A_1329 = vector.broadcast %broadcast_in_dim3A_1328 : i32 to vector<16xi32>
        %gather3A_1330 = tpu.vector_load_idx %arg11[%iota3A, %broadcast_in_dim3A_1329] : memref<16x17xf32, #tpu.memory_space<vmem>>[vector<16xi32>, vector<16xi32>], vector<16xf32>,
        %add3A_1331 = arith.addf %add3A_1323, %gather3A_1330 : vector<16xf32>
        %broadcast_in_dim3A_1332 = arith.constant 12 : i32
        %broadcast_in_dim3A_1333 = vector.broadcast %broadcast_in_dim3A_1332 : i32 to vector<16xi32>
        %gather3A_1334 = tpu.vector_load_idx %arg11[%iota3A, %broadcast_in_dim3A_1333] : memref<16x17xf32, #tpu.memory_space<vmem>>[vector<16xi32>, vector<16xi32>], vector<16xf32>,
        %add3A_1335 = arith.addf %add3A_1327, %gather3A_1334 : vector<16xf32>
        %broadcast_in_dim3A_1336 = arith.constant 13 : i32
        %broadcast_in_dim3A_1337 = vector.broadcast %broadcast_in_dim3A_1336 : i32 to vector<16xi32>
        %gather3A_1338 = tpu.vector_load_idx %arg11[%iota3A, %broadcast_in_dim3A_1337] : memref<16x17xf32, #tpu.memory_space<vmem>>[vector<16xi32>, vector<16xi32>], vector<16xf32>,
        %add3A_1339 = arith.addf %add3A_1331, %gather3A_1338 : vector<16xf32>
        %broadcast_in_dim3A_1340 = arith.constant 14 : i32
        %broadcast_in_dim3A_1341 = vector.broadcast %broadcast_in_dim3A_1340 : i32 to vector<16xi32>
        %gather3A_1342 = tpu.vector_load_idx %arg11[%iota3A, %broadcast_in_dim3A_1341] : memref<16x17xf32, #tpu.memory_space<vmem>>[vector<16xi32>, vector<16xi32>], vector<16xf32>,
        %add3A_1343 = arith.addf %add3A_1335, %gather3A_1342 : vector<16xf32>
        %broadcast_in_dim3A_1344 = arith.constant 15 : i32
        %broadcast_in_dim3A_1345 = vector.broadcast %broadcast_in_dim3A_1344 : i32 to vector<16xi32>
        %gather3A_1346 = tpu.vector_load_idx %arg11[%iota3A, %broadcast_in_dim3A_1345] : memref<16x17xf32, #tpu.memory_space<vmem>>[vector<16xi32>, vector<16xi32>], vector<16xf32>,
        %add3A_1347 = arith.addf %add3A_1339, %gather3A_1346 : vector<16xf32>
        %add3A_1348 = arith.addf %add3A_1343, %add3A_1347 : vector<16xf32>
        %add3A_1349 = arith.addi %min3A_71, %mul3A_123 : i32
        %swap3A_1350 = arith.index_cast %add3A_1349 : i32 to index
        %swap3A_1351 = tpu.vector_load %arg10[%swap3A_1350] {strides = array<i32>} : memref<10000xf32, #tpu.memory_space<vmem>>, vector<16xf32>,
        tpu.vector_store %arg10[%swap3A_1350], %add3A_1348 {strides = array<i32>} : memref<10000xf32, #tpu.memory_space<vmem>>, vector<16xf32>,
      }
      %scan3A_77 = arith.constant 8 : i32
      %add3A_78 = arith.constant 1 : i32
      %add3A_79 = arith.addi %mul3A_40, %add3A_78 : i32
      %add3A_80 = arith.constant 1 : i32
      %add3A_81 = arith.addi %add3A_79, %add3A_80 : i32
      %le3A_82 = arith.constant 79 : i32
      %le3A_83 = arith.cmpi sle, %add3A_81, %le3A_82 : i32
      %convert_element_type3A_84 = arith.extui %le3A_83 : i1 to i32
      %cond3A_85 = arith.constant 0 : i32
      %cond3A_86 = arith.cmpi ne, %convert_element_type3A_84, %cond3A_85 : i32
      scf.if %cond3A_86 {
        %add3A_121 = arith.constant 1 : i32
        %add3A_122 = arith.addi %add3A_79, %add3A_121 : i32
        %mul3A_123 = arith.constant 128 : i32
        %mul3A_124 = arith.muli %add3A_122, %mul3A_123 : i32
        %min3A_125 = arith.constant 9872 : i32
        %min3A_126 = arith.minsi %mul3A_124, %min3A_125 : i32
        %dma_start3A_127 = arith.constant 0 : i32
        %dma_start3A_128 = arith.constant 0 : i32
        %dma_start3A_129 = arith.constant 0 : i32
        %dma_start3A_130 = arith.constant 0 : i32
        %dma_start3A_131 = tpu.memref_slice %arg8[%dma_start3A_128, %dma_start3A_129, %dma_start3A_130] : memref<2x128x64xi32, #tpu.memory_space<vmem>> -> memref<1x128x64xi32, #tpu.memory_space<vmem>>
        %dma_start3A_132 = tpu.memref_squeeze %dma_start3A_131 : memref<1x128x64xi32, #tpu.memory_space<vmem>> -> memref<128x64xi32, #tpu.memory_space<vmem>>
        %dma_start3A_133 = tpu.memref_slice %arg7[%dma_start3A_127, %min3A_126] : memref<2x10000xi32, #tpu.memory_space<vmem>> -> memref<1x128xi32, #tpu.memory_space<vmem>>
        %dma_start3A_134 = tpu.memref_squeeze %dma_start3A_133 : memref<1x128xi32, #tpu.memory_space<vmem>> -> memref<128xi32, #tpu.memory_space<vmem>>
        %dma_start3A_135 = arith.constant 0 : i32
        %dma_start3A_136 = arith.constant 0 : i32
        %dma_start3A_137 = tpu.memref_slice %arg2[%dma_start3A_135, %dma_start3A_136] : memref<10000x64xi32, #tpu.memory_space<hbm>> -> memref<10000x64xi32, #tpu.memory_space<hbm>>
        tpu.enqueue_indirect_dma source(%dma_start3A_137 : memref<10000x64xi32, #tpu.memory_space<hbm>>) target(%dma_start3A_132 : memref<128x64xi32, #tpu.memory_space<vmem>>) offsets(%dma_start3A_134 : memref<128xi32, #tpu.memory_space<vmem>>) semaphore(%arg13 : memref<!tpu.dma_semaphore, #tpu.memory_space<semaphore_mem>>)
        %dma_start3A_138 = arith.constant 1 : i32
        %dma_start3A_139 = arith.constant 0 : i32
        %dma_start3A_140 = arith.constant 0 : i32
        %dma_start3A_141 = arith.constant 0 : i32
        %dma_start3A_142 = tpu.memref_slice %arg9[%dma_start3A_139, %dma_start3A_140, %dma_start3A_141] : memref<2x128x64xi32, #tpu.memory_space<vmem>> -> memref<1x128x64xi32, #tpu.memory_space<vmem>>
        %dma_start3A_143 = tpu.memref_squeeze %dma_start3A_142 : memref<1x128x64xi32, #tpu.memory_space<vmem>> -> memref<128x64xi32, #tpu.memory_space<vmem>>
        %dma_start3A_144 = tpu.memref_slice %arg7[%dma_start3A_138, %min3A_126] : memref<2x10000xi32, #tpu.memory_space<vmem>> -> memref<1x128xi32, #tpu.memory_space<vmem>>
        %dma_start3A_145 = tpu.memref_squeeze %dma_start3A_144 : memref<1x128xi32, #tpu.memory_space<vmem>> -> memref<128xi32, #tpu.memory_space<vmem>>
        %dma_start3A_146 = arith.constant 0 : i32
        %dma_start3A_147 = arith.constant 0 : i32
        %dma_start3A_148 = tpu.memref_slice %arg12[%dma_start3A_146, %dma_start3A_147] : memref<10000x64xi32, #tpu.memory_space<vmem_shared>> -> memref<10000x64xi32, #tpu.memory_space<vmem_shared>>
        tpu.enqueue_indirect_dma source(%dma_start3A_148 : memref<10000x64xi32, #tpu.memory_space<vmem_shared>>) target(%dma_start3A_143 : memref<128x64xi32, #tpu.memory_space<vmem>>) offsets(%dma_start3A_145 : memref<128xi32, #tpu.memory_space<vmem>>) semaphore(%arg15 : memref<!tpu.dma_semaphore, #tpu.memory_space<semaphore_mem>>)
      } else {
      }
      %dma_wait3A_87 = arith.constant 0 : i32
      %dma_wait3A_88 = arith.constant 1 : i32
      %dma_wait3A_89 = arith.constant 0 : i32
      %dma_wait3A_90 = arith.constant 0 : i32
      %dma_wait3A_91 = tpu.memref_slice %arg8[%dma_wait3A_88, %dma_wait3A_89, %dma_wait3A_90] : memref<2x128x64xi32, #tpu.memory_space<vmem>> -> memref<1x128x64xi32, #tpu.memory_space<vmem>>
      %dma_wait3A_92 = tpu.memref_squeeze %dma_wait3A_91 : memref<1x128x64xi32, #tpu.memory_space<vmem>> -> memref<128x64xi32, #tpu.memory_space<vmem>>
      %dma_wait3A_93 = arith.constant 0 : i32
      %dma_wait3A_94 = tpu.memref_slice %arg7[%dma_wait3A_87, %dma_wait3A_93] : memref<2x10000xi32, #tpu.memory_space<vmem>> -> memref<1x128xi32, #tpu.memory_space<vmem>>
      %dma_wait3A_95 = tpu.memref_squeeze %dma_wait3A_94 : memref<1x128xi32, #tpu.memory_space<vmem>> -> memref<128xi32, #tpu.memory_space<vmem>>
      %dma_wait3A_96 = arith.constant 0 : i32
      %dma_wait3A_97 = arith.constant 0 : i32
      %dma_wait3A_98 = tpu.memref_slice %arg2[%dma_wait3A_96, %dma_wait3A_97] : memref<10000x64xi32, #tpu.memory_space<hbm>> -> memref<10000x64xi32, #tpu.memory_space<hbm>>
      tpu.wait_indirect_dma semaphore(%arg14 : memref<!tpu.dma_semaphore, #tpu.memory_space<semaphore_mem>>) src(%dma_wait3A_98 : memref<10000x64xi32, #tpu.memory_space<hbm>>) dst(%dma_wait3A_92 : memref<128x64xi32, #tpu.memory_space<vmem>>)
      %dma_wait3A_99 = arith.constant 1 : i32
      %dma_wait3A_100 = arith.constant 1 : i32
      %dma_wait3A_101 = arith.constant 0 : i32
      %dma_wait3A_102 = arith.constant 0 : i32
      %dma_wait3A_103 = tpu.memref_slice %arg9[%dma_wait3A_100, %dma_wait3A_101, %dma_wait3A_102] : memref<2x128x64xi32, #tpu.memory_space<vmem>> -> memref<1x128x64xi32, #tpu.memory_space<vmem>>
      %dma_wait3A_104 = tpu.memref_squeeze %dma_wait3A_103 : memref<1x128x64xi32, #tpu.memory_space<vmem>> -> memref<128x64xi32, #tpu.memory_space<vmem>>
      %dma_wait3A_105 = arith.constant 0 : i32
      %dma_wait3A_106 = tpu.memref_slice %arg7[%dma_wait3A_99, %dma_wait3A_105] : memref<2x10000xi32, #tpu.memory_space<vmem>> -> memref<1x128xi32, #tpu.memory_space<vmem>>
      %dma_wait3A_107 = tpu.memref_squeeze %dma_wait3A_106 : memref<1x128xi32, #tpu.memory_space<vmem>> -> memref<128xi32, #tpu.memory_space<vmem>>
      %dma_wait3A_108 = arith.constant 0 : i32
      %dma_wait3A_109 = arith.constant 0 : i32
      %dma_wait3A_110 = tpu.memref_slice %arg12[%dma_wait3A_108, %dma_wait3A_109] : memref<10000x64xi32, #tpu.memory_space<vmem_shared>> -> memref<10000x64xi32, #tpu.memory_space<vmem_shared>>
      tpu.wait_indirect_dma semaphore(%arg16 : memref<!tpu.dma_semaphore, #tpu.memory_space<semaphore_mem>>) src(%dma_wait3A_110 : memref<10000x64xi32, #tpu.memory_space<vmem_shared>>) dst(%dma_wait3A_104 : memref<128x64xi32, #tpu.memory_space<vmem>>)
      %mul3A_111 = arith.constant 128 : i32
      %mul3A_112 = arith.muli %add3A_79, %mul3A_111 : i32
      %min3A_113 = arith.constant 9872 : i32
      %min3A_114 = arith.minsi %mul3A_112, %min3A_113 : i32
      %scan3A_115 = arith.constant 0 : i32
      %scan3A_116 = arith.constant 0 : i32
      %scan3A_117 = arith.constant 8 : i32
      %scan3A_118 = arith.addi %scan3A_116, %scan3A_117 : i32
      %scan3A_119 = arith.constant 1 : i32
      scf.for %scan3A_121 = %scan3A_116 to %scan3A_118 step %scan3A_119  : i32 {
        %mul3A_122 = arith.constant 16 : i32
        %mul3A_123 = arith.muli %scan3A_121, %mul3A_122 : i32
        %add3A_124 = arith.constant 0 : i32
        %add3A_125 = arith.addi %mul3A_123, %add3A_124 : i32
        %get3A = arith.constant 1 : i32
        %get3A_126 = arith.index_cast %get3A : i32 to index
        %get3A_127 = arith.index_cast %add3A_125 : i32 to index
        %get3A_128 = arith.constant 0 : index
        %get3A_129 = tpu.vector_load %arg8[%get3A_126, %get3A_127, %get3A_128] {strides = array<i32>} : memref<2x128x64xi32, #tpu.memory_space<vmem>>, vector<16xi32>,
        %bitcast3A = vector.bitcast %get3A_129 : vector<16xi32> to vector<32xbf16>
        %get3A_130 = arith.constant 1 : i32
        %get3A_131 = arith.index_cast %get3A_130 : i32 to index
        %get3A_132 = arith.index_cast %add3A_125 : i32 to index
        %get3A_133 = arith.constant 0 : index
        %get3A_134 = tpu.vector_load %arg9[%get3A_131, %get3A_132, %get3A_133] {strides = array<i32>} : memref<2x128x64xi32, #tpu.memory_space<vmem>>, vector<16xi32>,
        %bitcast3A_135 = vector.bitcast %get3A_134 : vector<16xi32> to vector<32xbf16>
        %mul3A_136 = arith.mulf %bitcast3A, %bitcast3A_135 : vector<32xbf16>
        %unpack3A = tpu.unpack_subelements %mul3A_136, 0 {pack_format = #tpu.pack_format<interleaved>} : vector<32xbf16> -> vector<16xf32>
        %unpack3A_137 = tpu.unpack_subelements %mul3A_136, 1 {pack_format = #tpu.pack_format<interleaved>} : vector<32xbf16> -> vector<16xf32>
        %get3A_138 = arith.constant 1 : i32
        %get3A_139 = arith.index_cast %get3A_138 : i32 to index
        %get3A_140 = arith.index_cast %add3A_125 : i32 to index
        %get3A_141 = arith.constant 16 : index
        %get3A_142 = tpu.vector_load %arg8[%get3A_139, %get3A_140, %get3A_141] {strides = array<i32>} : memref<2x128x64xi32, #tpu.memory_space<vmem>>, vector<16xi32>,
        %bitcast3A_143 = vector.bitcast %get3A_142 : vector<16xi32> to vector<32xbf16>
        %get3A_144 = arith.constant 1 : i32
        %get3A_145 = arith.index_cast %get3A_144 : i32 to index
        %get3A_146 = arith.index_cast %add3A_125 : i32 to index
        %get3A_147 = arith.constant 16 : index
        %get3A_148 = tpu.vector_load %arg9[%get3A_145, %get3A_146, %get3A_147] {strides = array<i32>} : memref<2x128x64xi32, #tpu.memory_space<vmem>>, vector<16xi32>,
        %bitcast3A_149 = vector.bitcast %get3A_148 : vector<16xi32> to vector<32xbf16>
        %mul3A_150 = arith.mulf %bitcast3A_143, %bitcast3A_149 : vector<32xbf16>
        %unpack3A_151 = tpu.unpack_subelements %mul3A_150, 0 {pack_format = #tpu.pack_format<interleaved>} : vector<32xbf16> -> vector<16xf32>
        %unpack3A_152 = tpu.unpack_subelements %mul3A_150, 1 {pack_format = #tpu.pack_format<interleaved>} : vector<32xbf16> -> vector<16xf32>
        %add3A_153 = arith.addf %unpack3A, %unpack3A_151 : vector<16xf32>
        %add3A_154 = arith.addf %unpack3A_137, %unpack3A_152 : vector<16xf32>
        %get3A_155 = arith.constant 1 : i32
        %get3A_156 = arith.index_cast %get3A_155 : i32 to index
        %get3A_157 = arith.index_cast %add3A_125 : i32 to index
        %get3A_158 = arith.constant 32 : index
        %get3A_159 = tpu.vector_load %arg8[%get3A_156, %get3A_157, %get3A_158] {strides = array<i32>} : memref<2x128x64xi32, #tpu.memory_space<vmem>>, vector<16xi32>,
        %bitcast3A_160 = vector.bitcast %get3A_159 : vector<16xi32> to vector<32xbf16>
        %get3A_161 = arith.constant 1 : i32
        %get3A_162 = arith.index_cast %get3A_161 : i32 to index
        %get3A_163 = arith.index_cast %add3A_125 : i32 to index
        %get3A_164 = arith.constant 32 : index
        %get3A_165 = tpu.vector_load %arg9[%get3A_162, %get3A_163, %get3A_164] {strides = array<i32>} : memref<2x128x64xi32, #tpu.memory_space<vmem>>, vector<16xi32>,
        %bitcast3A_166 = vector.bitcast %get3A_165 : vector<16xi32> to vector<32xbf16>
        %mul3A_167 = arith.mulf %bitcast3A_160, %bitcast3A_166 : vector<32xbf16>
        %unpack3A_168 = tpu.unpack_subelements %mul3A_167, 0 {pack_format = #tpu.pack_format<interleaved>} : vector<32xbf16> -> vector<16xf32>
        %unpack3A_169 = tpu.unpack_subelements %mul3A_167, 1 {pack_format = #tpu.pack_format<interleaved>} : vector<32xbf16> -> vector<16xf32>
        %add3A_170 = arith.addf %add3A_153, %unpack3A_168 : vector<16xf32>
        %add3A_171 = arith.addf %add3A_154, %unpack3A_169 : vector<16xf32>
        %get3A_172 = arith.constant 1 : i32
        %get3A_173 = arith.index_cast %get3A_172 : i32 to index
        %get3A_174 = arith.index_cast %add3A_125 : i32 to index
        %get3A_175 = arith.constant 48 : index
        %get3A_176 = tpu.vector_load %arg8[%get3A_173, %get3A_174, %get3A_175] {strides = array<i32>} : memref<2x128x64xi32, #tpu.memory_space<vmem>>, vector<16xi32>,
        %bitcast3A_177 = vector.bitcast %get3A_176 : vector<16xi32> to vector<32xbf16>
        %get3A_178 = arith.constant 1 : i32
        %get3A_179 = arith.index_cast %get3A_178 : i32 to index
        %get3A_180 = arith.index_cast %add3A_125 : i32 to index
        %get3A_181 = arith.constant 48 : index
        %get3A_182 = tpu.vector_load %arg9[%get3A_179, %get3A_180, %get3A_181] {strides = array<i32>} : memref<2x128x64xi32, #tpu.memory_space<vmem>>, vector<16xi32>,
        %bitcast3A_183 = vector.bitcast %get3A_182 : vector<16xi32> to vector<32xbf16>
        %mul3A_184 = arith.mulf %bitcast3A_177, %bitcast3A_183 : vector<32xbf16>
        %unpack3A_185 = tpu.unpack_subelements %mul3A_184, 0 {pack_format = #tpu.pack_format<interleaved>} : vector<32xbf16> -> vector<16xf32>
        %unpack3A_186 = tpu.unpack_subelements %mul3A_184, 1 {pack_format = #tpu.pack_format<interleaved>} : vector<32xbf16> -> vector<16xf32>
        %add3A_187 = arith.addf %add3A_170, %unpack3A_185 : vector<16xf32>
        %add3A_188 = arith.addf %add3A_171, %unpack3A_186 : vector<16xf32>
        %add3A_189 = arith.addf %add3A_187, %add3A_188 : vector<16xf32>
        %add3A_190 = arith.constant 1 : i32
        %add3A_191 = arith.addi %mul3A_123, %add3A_190 : i32
        %get3A_192 = arith.constant 1 : i32
        %get3A_193 = arith.index_cast %get3A_192 : i32 to index
        %get3A_194 = arith.index_cast %add3A_191 : i32 to index
        %get3A_195 = arith.constant 0 : index
        %get3A_196 = tpu.vector_load %arg8[%get3A_193, %get3A_194, %get3A_195] {strides = array<i32>} : memref<2x128x64xi32, #tpu.memory_space<vmem>>, vector<16xi32>,
        %bitcast3A_197 = vector.bitcast %get3A_196 : vector<16xi32> to vector<32xbf16>
        %get3A_198 = arith.constant 1 : i32
        %get3A_199 = arith.index_cast %get3A_198 : i32 to index
        %get3A_200 = arith.index_cast %add3A_191 : i32 to index
        %get3A_201 = arith.constant 0 : index
        %get3A_202 = tpu.vector_load %arg9[%get3A_199, %get3A_200, %get3A_201] {strides = array<i32>} : memref<2x128x64xi32, #tpu.memory_space<vmem>>, vector<16xi32>,
        %bitcast3A_203 = vector.bitcast %get3A_202 : vector<16xi32> to vector<32xbf16>
        %mul3A_204 = arith.mulf %bitcast3A_197, %bitcast3A_203 : vector<32xbf16>
        %unpack3A_205 = tpu.unpack_subelements %mul3A_204, 0 {pack_format = #tpu.pack_format<interleaved>} : vector<32xbf16> -> vector<16xf32>
        %unpack3A_206 = tpu.unpack_subelements %mul3A_204, 1 {pack_format = #tpu.pack_format<interleaved>} : vector<32xbf16> -> vector<16xf32>
        %get3A_207 = arith.constant 1 : i32
        %get3A_208 = arith.index_cast %get3A_207 : i32 to index
        %get3A_209 = arith.index_cast %add3A_191 : i32 to index
        %get3A_210 = arith.constant 16 : index
        %get3A_211 = tpu.vector_load %arg8[%get3A_208, %get3A_209, %get3A_210] {strides = array<i32>} : memref<2x128x64xi32, #tpu.memory_space<vmem>>, vector<16xi32>,
        %bitcast3A_212 = vector.bitcast %get3A_211 : vector<16xi32> to vector<32xbf16>
        %get3A_213 = arith.constant 1 : i32
        %get3A_214 = arith.index_cast %get3A_213 : i32 to index
        %get3A_215 = arith.index_cast %add3A_191 : i32 to index
        %get3A_216 = arith.constant 16 : index
        %get3A_217 = tpu.vector_load %arg9[%get3A_214, %get3A_215, %get3A_216] {strides = array<i32>} : memref<2x128x64xi32, #tpu.memory_space<vmem>>, vector<16xi32>,
        %bitcast3A_218 = vector.bitcast %get3A_217 : vector<16xi32> to vector<32xbf16>
        %mul3A_219 = arith.mulf %bitcast3A_212, %bitcast3A_218 : vector<32xbf16>
        %unpack3A_220 = tpu.unpack_subelements %mul3A_219, 0 {pack_format = #tpu.pack_format<interleaved>} : vector<32xbf16> -> vector<16xf32>
        %unpack3A_221 = tpu.unpack_subelements %mul3A_219, 1 {pack_format = #tpu.pack_format<interleaved>} : vector<32xbf16> -> vector<16xf32>
        %add3A_222 = arith.addf %unpack3A_205, %unpack3A_220 : vector<16xf32>
        %add3A_223 = arith.addf %unpack3A_206, %unpack3A_221 : vector<16xf32>
        %get3A_224 = arith.constant 1 : i32
        %get3A_225 = arith.index_cast %get3A_224 : i32 to index
        %get3A_226 = arith.index_cast %add3A_191 : i32 to index
        %get3A_227 = arith.constant 32 : index
        %get3A_228 = tpu.vector_load %arg8[%get3A_225, %get3A_226, %get3A_227] {strides = array<i32>} : memref<2x128x64xi32, #tpu.memory_space<vmem>>, vector<16xi32>,
        %bitcast3A_229 = vector.bitcast %get3A_228 : vector<16xi32> to vector<32xbf16>
        %get3A_230 = arith.constant 1 : i32
        %get3A_231 = arith.index_cast %get3A_230 : i32 to index
        %get3A_232 = arith.index_cast %add3A_191 : i32 to index
        %get3A_233 = arith.constant 32 : index
        %get3A_234 = tpu.vector_load %arg9[%get3A_231, %get3A_232, %get3A_233] {strides = array<i32>} : memref<2x128x64xi32, #tpu.memory_space<vmem>>, vector<16xi32>,
        %bitcast3A_235 = vector.bitcast %get3A_234 : vector<16xi32> to vector<32xbf16>
        %mul3A_236 = arith.mulf %bitcast3A_229, %bitcast3A_235 : vector<32xbf16>
        %unpack3A_237 = tpu.unpack_subelements %mul3A_236, 0 {pack_format = #tpu.pack_format<interleaved>} : vector<32xbf16> -> vector<16xf32>
        %unpack3A_238 = tpu.unpack_subelements %mul3A_236, 1 {pack_format = #tpu.pack_format<interleaved>} : vector<32xbf16> -> vector<16xf32>
        %add3A_239 = arith.addf %add3A_222, %unpack3A_237 : vector<16xf32>
        %add3A_240 = arith.addf %add3A_223, %unpack3A_238 : vector<16xf32>
        %get3A_241 = arith.constant 1 : i32
        %get3A_242 = arith.index_cast %get3A_241 : i32 to index
        %get3A_243 = arith.index_cast %add3A_191 : i32 to index
        %get3A_244 = arith.constant 48 : index
        %get3A_245 = tpu.vector_load %arg8[%get3A_242, %get3A_243, %get3A_244] {strides = array<i32>} : memref<2x128x64xi32, #tpu.memory_space<vmem>>, vector<16xi32>,
        %bitcast3A_246 = vector.bitcast %get3A_245 : vector<16xi32> to vector<32xbf16>
        %get3A_247 = arith.constant 1 : i32
        %get3A_248 = arith.index_cast %get3A_247 : i32 to index
        %get3A_249 = arith.index_cast %add3A_191 : i32 to index
        %get3A_250 = arith.constant 48 : index
        %get3A_251 = tpu.vector_load %arg9[%get3A_248, %get3A_249, %get3A_250] {strides = array<i32>} : memref<2x128x64xi32, #tpu.memory_space<vmem>>, vector<16xi32>,
        %bitcast3A_252 = vector.bitcast %get3A_251 : vector<16xi32> to vector<32xbf16>
        %mul3A_253 = arith.mulf %bitcast3A_246, %bitcast3A_252 : vector<32xbf16>
        %unpack3A_254 = tpu.unpack_subelements %mul3A_253, 0 {pack_format = #tpu.pack_format<interleaved>} : vector<32xbf16> -> vector<16xf32>
        %unpack3A_255 = tpu.unpack_subelements %mul3A_253, 1 {pack_format = #tpu.pack_format<interleaved>} : vector<32xbf16> -> vector<16xf32>
        %add3A_256 = arith.addf %add3A_239, %unpack3A_254 : vector<16xf32>
        %add3A_257 = arith.addf %add3A_240, %unpack3A_255 : vector<16xf32>
        %add3A_258 = arith.addf %add3A_256, %add3A_257 : vector<16xf32>
        %add3A_259 = arith.constant 2 : i32
        %add3A_260 = arith.addi %mul3A_123, %add3A_259 : i32
        %get3A_261 = arith.constant 1 : i32
        %get3A_262 = arith.index_cast %get3A_261 : i32 to index
        %get3A_263 = arith.index_cast %add3A_260 : i32 to index
        %get3A_264 = arith.constant 0 : index
        %get3A_265 = tpu.vector_load %arg8[%get3A_262, %get3A_263, %get3A_264] {strides = array<i32>} : memref<2x128x64xi32, #tpu.memory_space<vmem>>, vector<16xi32>,
        %bitcast3A_266 = vector.bitcast %get3A_265 : vector<16xi32> to vector<32xbf16>
        %get3A_267 = arith.constant 1 : i32
        %get3A_268 = arith.index_cast %get3A_267 : i32 to index
        %get3A_269 = arith.index_cast %add3A_260 : i32 to index
        %get3A_270 = arith.constant 0 : index
        %get3A_271 = tpu.vector_load %arg9[%get3A_268, %get3A_269, %get3A_270] {strides = array<i32>} : memref<2x128x64xi32, #tpu.memory_space<vmem>>, vector<16xi32>,
        %bitcast3A_272 = vector.bitcast %get3A_271 : vector<16xi32> to vector<32xbf16>
        %mul3A_273 = arith.mulf %bitcast3A_266, %bitcast3A_272 : vector<32xbf16>
        %unpack3A_274 = tpu.unpack_subelements %mul3A_273, 0 {pack_format = #tpu.pack_format<interleaved>} : vector<32xbf16> -> vector<16xf32>
        %unpack3A_275 = tpu.unpack_subelements %mul3A_273, 1 {pack_format = #tpu.pack_format<interleaved>} : vector<32xbf16> -> vector<16xf32>
        %get3A_276 = arith.constant 1 : i32
        %get3A_277 = arith.index_cast %get3A_276 : i32 to index
        %get3A_278 = arith.index_cast %add3A_260 : i32 to index
        %get3A_279 = arith.constant 16 : index
        %get3A_280 = tpu.vector_load %arg8[%get3A_277, %get3A_278, %get3A_279] {strides = array<i32>} : memref<2x128x64xi32, #tpu.memory_space<vmem>>, vector<16xi32>,
        %bitcast3A_281 = vector.bitcast %get3A_280 : vector<16xi32> to vector<32xbf16>
        %get3A_282 = arith.constant 1 : i32
        %get3A_283 = arith.index_cast %get3A_282 : i32 to index
        %get3A_284 = arith.index_cast %add3A_260 : i32 to index
        %get3A_285 = arith.constant 16 : index
        %get3A_286 = tpu.vector_load %arg9[%get3A_283, %get3A_284, %get3A_285] {strides = array<i32>} : memref<2x128x64xi32, #tpu.memory_space<vmem>>, vector<16xi32>,
        %bitcast3A_287 = vector.bitcast %get3A_286 : vector<16xi32> to vector<32xbf16>
        %mul3A_288 = arith.mulf %bitcast3A_281, %bitcast3A_287 : vector<32xbf16>
        %unpack3A_289 = tpu.unpack_subelements %mul3A_288, 0 {pack_format = #tpu.pack_format<interleaved>} : vector<32xbf16> -> vector<16xf32>
        %unpack3A_290 = tpu.unpack_subelements %mul3A_288, 1 {pack_format = #tpu.pack_format<interleaved>} : vector<32xbf16> -> vector<16xf32>
        %add3A_291 = arith.addf %unpack3A_274, %unpack3A_289 : vector<16xf32>
        %add3A_292 = arith.addf %unpack3A_275, %unpack3A_290 : vector<16xf32>
        %get3A_293 = arith.constant 1 : i32
        %get3A_294 = arith.index_cast %get3A_293 : i32 to index
        %get3A_295 = arith.index_cast %add3A_260 : i32 to index
        %get3A_296 = arith.constant 32 : index
        %get3A_297 = tpu.vector_load %arg8[%get3A_294, %get3A_295, %get3A_296] {strides = array<i32>} : memref<2x128x64xi32, #tpu.memory_space<vmem>>, vector<16xi32>,
        %bitcast3A_298 = vector.bitcast %get3A_297 : vector<16xi32> to vector<32xbf16>
        %get3A_299 = arith.constant 1 : i32
        %get3A_300 = arith.index_cast %get3A_299 : i32 to index
        %get3A_301 = arith.index_cast %add3A_260 : i32 to index
        %get3A_302 = arith.constant 32 : index
        %get3A_303 = tpu.vector_load %arg9[%get3A_300, %get3A_301, %get3A_302] {strides = array<i32>} : memref<2x128x64xi32, #tpu.memory_space<vmem>>, vector<16xi32>,
        %bitcast3A_304 = vector.bitcast %get3A_303 : vector<16xi32> to vector<32xbf16>
        %mul3A_305 = arith.mulf %bitcast3A_298, %bitcast3A_304 : vector<32xbf16>
        %unpack3A_306 = tpu.unpack_subelements %mul3A_305, 0 {pack_format = #tpu.pack_format<interleaved>} : vector<32xbf16> -> vector<16xf32>
        %unpack3A_307 = tpu.unpack_subelements %mul3A_305, 1 {pack_format = #tpu.pack_format<interleaved>} : vector<32xbf16> -> vector<16xf32>
        %add3A_308 = arith.addf %add3A_291, %unpack3A_306 : vector<16xf32>
        %add3A_309 = arith.addf %add3A_292, %unpack3A_307 : vector<16xf32>
        %get3A_310 = arith.constant 1 : i32
        %get3A_311 = arith.index_cast %get3A_310 : i32 to index
        %get3A_312 = arith.index_cast %add3A_260 : i32 to index
        %get3A_313 = arith.constant 48 : index
        %get3A_314 = tpu.vector_load %arg8[%get3A_311, %get3A_312, %get3A_313] {strides = array<i32>} : memref<2x128x64xi32, #tpu.memory_space<vmem>>, vector<16xi32>,
        %bitcast3A_315 = vector.bitcast %get3A_314 : vector<16xi32> to vector<32xbf16>
        %get3A_316 = arith.constant 1 : i32
        %get3A_317 = arith.index_cast %get3A_316 : i32 to index
        %get3A_318 = arith.index_cast %add3A_260 : i32 to index
        %get3A_319 = arith.constant 48 : index
        %get3A_320 = tpu.vector_load %arg9[%get3A_317, %get3A_318, %get3A_319] {strides = array<i32>} : memref<2x128x64xi32, #tpu.memory_space<vmem>>, vector<16xi32>,
        %bitcast3A_321 = vector.bitcast %get3A_320 : vector<16xi32> to vector<32xbf16>
        %mul3A_322 = arith.mulf %bitcast3A_315, %bitcast3A_321 : vector<32xbf16>
        %unpack3A_323 = tpu.unpack_subelements %mul3A_322, 0 {pack_format = #tpu.pack_format<interleaved>} : vector<32xbf16> -> vector<16xf32>
        %unpack3A_324 = tpu.unpack_subelements %mul3A_322, 1 {pack_format = #tpu.pack_format<interleaved>} : vector<32xbf16> -> vector<16xf32>
        %add3A_325 = arith.addf %add3A_308, %unpack3A_323 : vector<16xf32>
        %add3A_326 = arith.addf %add3A_309, %unpack3A_324 : vector<16xf32>
        %add3A_327 = arith.addf %add3A_325, %add3A_326 : vector<16xf32>
        %add3A_328 = arith.constant 3 : i32
        %add3A_329 = arith.addi %mul3A_123, %add3A_328 : i32
        %get3A_330 = arith.constant 1 : i32
        %get3A_331 = arith.index_cast %get3A_330 : i32 to index
        %get3A_332 = arith.index_cast %add3A_329 : i32 to index
        %get3A_333 = arith.constant 0 : index
        %get3A_334 = tpu.vector_load %arg8[%get3A_331, %get3A_332, %get3A_333] {strides = array<i32>} : memref<2x128x64xi32, #tpu.memory_space<vmem>>, vector<16xi32>,
        %bitcast3A_335 = vector.bitcast %get3A_334 : vector<16xi32> to vector<32xbf16>
        %get3A_336 = arith.constant 1 : i32
        %get3A_337 = arith.index_cast %get3A_336 : i32 to index
        %get3A_338 = arith.index_cast %add3A_329 : i32 to index
        %get3A_339 = arith.constant 0 : index
        %get3A_340 = tpu.vector_load %arg9[%get3A_337, %get3A_338, %get3A_339] {strides = array<i32>} : memref<2x128x64xi32, #tpu.memory_space<vmem>>, vector<16xi32>,
        %bitcast3A_341 = vector.bitcast %get3A_340 : vector<16xi32> to vector<32xbf16>
        %mul3A_342 = arith.mulf %bitcast3A_335, %bitcast3A_341 : vector<32xbf16>
        %unpack3A_343 = tpu.unpack_subelements %mul3A_342, 0 {pack_format = #tpu.pack_format<interleaved>} : vector<32xbf16> -> vector<16xf32>
        %unpack3A_344 = tpu.unpack_subelements %mul3A_342, 1 {pack_format = #tpu.pack_format<interleaved>} : vector<32xbf16> -> vector<16xf32>
        %get3A_345 = arith.constant 1 : i32
        %get3A_346 = arith.index_cast %get3A_345 : i32 to index
        %get3A_347 = arith.index_cast %add3A_329 : i32 to index
        %get3A_348 = arith.constant 16 : index
        %get3A_349 = tpu.vector_load %arg8[%get3A_346, %get3A_347, %get3A_348] {strides = array<i32>} : memref<2x128x64xi32, #tpu.memory_space<vmem>>, vector<16xi32>,
        %bitcast3A_350 = vector.bitcast %get3A_349 : vector<16xi32> to vector<32xbf16>
        %get3A_351 = arith.constant 1 : i32
        %get3A_352 = arith.index_cast %get3A_351 : i32 to index
        %get3A_353 = arith.index_cast %add3A_329 : i32 to index
        %get3A_354 = arith.constant 16 : index
        %get3A_355 = tpu.vector_load %arg9[%get3A_352, %get3A_353, %get3A_354] {strides = array<i32>} : memref<2x128x64xi32, #tpu.memory_space<vmem>>, vector<16xi32>,
        %bitcast3A_356 = vector.bitcast %get3A_355 : vector<16xi32> to vector<32xbf16>
        %mul3A_357 = arith.mulf %bitcast3A_350, %bitcast3A_356 : vector<32xbf16>
        %unpack3A_358 = tpu.unpack_subelements %mul3A_357, 0 {pack_format = #tpu.pack_format<interleaved>} : vector<32xbf16> -> vector<16xf32>
        %unpack3A_359 = tpu.unpack_subelements %mul3A_357, 1 {pack_format = #tpu.pack_format<interleaved>} : vector<32xbf16> -> vector<16xf32>
        %add3A_360 = arith.addf %unpack3A_343, %unpack3A_358 : vector<16xf32>
        %add3A_361 = arith.addf %unpack3A_344, %unpack3A_359 : vector<16xf32>
        %get3A_362 = arith.constant 1 : i32
        %get3A_363 = arith.index_cast %get3A_362 : i32 to index
        %get3A_364 = arith.index_cast %add3A_329 : i32 to index
        %get3A_365 = arith.constant 32 : index
        %get3A_366 = tpu.vector_load %arg8[%get3A_363, %get3A_364, %get3A_365] {strides = array<i32>} : memref<2x128x64xi32, #tpu.memory_space<vmem>>, vector<16xi32>,
        %bitcast3A_367 = vector.bitcast %get3A_366 : vector<16xi32> to vector<32xbf16>
        %get3A_368 = arith.constant 1 : i32
        %get3A_369 = arith.index_cast %get3A_368 : i32 to index
        %get3A_370 = arith.index_cast %add3A_329 : i32 to index
        %get3A_371 = arith.constant 32 : index
        %get3A_372 = tpu.vector_load %arg9[%get3A_369, %get3A_370, %get3A_371] {strides = array<i32>} : memref<2x128x64xi32, #tpu.memory_space<vmem>>, vector<16xi32>,
        %bitcast3A_373 = vector.bitcast %get3A_372 : vector<16xi32> to vector<32xbf16>
        %mul3A_374 = arith.mulf %bitcast3A_367, %bitcast3A_373 : vector<32xbf16>
        %unpack3A_375 = tpu.unpack_subelements %mul3A_374, 0 {pack_format = #tpu.pack_format<interleaved>} : vector<32xbf16> -> vector<16xf32>
        %unpack3A_376 = tpu.unpack_subelements %mul3A_374, 1 {pack_format = #tpu.pack_format<interleaved>} : vector<32xbf16> -> vector<16xf32>
        %add3A_377 = arith.addf %add3A_360, %unpack3A_375 : vector<16xf32>
        %add3A_378 = arith.addf %add3A_361, %unpack3A_376 : vector<16xf32>
        %get3A_379 = arith.constant 1 : i32
        %get3A_380 = arith.index_cast %get3A_379 : i32 to index
        %get3A_381 = arith.index_cast %add3A_329 : i32 to index
        %get3A_382 = arith.constant 48 : index
        %get3A_383 = tpu.vector_load %arg8[%get3A_380, %get3A_381, %get3A_382] {strides = array<i32>} : memref<2x128x64xi32, #tpu.memory_space<vmem>>, vector<16xi32>,
        %bitcast3A_384 = vector.bitcast %get3A_383 : vector<16xi32> to vector<32xbf16>
        %get3A_385 = arith.constant 1 : i32
        %get3A_386 = arith.index_cast %get3A_385 : i32 to index
        %get3A_387 = arith.index_cast %add3A_329 : i32 to index
        %get3A_388 = arith.constant 48 : index
        %get3A_389 = tpu.vector_load %arg9[%get3A_386, %get3A_387, %get3A_388] {strides = array<i32>} : memref<2x128x64xi32, #tpu.memory_space<vmem>>, vector<16xi32>,
        %bitcast3A_390 = vector.bitcast %get3A_389 : vector<16xi32> to vector<32xbf16>
        %mul3A_391 = arith.mulf %bitcast3A_384, %bitcast3A_390 : vector<32xbf16>
        %unpack3A_392 = tpu.unpack_subelements %mul3A_391, 0 {pack_format = #tpu.pack_format<interleaved>} : vector<32xbf16> -> vector<16xf32>
        %unpack3A_393 = tpu.unpack_subelements %mul3A_391, 1 {pack_format = #tpu.pack_format<interleaved>} : vector<32xbf16> -> vector<16xf32>
        %add3A_394 = arith.addf %add3A_377, %unpack3A_392 : vector<16xf32>
        %add3A_395 = arith.addf %add3A_378, %unpack3A_393 : vector<16xf32>
        %add3A_396 = arith.addf %add3A_394, %add3A_395 : vector<16xf32>
        %add3A_397 = arith.constant 4 : i32
        %add3A_398 = arith.addi %mul3A_123, %add3A_397 : i32
        %get3A_399 = arith.constant 1 : i32
        %get3A_400 = arith.index_cast %get3A_399 : i32 to index
        %get3A_401 = arith.index_cast %add3A_398 : i32 to index
        %get3A_402 = arith.constant 0 : index
        %get3A_403 = tpu.vector_load %arg8[%get3A_400, %get3A_401, %get3A_402] {strides = array<i32>} : memref<2x128x64xi32, #tpu.memory_space<vmem>>, vector<16xi32>,
        %bitcast3A_404 = vector.bitcast %get3A_403 : vector<16xi32> to vector<32xbf16>
        %get3A_405 = arith.constant 1 : i32
        %get3A_406 = arith.index_cast %get3A_405 : i32 to index
        %get3A_407 = arith.index_cast %add3A_398 : i32 to index
        %get3A_408 = arith.constant 0 : index
        %get3A_409 = tpu.vector_load %arg9[%get3A_406, %get3A_407, %get3A_408] {strides = array<i32>} : memref<2x128x64xi32, #tpu.memory_space<vmem>>, vector<16xi32>,
        %bitcast3A_410 = vector.bitcast %get3A_409 : vector<16xi32> to vector<32xbf16>
        %mul3A_411 = arith.mulf %bitcast3A_404, %bitcast3A_410 : vector<32xbf16>
        %unpack3A_412 = tpu.unpack_subelements %mul3A_411, 0 {pack_format = #tpu.pack_format<interleaved>} : vector<32xbf16> -> vector<16xf32>
        %unpack3A_413 = tpu.unpack_subelements %mul3A_411, 1 {pack_format = #tpu.pack_format<interleaved>} : vector<32xbf16> -> vector<16xf32>
        %get3A_414 = arith.constant 1 : i32
        %get3A_415 = arith.index_cast %get3A_414 : i32 to index
        %get3A_416 = arith.index_cast %add3A_398 : i32 to index
        %get3A_417 = arith.constant 16 : index
        %get3A_418 = tpu.vector_load %arg8[%get3A_415, %get3A_416, %get3A_417] {strides = array<i32>} : memref<2x128x64xi32, #tpu.memory_space<vmem>>, vector<16xi32>,
        %bitcast3A_419 = vector.bitcast %get3A_418 : vector<16xi32> to vector<32xbf16>
        %get3A_420 = arith.constant 1 : i32
        %get3A_421 = arith.index_cast %get3A_420 : i32 to index
        %get3A_422 = arith.index_cast %add3A_398 : i32 to index
        %get3A_423 = arith.constant 16 : index
        %get3A_424 = tpu.vector_load %arg9[%get3A_421, %get3A_422, %get3A_423] {strides = array<i32>} : memref<2x128x64xi32, #tpu.memory_space<vmem>>, vector<16xi32>,
        %bitcast3A_425 = vector.bitcast %get3A_424 : vector<16xi32> to vector<32xbf16>
        %mul3A_426 = arith.mulf %bitcast3A_419, %bitcast3A_425 : vector<32xbf16>
        %unpack3A_427 = tpu.unpack_subelements %mul3A_426, 0 {pack_format = #tpu.pack_format<interleaved>} : vector<32xbf16> -> vector<16xf32>
        %unpack3A_428 = tpu.unpack_subelements %mul3A_426, 1 {pack_format = #tpu.pack_format<interleaved>} : vector<32xbf16> -> vector<16xf32>
        %add3A_429 = arith.addf %unpack3A_412, %unpack3A_427 : vector<16xf32>
        %add3A_430 = arith.addf %unpack3A_413, %unpack3A_428 : vector<16xf32>
        %get3A_431 = arith.constant 1 : i32
        %get3A_432 = arith.index_cast %get3A_431 : i32 to index
        %get3A_433 = arith.index_cast %add3A_398 : i32 to index
        %get3A_434 = arith.constant 32 : index
        %get3A_435 = tpu.vector_load %arg8[%get3A_432, %get3A_433, %get3A_434] {strides = array<i32>} : memref<2x128x64xi32, #tpu.memory_space<vmem>>, vector<16xi32>,
        %bitcast3A_436 = vector.bitcast %get3A_435 : vector<16xi32> to vector<32xbf16>
        %get3A_437 = arith.constant 1 : i32
        %get3A_438 = arith.index_cast %get3A_437 : i32 to index
        %get3A_439 = arith.index_cast %add3A_398 : i32 to index
        %get3A_440 = arith.constant 32 : index
        %get3A_441 = tpu.vector_load %arg9[%get3A_438, %get3A_439, %get3A_440] {strides = array<i32>} : memref<2x128x64xi32, #tpu.memory_space<vmem>>, vector<16xi32>,
        %bitcast3A_442 = vector.bitcast %get3A_441 : vector<16xi32> to vector<32xbf16>
        %mul3A_443 = arith.mulf %bitcast3A_436, %bitcast3A_442 : vector<32xbf16>
        %unpack3A_444 = tpu.unpack_subelements %mul3A_443, 0 {pack_format = #tpu.pack_format<interleaved>} : vector<32xbf16> -> vector<16xf32>
        %unpack3A_445 = tpu.unpack_subelements %mul3A_443, 1 {pack_format = #tpu.pack_format<interleaved>} : vector<32xbf16> -> vector<16xf32>
        %add3A_446 = arith.addf %add3A_429, %unpack3A_444 : vector<16xf32>
        %add3A_447 = arith.addf %add3A_430, %unpack3A_445 : vector<16xf32>
        %get3A_448 = arith.constant 1 : i32
        %get3A_449 = arith.index_cast %get3A_448 : i32 to index
        %get3A_450 = arith.index_cast %add3A_398 : i32 to index
        %get3A_451 = arith.constant 48 : index
        %get3A_452 = tpu.vector_load %arg8[%get3A_449, %get3A_450, %get3A_451] {strides = array<i32>} : memref<2x128x64xi32, #tpu.memory_space<vmem>>, vector<16xi32>,
        %bitcast3A_453 = vector.bitcast %get3A_452 : vector<16xi32> to vector<32xbf16>
        %get3A_454 = arith.constant 1 : i32
        %get3A_455 = arith.index_cast %get3A_454 : i32 to index
        %get3A_456 = arith.index_cast %add3A_398 : i32 to index
        %get3A_457 = arith.constant 48 : index
        %get3A_458 = tpu.vector_load %arg9[%get3A_455, %get3A_456, %get3A_457] {strides = array<i32>} : memref<2x128x64xi32, #tpu.memory_space<vmem>>, vector<16xi32>,
        %bitcast3A_459 = vector.bitcast %get3A_458 : vector<16xi32> to vector<32xbf16>
        %mul3A_460 = arith.mulf %bitcast3A_453, %bitcast3A_459 : vector<32xbf16>
        %unpack3A_461 = tpu.unpack_subelements %mul3A_460, 0 {pack_format = #tpu.pack_format<interleaved>} : vector<32xbf16> -> vector<16xf32>
        %unpack3A_462 = tpu.unpack_subelements %mul3A_460, 1 {pack_format = #tpu.pack_format<interleaved>} : vector<32xbf16> -> vector<16xf32>
        %add3A_463 = arith.addf %add3A_446, %unpack3A_461 : vector<16xf32>
        %add3A_464 = arith.addf %add3A_447, %unpack3A_462 : vector<16xf32>
        %add3A_465 = arith.addf %add3A_463, %add3A_464 : vector<16xf32>
        %add3A_466 = arith.constant 5 : i32
        %add3A_467 = arith.addi %mul3A_123, %add3A_466 : i32
        %get3A_468 = arith.constant 1 : i32
        %get3A_469 = arith.index_cast %get3A_468 : i32 to index
        %get3A_470 = arith.index_cast %add3A_467 : i32 to index
        %get3A_471 = arith.constant 0 : index
        %get3A_472 = tpu.vector_load %arg8[%get3A_469, %get3A_470, %get3A_471] {strides = array<i32>} : memref<2x128x64xi32, #tpu.memory_space<vmem>>, vector<16xi32>,
        %bitcast3A_473 = vector.bitcast %get3A_472 : vector<16xi32> to vector<32xbf16>
        %get3A_474 = arith.constant 1 : i32
        %get3A_475 = arith.index_cast %get3A_474 : i32 to index
        %get3A_476 = arith.index_cast %add3A_467 : i32 to index
        %get3A_477 = arith.constant 0 : index
        %get3A_478 = tpu.vector_load %arg9[%get3A_475, %get3A_476, %get3A_477] {strides = array<i32>} : memref<2x128x64xi32, #tpu.memory_space<vmem>>, vector<16xi32>,
        %bitcast3A_479 = vector.bitcast %get3A_478 : vector<16xi32> to vector<32xbf16>
        %mul3A_480 = arith.mulf %bitcast3A_473, %bitcast3A_479 : vector<32xbf16>
        %unpack3A_481 = tpu.unpack_subelements %mul3A_480, 0 {pack_format = #tpu.pack_format<interleaved>} : vector<32xbf16> -> vector<16xf32>
        %unpack3A_482 = tpu.unpack_subelements %mul3A_480, 1 {pack_format = #tpu.pack_format<interleaved>} : vector<32xbf16> -> vector<16xf32>
        %get3A_483 = arith.constant 1 : i32
        %get3A_484 = arith.index_cast %get3A_483 : i32 to index
        %get3A_485 = arith.index_cast %add3A_467 : i32 to index
        %get3A_486 = arith.constant 16 : index
        %get3A_487 = tpu.vector_load %arg8[%get3A_484, %get3A_485, %get3A_486] {strides = array<i32>} : memref<2x128x64xi32, #tpu.memory_space<vmem>>, vector<16xi32>,
        %bitcast3A_488 = vector.bitcast %get3A_487 : vector<16xi32> to vector<32xbf16>
        %get3A_489 = arith.constant 1 : i32
        %get3A_490 = arith.index_cast %get3A_489 : i32 to index
        %get3A_491 = arith.index_cast %add3A_467 : i32 to index
        %get3A_492 = arith.constant 16 : index
        %get3A_493 = tpu.vector_load %arg9[%get3A_490, %get3A_491, %get3A_492] {strides = array<i32>} : memref<2x128x64xi32, #tpu.memory_space<vmem>>, vector<16xi32>,
        %bitcast3A_494 = vector.bitcast %get3A_493 : vector<16xi32> to vector<32xbf16>
        %mul3A_495 = arith.mulf %bitcast3A_488, %bitcast3A_494 : vector<32xbf16>
        %unpack3A_496 = tpu.unpack_subelements %mul3A_495, 0 {pack_format = #tpu.pack_format<interleaved>} : vector<32xbf16> -> vector<16xf32>
        %unpack3A_497 = tpu.unpack_subelements %mul3A_495, 1 {pack_format = #tpu.pack_format<interleaved>} : vector<32xbf16> -> vector<16xf32>
        %add3A_498 = arith.addf %unpack3A_481, %unpack3A_496 : vector<16xf32>
        %add3A_499 = arith.addf %unpack3A_482, %unpack3A_497 : vector<16xf32>
        %get3A_500 = arith.constant 1 : i32
        %get3A_501 = arith.index_cast %get3A_500 : i32 to index
        %get3A_502 = arith.index_cast %add3A_467 : i32 to index
        %get3A_503 = arith.constant 32 : index
        %get3A_504 = tpu.vector_load %arg8[%get3A_501, %get3A_502, %get3A_503] {strides = array<i32>} : memref<2x128x64xi32, #tpu.memory_space<vmem>>, vector<16xi32>,
        %bitcast3A_505 = vector.bitcast %get3A_504 : vector<16xi32> to vector<32xbf16>
        %get3A_506 = arith.constant 1 : i32
        %get3A_507 = arith.index_cast %get3A_506 : i32 to index
        %get3A_508 = arith.index_cast %add3A_467 : i32 to index
        %get3A_509 = arith.constant 32 : index
        %get3A_510 = tpu.vector_load %arg9[%get3A_507, %get3A_508, %get3A_509] {strides = array<i32>} : memref<2x128x64xi32, #tpu.memory_space<vmem>>, vector<16xi32>,
        %bitcast3A_511 = vector.bitcast %get3A_510 : vector<16xi32> to vector<32xbf16>
        %mul3A_512 = arith.mulf %bitcast3A_505, %bitcast3A_511 : vector<32xbf16>
        %unpack3A_513 = tpu.unpack_subelements %mul3A_512, 0 {pack_format = #tpu.pack_format<interleaved>} : vector<32xbf16> -> vector<16xf32>
        %unpack3A_514 = tpu.unpack_subelements %mul3A_512, 1 {pack_format = #tpu.pack_format<interleaved>} : vector<32xbf16> -> vector<16xf32>
        %add3A_515 = arith.addf %add3A_498, %unpack3A_513 : vector<16xf32>
        %add3A_516 = arith.addf %add3A_499, %unpack3A_514 : vector<16xf32>
        %get3A_517 = arith.constant 1 : i32
        %get3A_518 = arith.index_cast %get3A_517 : i32 to index
        %get3A_519 = arith.index_cast %add3A_467 : i32 to index
        %get3A_520 = arith.constant 48 : index
        %get3A_521 = tpu.vector_load %arg8[%get3A_518, %get3A_519, %get3A_520] {strides = array<i32>} : memref<2x128x64xi32, #tpu.memory_space<vmem>>, vector<16xi32>,
        %bitcast3A_522 = vector.bitcast %get3A_521 : vector<16xi32> to vector<32xbf16>
        %get3A_523 = arith.constant 1 : i32
        %get3A_524 = arith.index_cast %get3A_523 : i32 to index
        %get3A_525 = arith.index_cast %add3A_467 : i32 to index
        %get3A_526 = arith.constant 48 : index
        %get3A_527 = tpu.vector_load %arg9[%get3A_524, %get3A_525, %get3A_526] {strides = array<i32>} : memref<2x128x64xi32, #tpu.memory_space<vmem>>, vector<16xi32>,
        %bitcast3A_528 = vector.bitcast %get3A_527 : vector<16xi32> to vector<32xbf16>
        %mul3A_529 = arith.mulf %bitcast3A_522, %bitcast3A_528 : vector<32xbf16>
        %unpack3A_530 = tpu.unpack_subelements %mul3A_529, 0 {pack_format = #tpu.pack_format<interleaved>} : vector<32xbf16> -> vector<16xf32>
        %unpack3A_531 = tpu.unpack_subelements %mul3A_529, 1 {pack_format = #tpu.pack_format<interleaved>} : vector<32xbf16> -> vector<16xf32>
        %add3A_532 = arith.addf %add3A_515, %unpack3A_530 : vector<16xf32>
        %add3A_533 = arith.addf %add3A_516, %unpack3A_531 : vector<16xf32>
        %add3A_534 = arith.addf %add3A_532, %add3A_533 : vector<16xf32>
        %add3A_535 = arith.constant 6 : i32
        %add3A_536 = arith.addi %mul3A_123, %add3A_535 : i32
        %get3A_537 = arith.constant 1 : i32
        %get3A_538 = arith.index_cast %get3A_537 : i32 to index
        %get3A_539 = arith.index_cast %add3A_536 : i32 to index
        %get3A_540 = arith.constant 0 : index
        %get3A_541 = tpu.vector_load %arg8[%get3A_538, %get3A_539, %get3A_540] {strides = array<i32>} : memref<2x128x64xi32, #tpu.memory_space<vmem>>, vector<16xi32>,
        %bitcast3A_542 = vector.bitcast %get3A_541 : vector<16xi32> to vector<32xbf16>
        %get3A_543 = arith.constant 1 : i32
        %get3A_544 = arith.index_cast %get3A_543 : i32 to index
        %get3A_545 = arith.index_cast %add3A_536 : i32 to index
        %get3A_546 = arith.constant 0 : index
        %get3A_547 = tpu.vector_load %arg9[%get3A_544, %get3A_545, %get3A_546] {strides = array<i32>} : memref<2x128x64xi32, #tpu.memory_space<vmem>>, vector<16xi32>,
        %bitcast3A_548 = vector.bitcast %get3A_547 : vector<16xi32> to vector<32xbf16>
        %mul3A_549 = arith.mulf %bitcast3A_542, %bitcast3A_548 : vector<32xbf16>
        %unpack3A_550 = tpu.unpack_subelements %mul3A_549, 0 {pack_format = #tpu.pack_format<interleaved>} : vector<32xbf16> -> vector<16xf32>
        %unpack3A_551 = tpu.unpack_subelements %mul3A_549, 1 {pack_format = #tpu.pack_format<interleaved>} : vector<32xbf16> -> vector<16xf32>
        %get3A_552 = arith.constant 1 : i32
        %get3A_553 = arith.index_cast %get3A_552 : i32 to index
        %get3A_554 = arith.index_cast %add3A_536 : i32 to index
        %get3A_555 = arith.constant 16 : index
        %get3A_556 = tpu.vector_load %arg8[%get3A_553, %get3A_554, %get3A_555] {strides = array<i32>} : memref<2x128x64xi32, #tpu.memory_space<vmem>>, vector<16xi32>,
        %bitcast3A_557 = vector.bitcast %get3A_556 : vector<16xi32> to vector<32xbf16>
        %get3A_558 = arith.constant 1 : i32
        %get3A_559 = arith.index_cast %get3A_558 : i32 to index
        %get3A_560 = arith.index_cast %add3A_536 : i32 to index
        %get3A_561 = arith.constant 16 : index
        %get3A_562 = tpu.vector_load %arg9[%get3A_559, %get3A_560, %get3A_561] {strides = array<i32>} : memref<2x128x64xi32, #tpu.memory_space<vmem>>, vector<16xi32>,
        %bitcast3A_563 = vector.bitcast %get3A_562 : vector<16xi32> to vector<32xbf16>
        %mul3A_564 = arith.mulf %bitcast3A_557, %bitcast3A_563 : vector<32xbf16>
        %unpack3A_565 = tpu.unpack_subelements %mul3A_564, 0 {pack_format = #tpu.pack_format<interleaved>} : vector<32xbf16> -> vector<16xf32>
        %unpack3A_566 = tpu.unpack_subelements %mul3A_564, 1 {pack_format = #tpu.pack_format<interleaved>} : vector<32xbf16> -> vector<16xf32>
        %add3A_567 = arith.addf %unpack3A_550, %unpack3A_565 : vector<16xf32>
        %add3A_568 = arith.addf %unpack3A_551, %unpack3A_566 : vector<16xf32>
        %get3A_569 = arith.constant 1 : i32
        %get3A_570 = arith.index_cast %get3A_569 : i32 to index
        %get3A_571 = arith.index_cast %add3A_536 : i32 to index
        %get3A_572 = arith.constant 32 : index
        %get3A_573 = tpu.vector_load %arg8[%get3A_570, %get3A_571, %get3A_572] {strides = array<i32>} : memref<2x128x64xi32, #tpu.memory_space<vmem>>, vector<16xi32>,
        %bitcast3A_574 = vector.bitcast %get3A_573 : vector<16xi32> to vector<32xbf16>
        %get3A_575 = arith.constant 1 : i32
        %get3A_576 = arith.index_cast %get3A_575 : i32 to index
        %get3A_577 = arith.index_cast %add3A_536 : i32 to index
        %get3A_578 = arith.constant 32 : index
        %get3A_579 = tpu.vector_load %arg9[%get3A_576, %get3A_577, %get3A_578] {strides = array<i32>} : memref<2x128x64xi32, #tpu.memory_space<vmem>>, vector<16xi32>,
        %bitcast3A_580 = vector.bitcast %get3A_579 : vector<16xi32> to vector<32xbf16>
        %mul3A_581 = arith.mulf %bitcast3A_574, %bitcast3A_580 : vector<32xbf16>
        %unpack3A_582 = tpu.unpack_subelements %mul3A_581, 0 {pack_format = #tpu.pack_format<interleaved>} : vector<32xbf16> -> vector<16xf32>
        %unpack3A_583 = tpu.unpack_subelements %mul3A_581, 1 {pack_format = #tpu.pack_format<interleaved>} : vector<32xbf16> -> vector<16xf32>
        %add3A_584 = arith.addf %add3A_567, %unpack3A_582 : vector<16xf32>
        %add3A_585 = arith.addf %add3A_568, %unpack3A_583 : vector<16xf32>
        %get3A_586 = arith.constant 1 : i32
        %get3A_587 = arith.index_cast %get3A_586 : i32 to index
        %get3A_588 = arith.index_cast %add3A_536 : i32 to index
        %get3A_589 = arith.constant 48 : index
        %get3A_590 = tpu.vector_load %arg8[%get3A_587, %get3A_588, %get3A_589] {strides = array<i32>} : memref<2x128x64xi32, #tpu.memory_space<vmem>>, vector<16xi32>,
        %bitcast3A_591 = vector.bitcast %get3A_590 : vector<16xi32> to vector<32xbf16>
        %get3A_592 = arith.constant 1 : i32
        %get3A_593 = arith.index_cast %get3A_592 : i32 to index
        %get3A_594 = arith.index_cast %add3A_536 : i32 to index
        %get3A_595 = arith.constant 48 : index
        %get3A_596 = tpu.vector_load %arg9[%get3A_593, %get3A_594, %get3A_595] {strides = array<i32>} : memref<2x128x64xi32, #tpu.memory_space<vmem>>, vector<16xi32>,
        %bitcast3A_597 = vector.bitcast %get3A_596 : vector<16xi32> to vector<32xbf16>
        %mul3A_598 = arith.mulf %bitcast3A_591, %bitcast3A_597 : vector<32xbf16>
        %unpack3A_599 = tpu.unpack_subelements %mul3A_598, 0 {pack_format = #tpu.pack_format<interleaved>} : vector<32xbf16> -> vector<16xf32>
        %unpack3A_600 = tpu.unpack_subelements %mul3A_598, 1 {pack_format = #tpu.pack_format<interleaved>} : vector<32xbf16> -> vector<16xf32>
        %add3A_601 = arith.addf %add3A_584, %unpack3A_599 : vector<16xf32>
        %add3A_602 = arith.addf %add3A_585, %unpack3A_600 : vector<16xf32>
        %add3A_603 = arith.addf %add3A_601, %add3A_602 : vector<16xf32>
        %add3A_604 = arith.constant 7 : i32
        %add3A_605 = arith.addi %mul3A_123, %add3A_604 : i32
        %get3A_606 = arith.constant 1 : i32
        %get3A_607 = arith.index_cast %get3A_606 : i32 to index
        %get3A_608 = arith.index_cast %add3A_605 : i32 to index
        %get3A_609 = arith.constant 0 : index
        %get3A_610 = tpu.vector_load %arg8[%get3A_607, %get3A_608, %get3A_609] {strides = array<i32>} : memref<2x128x64xi32, #tpu.memory_space<vmem>>, vector<16xi32>,
        %bitcast3A_611 = vector.bitcast %get3A_610 : vector<16xi32> to vector<32xbf16>
        %get3A_612 = arith.constant 1 : i32
        %get3A_613 = arith.index_cast %get3A_612 : i32 to index
        %get3A_614 = arith.index_cast %add3A_605 : i32 to index
        %get3A_615 = arith.constant 0 : index
        %get3A_616 = tpu.vector_load %arg9[%get3A_613, %get3A_614, %get3A_615] {strides = array<i32>} : memref<2x128x64xi32, #tpu.memory_space<vmem>>, vector<16xi32>,
        %bitcast3A_617 = vector.bitcast %get3A_616 : vector<16xi32> to vector<32xbf16>
        %mul3A_618 = arith.mulf %bitcast3A_611, %bitcast3A_617 : vector<32xbf16>
        %unpack3A_619 = tpu.unpack_subelements %mul3A_618, 0 {pack_format = #tpu.pack_format<interleaved>} : vector<32xbf16> -> vector<16xf32>
        %unpack3A_620 = tpu.unpack_subelements %mul3A_618, 1 {pack_format = #tpu.pack_format<interleaved>} : vector<32xbf16> -> vector<16xf32>
        %get3A_621 = arith.constant 1 : i32
        %get3A_622 = arith.index_cast %get3A_621 : i32 to index
        %get3A_623 = arith.index_cast %add3A_605 : i32 to index
        %get3A_624 = arith.constant 16 : index
        %get3A_625 = tpu.vector_load %arg8[%get3A_622, %get3A_623, %get3A_624] {strides = array<i32>} : memref<2x128x64xi32, #tpu.memory_space<vmem>>, vector<16xi32>,
        %bitcast3A_626 = vector.bitcast %get3A_625 : vector<16xi32> to vector<32xbf16>
        %get3A_627 = arith.constant 1 : i32
        %get3A_628 = arith.index_cast %get3A_627 : i32 to index
        %get3A_629 = arith.index_cast %add3A_605 : i32 to index
        %get3A_630 = arith.constant 16 : index
        %get3A_631 = tpu.vector_load %arg9[%get3A_628, %get3A_629, %get3A_630] {strides = array<i32>} : memref<2x128x64xi32, #tpu.memory_space<vmem>>, vector<16xi32>,
        %bitcast3A_632 = vector.bitcast %get3A_631 : vector<16xi32> to vector<32xbf16>
        %mul3A_633 = arith.mulf %bitcast3A_626, %bitcast3A_632 : vector<32xbf16>
        %unpack3A_634 = tpu.unpack_subelements %mul3A_633, 0 {pack_format = #tpu.pack_format<interleaved>} : vector<32xbf16> -> vector<16xf32>
        %unpack3A_635 = tpu.unpack_subelements %mul3A_633, 1 {pack_format = #tpu.pack_format<interleaved>} : vector<32xbf16> -> vector<16xf32>
        %add3A_636 = arith.addf %unpack3A_619, %unpack3A_634 : vector<16xf32>
        %add3A_637 = arith.addf %unpack3A_620, %unpack3A_635 : vector<16xf32>
        %get3A_638 = arith.constant 1 : i32
        %get3A_639 = arith.index_cast %get3A_638 : i32 to index
        %get3A_640 = arith.index_cast %add3A_605 : i32 to index
        %get3A_641 = arith.constant 32 : index
        %get3A_642 = tpu.vector_load %arg8[%get3A_639, %get3A_640, %get3A_641] {strides = array<i32>} : memref<2x128x64xi32, #tpu.memory_space<vmem>>, vector<16xi32>,
        %bitcast3A_643 = vector.bitcast %get3A_642 : vector<16xi32> to vector<32xbf16>
        %get3A_644 = arith.constant 1 : i32
        %get3A_645 = arith.index_cast %get3A_644 : i32 to index
        %get3A_646 = arith.index_cast %add3A_605 : i32 to index
        %get3A_647 = arith.constant 32 : index
        %get3A_648 = tpu.vector_load %arg9[%get3A_645, %get3A_646, %get3A_647] {strides = array<i32>} : memref<2x128x64xi32, #tpu.memory_space<vmem>>, vector<16xi32>,
        %bitcast3A_649 = vector.bitcast %get3A_648 : vector<16xi32> to vector<32xbf16>
        %mul3A_650 = arith.mulf %bitcast3A_643, %bitcast3A_649 : vector<32xbf16>
        %unpack3A_651 = tpu.unpack_subelements %mul3A_650, 0 {pack_format = #tpu.pack_format<interleaved>} : vector<32xbf16> -> vector<16xf32>
        %unpack3A_652 = tpu.unpack_subelements %mul3A_650, 1 {pack_format = #tpu.pack_format<interleaved>} : vector<32xbf16> -> vector<16xf32>
        %add3A_653 = arith.addf %add3A_636, %unpack3A_651 : vector<16xf32>
        %add3A_654 = arith.addf %add3A_637, %unpack3A_652 : vector<16xf32>
        %get3A_655 = arith.constant 1 : i32
        %get3A_656 = arith.index_cast %get3A_655 : i32 to index
        %get3A_657 = arith.index_cast %add3A_605 : i32 to index
        %get3A_658 = arith.constant 48 : index
        %get3A_659 = tpu.vector_load %arg8[%get3A_656, %get3A_657, %get3A_658] {strides = array<i32>} : memref<2x128x64xi32, #tpu.memory_space<vmem>>, vector<16xi32>,
        %bitcast3A_660 = vector.bitcast %get3A_659 : vector<16xi32> to vector<32xbf16>
        %get3A_661 = arith.constant 1 : i32
        %get3A_662 = arith.index_cast %get3A_661 : i32 to index
        %get3A_663 = arith.index_cast %add3A_605 : i32 to index
        %get3A_664 = arith.constant 48 : index
        %get3A_665 = tpu.vector_load %arg9[%get3A_662, %get3A_663, %get3A_664] {strides = array<i32>} : memref<2x128x64xi32, #tpu.memory_space<vmem>>, vector<16xi32>,
        %bitcast3A_666 = vector.bitcast %get3A_665 : vector<16xi32> to vector<32xbf16>
        %mul3A_667 = arith.mulf %bitcast3A_660, %bitcast3A_666 : vector<32xbf16>
        %unpack3A_668 = tpu.unpack_subelements %mul3A_667, 0 {pack_format = #tpu.pack_format<interleaved>} : vector<32xbf16> -> vector<16xf32>
        %unpack3A_669 = tpu.unpack_subelements %mul3A_667, 1 {pack_format = #tpu.pack_format<interleaved>} : vector<32xbf16> -> vector<16xf32>
        %add3A_670 = arith.addf %add3A_653, %unpack3A_668 : vector<16xf32>
        %add3A_671 = arith.addf %add3A_654, %unpack3A_669 : vector<16xf32>
        %add3A_672 = arith.addf %add3A_670, %add3A_671 : vector<16xf32>
        %add3A_673 = arith.constant 8 : i32
        %add3A_674 = arith.addi %mul3A_123, %add3A_673 : i32
        %get3A_675 = arith.constant 1 : i32
        %get3A_676 = arith.index_cast %get3A_675 : i32 to index
        %get3A_677 = arith.index_cast %add3A_674 : i32 to index
        %get3A_678 = arith.constant 0 : index
        %get3A_679 = tpu.vector_load %arg8[%get3A_676, %get3A_677, %get3A_678] {strides = array<i32>} : memref<2x128x64xi32, #tpu.memory_space<vmem>>, vector<16xi32>,
        %bitcast3A_680 = vector.bitcast %get3A_679 : vector<16xi32> to vector<32xbf16>
        %get3A_681 = arith.constant 1 : i32
        %get3A_682 = arith.index_cast %get3A_681 : i32 to index
        %get3A_683 = arith.index_cast %add3A_674 : i32 to index
        %get3A_684 = arith.constant 0 : index
        %get3A_685 = tpu.vector_load %arg9[%get3A_682, %get3A_683, %get3A_684] {strides = array<i32>} : memref<2x128x64xi32, #tpu.memory_space<vmem>>, vector<16xi32>,
        %bitcast3A_686 = vector.bitcast %get3A_685 : vector<16xi32> to vector<32xbf16>
        %mul3A_687 = arith.mulf %bitcast3A_680, %bitcast3A_686 : vector<32xbf16>
        %unpack3A_688 = tpu.unpack_subelements %mul3A_687, 0 {pack_format = #tpu.pack_format<interleaved>} : vector<32xbf16> -> vector<16xf32>
        %unpack3A_689 = tpu.unpack_subelements %mul3A_687, 1 {pack_format = #tpu.pack_format<interleaved>} : vector<32xbf16> -> vector<16xf32>
        %get3A_690 = arith.constant 1 : i32
        %get3A_691 = arith.index_cast %get3A_690 : i32 to index
        %get3A_692 = arith.index_cast %add3A_674 : i32 to index
        %get3A_693 = arith.constant 16 : index
        %get3A_694 = tpu.vector_load %arg8[%get3A_691, %get3A_692, %get3A_693] {strides = array<i32>} : memref<2x128x64xi32, #tpu.memory_space<vmem>>, vector<16xi32>,
        %bitcast3A_695 = vector.bitcast %get3A_694 : vector<16xi32> to vector<32xbf16>
        %get3A_696 = arith.constant 1 : i32
        %get3A_697 = arith.index_cast %get3A_696 : i32 to index
        %get3A_698 = arith.index_cast %add3A_674 : i32 to index
        %get3A_699 = arith.constant 16 : index
        %get3A_700 = tpu.vector_load %arg9[%get3A_697, %get3A_698, %get3A_699] {strides = array<i32>} : memref<2x128x64xi32, #tpu.memory_space<vmem>>, vector<16xi32>,
        %bitcast3A_701 = vector.bitcast %get3A_700 : vector<16xi32> to vector<32xbf16>
        %mul3A_702 = arith.mulf %bitcast3A_695, %bitcast3A_701 : vector<32xbf16>
        %unpack3A_703 = tpu.unpack_subelements %mul3A_702, 0 {pack_format = #tpu.pack_format<interleaved>} : vector<32xbf16> -> vector<16xf32>
        %unpack3A_704 = tpu.unpack_subelements %mul3A_702, 1 {pack_format = #tpu.pack_format<interleaved>} : vector<32xbf16> -> vector<16xf32>
        %add3A_705 = arith.addf %unpack3A_688, %unpack3A_703 : vector<16xf32>
        %add3A_706 = arith.addf %unpack3A_689, %unpack3A_704 : vector<16xf32>
        %get3A_707 = arith.constant 1 : i32
        %get3A_708 = arith.index_cast %get3A_707 : i32 to index
        %get3A_709 = arith.index_cast %add3A_674 : i32 to index
        %get3A_710 = arith.constant 32 : index
        %get3A_711 = tpu.vector_load %arg8[%get3A_708, %get3A_709, %get3A_710] {strides = array<i32>} : memref<2x128x64xi32, #tpu.memory_space<vmem>>, vector<16xi32>,
        %bitcast3A_712 = vector.bitcast %get3A_711 : vector<16xi32> to vector<32xbf16>
        %get3A_713 = arith.constant 1 : i32
        %get3A_714 = arith.index_cast %get3A_713 : i32 to index
        %get3A_715 = arith.index_cast %add3A_674 : i32 to index
        %get3A_716 = arith.constant 32 : index
        %get3A_717 = tpu.vector_load %arg9[%get3A_714, %get3A_715, %get3A_716] {strides = array<i32>} : memref<2x128x64xi32, #tpu.memory_space<vmem>>, vector<16xi32>,
        %bitcast3A_718 = vector.bitcast %get3A_717 : vector<16xi32> to vector<32xbf16>
        %mul3A_719 = arith.mulf %bitcast3A_712, %bitcast3A_718 : vector<32xbf16>
        %unpack3A_720 = tpu.unpack_subelements %mul3A_719, 0 {pack_format = #tpu.pack_format<interleaved>} : vector<32xbf16> -> vector<16xf32>
        %unpack3A_721 = tpu.unpack_subelements %mul3A_719, 1 {pack_format = #tpu.pack_format<interleaved>} : vector<32xbf16> -> vector<16xf32>
        %add3A_722 = arith.addf %add3A_705, %unpack3A_720 : vector<16xf32>
        %add3A_723 = arith.addf %add3A_706, %unpack3A_721 : vector<16xf32>
        %get3A_724 = arith.constant 1 : i32
        %get3A_725 = arith.index_cast %get3A_724 : i32 to index
        %get3A_726 = arith.index_cast %add3A_674 : i32 to index
        %get3A_727 = arith.constant 48 : index
        %get3A_728 = tpu.vector_load %arg8[%get3A_725, %get3A_726, %get3A_727] {strides = array<i32>} : memref<2x128x64xi32, #tpu.memory_space<vmem>>, vector<16xi32>,
        %bitcast3A_729 = vector.bitcast %get3A_728 : vector<16xi32> to vector<32xbf16>
        %get3A_730 = arith.constant 1 : i32
        %get3A_731 = arith.index_cast %get3A_730 : i32 to index
        %get3A_732 = arith.index_cast %add3A_674 : i32 to index
        %get3A_733 = arith.constant 48 : index
        %get3A_734 = tpu.vector_load %arg9[%get3A_731, %get3A_732, %get3A_733] {strides = array<i32>} : memref<2x128x64xi32, #tpu.memory_space<vmem>>, vector<16xi32>,
        %bitcast3A_735 = vector.bitcast %get3A_734 : vector<16xi32> to vector<32xbf16>
        %mul3A_736 = arith.mulf %bitcast3A_729, %bitcast3A_735 : vector<32xbf16>
        %unpack3A_737 = tpu.unpack_subelements %mul3A_736, 0 {pack_format = #tpu.pack_format<interleaved>} : vector<32xbf16> -> vector<16xf32>
        %unpack3A_738 = tpu.unpack_subelements %mul3A_736, 1 {pack_format = #tpu.pack_format<interleaved>} : vector<32xbf16> -> vector<16xf32>
        %add3A_739 = arith.addf %add3A_722, %unpack3A_737 : vector<16xf32>
        %add3A_740 = arith.addf %add3A_723, %unpack3A_738 : vector<16xf32>
        %add3A_741 = arith.addf %add3A_739, %add3A_740 : vector<16xf32>
        %add3A_742 = arith.constant 9 : i32
        %add3A_743 = arith.addi %mul3A_123, %add3A_742 : i32
        %get3A_744 = arith.constant 1 : i32
        %get3A_745 = arith.index_cast %get3A_744 : i32 to index
        %get3A_746 = arith.index_cast %add3A_743 : i32 to index
        %get3A_747 = arith.constant 0 : index
        %get3A_748 = tpu.vector_load %arg8[%get3A_745, %get3A_746, %get3A_747] {strides = array<i32>} : memref<2x128x64xi32, #tpu.memory_space<vmem>>, vector<16xi32>,
        %bitcast3A_749 = vector.bitcast %get3A_748 : vector<16xi32> to vector<32xbf16>
        %get3A_750 = arith.constant 1 : i32
        %get3A_751 = arith.index_cast %get3A_750 : i32 to index
        %get3A_752 = arith.index_cast %add3A_743 : i32 to index
        %get3A_753 = arith.constant 0 : index
        %get3A_754 = tpu.vector_load %arg9[%get3A_751, %get3A_752, %get3A_753] {strides = array<i32>} : memref<2x128x64xi32, #tpu.memory_space<vmem>>, vector<16xi32>,
        %bitcast3A_755 = vector.bitcast %get3A_754 : vector<16xi32> to vector<32xbf16>
        %mul3A_756 = arith.mulf %bitcast3A_749, %bitcast3A_755 : vector<32xbf16>
        %unpack3A_757 = tpu.unpack_subelements %mul3A_756, 0 {pack_format = #tpu.pack_format<interleaved>} : vector<32xbf16> -> vector<16xf32>
        %unpack3A_758 = tpu.unpack_subelements %mul3A_756, 1 {pack_format = #tpu.pack_format<interleaved>} : vector<32xbf16> -> vector<16xf32>
        %get3A_759 = arith.constant 1 : i32
        %get3A_760 = arith.index_cast %get3A_759 : i32 to index
        %get3A_761 = arith.index_cast %add3A_743 : i32 to index
        %get3A_762 = arith.constant 16 : index
        %get3A_763 = tpu.vector_load %arg8[%get3A_760, %get3A_761, %get3A_762] {strides = array<i32>} : memref<2x128x64xi32, #tpu.memory_space<vmem>>, vector<16xi32>,
        %bitcast3A_764 = vector.bitcast %get3A_763 : vector<16xi32> to vector<32xbf16>
        %get3A_765 = arith.constant 1 : i32
        %get3A_766 = arith.index_cast %get3A_765 : i32 to index
        %get3A_767 = arith.index_cast %add3A_743 : i32 to index
        %get3A_768 = arith.constant 16 : index
        %get3A_769 = tpu.vector_load %arg9[%get3A_766, %get3A_767, %get3A_768] {strides = array<i32>} : memref<2x128x64xi32, #tpu.memory_space<vmem>>, vector<16xi32>,
        %bitcast3A_770 = vector.bitcast %get3A_769 : vector<16xi32> to vector<32xbf16>
        %mul3A_771 = arith.mulf %bitcast3A_764, %bitcast3A_770 : vector<32xbf16>
        %unpack3A_772 = tpu.unpack_subelements %mul3A_771, 0 {pack_format = #tpu.pack_format<interleaved>} : vector<32xbf16> -> vector<16xf32>
        %unpack3A_773 = tpu.unpack_subelements %mul3A_771, 1 {pack_format = #tpu.pack_format<interleaved>} : vector<32xbf16> -> vector<16xf32>
        %add3A_774 = arith.addf %unpack3A_757, %unpack3A_772 : vector<16xf32>
        %add3A_775 = arith.addf %unpack3A_758, %unpack3A_773 : vector<16xf32>
        %get3A_776 = arith.constant 1 : i32
        %get3A_777 = arith.index_cast %get3A_776 : i32 to index
        %get3A_778 = arith.index_cast %add3A_743 : i32 to index
        %get3A_779 = arith.constant 32 : index
        %get3A_780 = tpu.vector_load %arg8[%get3A_777, %get3A_778, %get3A_779] {strides = array<i32>} : memref<2x128x64xi32, #tpu.memory_space<vmem>>, vector<16xi32>,
        %bitcast3A_781 = vector.bitcast %get3A_780 : vector<16xi32> to vector<32xbf16>
        %get3A_782 = arith.constant 1 : i32
        %get3A_783 = arith.index_cast %get3A_782 : i32 to index
        %get3A_784 = arith.index_cast %add3A_743 : i32 to index
        %get3A_785 = arith.constant 32 : index
        %get3A_786 = tpu.vector_load %arg9[%get3A_783, %get3A_784, %get3A_785] {strides = array<i32>} : memref<2x128x64xi32, #tpu.memory_space<vmem>>, vector<16xi32>,
        %bitcast3A_787 = vector.bitcast %get3A_786 : vector<16xi32> to vector<32xbf16>
        %mul3A_788 = arith.mulf %bitcast3A_781, %bitcast3A_787 : vector<32xbf16>
        %unpack3A_789 = tpu.unpack_subelements %mul3A_788, 0 {pack_format = #tpu.pack_format<interleaved>} : vector<32xbf16> -> vector<16xf32>
        %unpack3A_790 = tpu.unpack_subelements %mul3A_788, 1 {pack_format = #tpu.pack_format<interleaved>} : vector<32xbf16> -> vector<16xf32>
        %add3A_791 = arith.addf %add3A_774, %unpack3A_789 : vector<16xf32>
        %add3A_792 = arith.addf %add3A_775, %unpack3A_790 : vector<16xf32>
        %get3A_793 = arith.constant 1 : i32
        %get3A_794 = arith.index_cast %get3A_793 : i32 to index
        %get3A_795 = arith.index_cast %add3A_743 : i32 to index
        %get3A_796 = arith.constant 48 : index
        %get3A_797 = tpu.vector_load %arg8[%get3A_794, %get3A_795, %get3A_796] {strides = array<i32>} : memref<2x128x64xi32, #tpu.memory_space<vmem>>, vector<16xi32>,
        %bitcast3A_798 = vector.bitcast %get3A_797 : vector<16xi32> to vector<32xbf16>
        %get3A_799 = arith.constant 1 : i32
        %get3A_800 = arith.index_cast %get3A_799 : i32 to index
        %get3A_801 = arith.index_cast %add3A_743 : i32 to index
        %get3A_802 = arith.constant 48 : index
        %get3A_803 = tpu.vector_load %arg9[%get3A_800, %get3A_801, %get3A_802] {strides = array<i32>} : memref<2x128x64xi32, #tpu.memory_space<vmem>>, vector<16xi32>,
        %bitcast3A_804 = vector.bitcast %get3A_803 : vector<16xi32> to vector<32xbf16>
        %mul3A_805 = arith.mulf %bitcast3A_798, %bitcast3A_804 : vector<32xbf16>
        %unpack3A_806 = tpu.unpack_subelements %mul3A_805, 0 {pack_format = #tpu.pack_format<interleaved>} : vector<32xbf16> -> vector<16xf32>
        %unpack3A_807 = tpu.unpack_subelements %mul3A_805, 1 {pack_format = #tpu.pack_format<interleaved>} : vector<32xbf16> -> vector<16xf32>
        %add3A_808 = arith.addf %add3A_791, %unpack3A_806 : vector<16xf32>
        %add3A_809 = arith.addf %add3A_792, %unpack3A_807 : vector<16xf32>
        %add3A_810 = arith.addf %add3A_808, %add3A_809 : vector<16xf32>
        %add3A_811 = arith.constant 10 : i32
        %add3A_812 = arith.addi %mul3A_123, %add3A_811 : i32
        %get3A_813 = arith.constant 1 : i32
        %get3A_814 = arith.index_cast %get3A_813 : i32 to index
        %get3A_815 = arith.index_cast %add3A_812 : i32 to index
        %get3A_816 = arith.constant 0 : index
        %get3A_817 = tpu.vector_load %arg8[%get3A_814, %get3A_815, %get3A_816] {strides = array<i32>} : memref<2x128x64xi32, #tpu.memory_space<vmem>>, vector<16xi32>,
        %bitcast3A_818 = vector.bitcast %get3A_817 : vector<16xi32> to vector<32xbf16>
        %get3A_819 = arith.constant 1 : i32
        %get3A_820 = arith.index_cast %get3A_819 : i32 to index
        %get3A_821 = arith.index_cast %add3A_812 : i32 to index
        %get3A_822 = arith.constant 0 : index
        %get3A_823 = tpu.vector_load %arg9[%get3A_820, %get3A_821, %get3A_822] {strides = array<i32>} : memref<2x128x64xi32, #tpu.memory_space<vmem>>, vector<16xi32>,
        %bitcast3A_824 = vector.bitcast %get3A_823 : vector<16xi32> to vector<32xbf16>
        %mul3A_825 = arith.mulf %bitcast3A_818, %bitcast3A_824 : vector<32xbf16>
        %unpack3A_826 = tpu.unpack_subelements %mul3A_825, 0 {pack_format = #tpu.pack_format<interleaved>} : vector<32xbf16> -> vector<16xf32>
        %unpack3A_827 = tpu.unpack_subelements %mul3A_825, 1 {pack_format = #tpu.pack_format<interleaved>} : vector<32xbf16> -> vector<16xf32>
        %get3A_828 = arith.constant 1 : i32
        %get3A_829 = arith.index_cast %get3A_828 : i32 to index
        %get3A_830 = arith.index_cast %add3A_812 : i32 to index
        %get3A_831 = arith.constant 16 : index
        %get3A_832 = tpu.vector_load %arg8[%get3A_829, %get3A_830, %get3A_831] {strides = array<i32>} : memref<2x128x64xi32, #tpu.memory_space<vmem>>, vector<16xi32>,
        %bitcast3A_833 = vector.bitcast %get3A_832 : vector<16xi32> to vector<32xbf16>
        %get3A_834 = arith.constant 1 : i32
        %get3A_835 = arith.index_cast %get3A_834 : i32 to index
        %get3A_836 = arith.index_cast %add3A_812 : i32 to index
        %get3A_837 = arith.constant 16 : index
        %get3A_838 = tpu.vector_load %arg9[%get3A_835, %get3A_836, %get3A_837] {strides = array<i32>} : memref<2x128x64xi32, #tpu.memory_space<vmem>>, vector<16xi32>,
        %bitcast3A_839 = vector.bitcast %get3A_838 : vector<16xi32> to vector<32xbf16>
        %mul3A_840 = arith.mulf %bitcast3A_833, %bitcast3A_839 : vector<32xbf16>
        %unpack3A_841 = tpu.unpack_subelements %mul3A_840, 0 {pack_format = #tpu.pack_format<interleaved>} : vector<32xbf16> -> vector<16xf32>
        %unpack3A_842 = tpu.unpack_subelements %mul3A_840, 1 {pack_format = #tpu.pack_format<interleaved>} : vector<32xbf16> -> vector<16xf32>
        %add3A_843 = arith.addf %unpack3A_826, %unpack3A_841 : vector<16xf32>
        %add3A_844 = arith.addf %unpack3A_827, %unpack3A_842 : vector<16xf32>
        %get3A_845 = arith.constant 1 : i32
        %get3A_846 = arith.index_cast %get3A_845 : i32 to index
        %get3A_847 = arith.index_cast %add3A_812 : i32 to index
        %get3A_848 = arith.constant 32 : index
        %get3A_849 = tpu.vector_load %arg8[%get3A_846, %get3A_847, %get3A_848] {strides = array<i32>} : memref<2x128x64xi32, #tpu.memory_space<vmem>>, vector<16xi32>,
        %bitcast3A_850 = vector.bitcast %get3A_849 : vector<16xi32> to vector<32xbf16>
        %get3A_851 = arith.constant 1 : i32
        %get3A_852 = arith.index_cast %get3A_851 : i32 to index
        %get3A_853 = arith.index_cast %add3A_812 : i32 to index
        %get3A_854 = arith.constant 32 : index
        %get3A_855 = tpu.vector_load %arg9[%get3A_852, %get3A_853, %get3A_854] {strides = array<i32>} : memref<2x128x64xi32, #tpu.memory_space<vmem>>, vector<16xi32>,
        %bitcast3A_856 = vector.bitcast %get3A_855 : vector<16xi32> to vector<32xbf16>
        %mul3A_857 = arith.mulf %bitcast3A_850, %bitcast3A_856 : vector<32xbf16>
        %unpack3A_858 = tpu.unpack_subelements %mul3A_857, 0 {pack_format = #tpu.pack_format<interleaved>} : vector<32xbf16> -> vector<16xf32>
        %unpack3A_859 = tpu.unpack_subelements %mul3A_857, 1 {pack_format = #tpu.pack_format<interleaved>} : vector<32xbf16> -> vector<16xf32>
        %add3A_860 = arith.addf %add3A_843, %unpack3A_858 : vector<16xf32>
        %add3A_861 = arith.addf %add3A_844, %unpack3A_859 : vector<16xf32>
        %get3A_862 = arith.constant 1 : i32
        %get3A_863 = arith.index_cast %get3A_862 : i32 to index
        %get3A_864 = arith.index_cast %add3A_812 : i32 to index
        %get3A_865 = arith.constant 48 : index
        %get3A_866 = tpu.vector_load %arg8[%get3A_863, %get3A_864, %get3A_865] {strides = array<i32>} : memref<2x128x64xi32, #tpu.memory_space<vmem>>, vector<16xi32>,
        %bitcast3A_867 = vector.bitcast %get3A_866 : vector<16xi32> to vector<32xbf16>
        %get3A_868 = arith.constant 1 : i32
        %get3A_869 = arith.index_cast %get3A_868 : i32 to index
        %get3A_870 = arith.index_cast %add3A_812 : i32 to index
        %get3A_871 = arith.constant 48 : index
        %get3A_872 = tpu.vector_load %arg9[%get3A_869, %get3A_870, %get3A_871] {strides = array<i32>} : memref<2x128x64xi32, #tpu.memory_space<vmem>>, vector<16xi32>,
        %bitcast3A_873 = vector.bitcast %get3A_872 : vector<16xi32> to vector<32xbf16>
        %mul3A_874 = arith.mulf %bitcast3A_867, %bitcast3A_873 : vector<32xbf16>
        %unpack3A_875 = tpu.unpack_subelements %mul3A_874, 0 {pack_format = #tpu.pack_format<interleaved>} : vector<32xbf16> -> vector<16xf32>
        %unpack3A_876 = tpu.unpack_subelements %mul3A_874, 1 {pack_format = #tpu.pack_format<interleaved>} : vector<32xbf16> -> vector<16xf32>
        %add3A_877 = arith.addf %add3A_860, %unpack3A_875 : vector<16xf32>
        %add3A_878 = arith.addf %add3A_861, %unpack3A_876 : vector<16xf32>
        %add3A_879 = arith.addf %add3A_877, %add3A_878 : vector<16xf32>
        %add3A_880 = arith.constant 11 : i32
        %add3A_881 = arith.addi %mul3A_123, %add3A_880 : i32
        %get3A_882 = arith.constant 1 : i32
        %get3A_883 = arith.index_cast %get3A_882 : i32 to index
        %get3A_884 = arith.index_cast %add3A_881 : i32 to index
        %get3A_885 = arith.constant 0 : index
        %get3A_886 = tpu.vector_load %arg8[%get3A_883, %get3A_884, %get3A_885] {strides = array<i32>} : memref<2x128x64xi32, #tpu.memory_space<vmem>>, vector<16xi32>,
        %bitcast3A_887 = vector.bitcast %get3A_886 : vector<16xi32> to vector<32xbf16>
        %get3A_888 = arith.constant 1 : i32
        %get3A_889 = arith.index_cast %get3A_888 : i32 to index
        %get3A_890 = arith.index_cast %add3A_881 : i32 to index
        %get3A_891 = arith.constant 0 : index
        %get3A_892 = tpu.vector_load %arg9[%get3A_889, %get3A_890, %get3A_891] {strides = array<i32>} : memref<2x128x64xi32, #tpu.memory_space<vmem>>, vector<16xi32>,
        %bitcast3A_893 = vector.bitcast %get3A_892 : vector<16xi32> to vector<32xbf16>
        %mul3A_894 = arith.mulf %bitcast3A_887, %bitcast3A_893 : vector<32xbf16>
        %unpack3A_895 = tpu.unpack_subelements %mul3A_894, 0 {pack_format = #tpu.pack_format<interleaved>} : vector<32xbf16> -> vector<16xf32>
        %unpack3A_896 = tpu.unpack_subelements %mul3A_894, 1 {pack_format = #tpu.pack_format<interleaved>} : vector<32xbf16> -> vector<16xf32>
        %get3A_897 = arith.constant 1 : i32
        %get3A_898 = arith.index_cast %get3A_897 : i32 to index
        %get3A_899 = arith.index_cast %add3A_881 : i32 to index
        %get3A_900 = arith.constant 16 : index
        %get3A_901 = tpu.vector_load %arg8[%get3A_898, %get3A_899, %get3A_900] {strides = array<i32>} : memref<2x128x64xi32, #tpu.memory_space<vmem>>, vector<16xi32>,
        %bitcast3A_902 = vector.bitcast %get3A_901 : vector<16xi32> to vector<32xbf16>
        %get3A_903 = arith.constant 1 : i32
        %get3A_904 = arith.index_cast %get3A_903 : i32 to index
        %get3A_905 = arith.index_cast %add3A_881 : i32 to index
        %get3A_906 = arith.constant 16 : index
        %get3A_907 = tpu.vector_load %arg9[%get3A_904, %get3A_905, %get3A_906] {strides = array<i32>} : memref<2x128x64xi32, #tpu.memory_space<vmem>>, vector<16xi32>,
        %bitcast3A_908 = vector.bitcast %get3A_907 : vector<16xi32> to vector<32xbf16>
        %mul3A_909 = arith.mulf %bitcast3A_902, %bitcast3A_908 : vector<32xbf16>
        %unpack3A_910 = tpu.unpack_subelements %mul3A_909, 0 {pack_format = #tpu.pack_format<interleaved>} : vector<32xbf16> -> vector<16xf32>
        %unpack3A_911 = tpu.unpack_subelements %mul3A_909, 1 {pack_format = #tpu.pack_format<interleaved>} : vector<32xbf16> -> vector<16xf32>
        %add3A_912 = arith.addf %unpack3A_895, %unpack3A_910 : vector<16xf32>
        %add3A_913 = arith.addf %unpack3A_896, %unpack3A_911 : vector<16xf32>
        %get3A_914 = arith.constant 1 : i32
        %get3A_915 = arith.index_cast %get3A_914 : i32 to index
        %get3A_916 = arith.index_cast %add3A_881 : i32 to index
        %get3A_917 = arith.constant 32 : index
        %get3A_918 = tpu.vector_load %arg8[%get3A_915, %get3A_916, %get3A_917] {strides = array<i32>} : memref<2x128x64xi32, #tpu.memory_space<vmem>>, vector<16xi32>,
        %bitcast3A_919 = vector.bitcast %get3A_918 : vector<16xi32> to vector<32xbf16>
        %get3A_920 = arith.constant 1 : i32
        %get3A_921 = arith.index_cast %get3A_920 : i32 to index
        %get3A_922 = arith.index_cast %add3A_881 : i32 to index
        %get3A_923 = arith.constant 32 : index
        %get3A_924 = tpu.vector_load %arg9[%get3A_921, %get3A_922, %get3A_923] {strides = array<i32>} : memref<2x128x64xi32, #tpu.memory_space<vmem>>, vector<16xi32>,
        %bitcast3A_925 = vector.bitcast %get3A_924 : vector<16xi32> to vector<32xbf16>
        %mul3A_926 = arith.mulf %bitcast3A_919, %bitcast3A_925 : vector<32xbf16>
        %unpack3A_927 = tpu.unpack_subelements %mul3A_926, 0 {pack_format = #tpu.pack_format<interleaved>} : vector<32xbf16> -> vector<16xf32>
        %unpack3A_928 = tpu.unpack_subelements %mul3A_926, 1 {pack_format = #tpu.pack_format<interleaved>} : vector<32xbf16> -> vector<16xf32>
        %add3A_929 = arith.addf %add3A_912, %unpack3A_927 : vector<16xf32>
        %add3A_930 = arith.addf %add3A_913, %unpack3A_928 : vector<16xf32>
        %get3A_931 = arith.constant 1 : i32
        %get3A_932 = arith.index_cast %get3A_931 : i32 to index
        %get3A_933 = arith.index_cast %add3A_881 : i32 to index
        %get3A_934 = arith.constant 48 : index
        %get3A_935 = tpu.vector_load %arg8[%get3A_932, %get3A_933, %get3A_934] {strides = array<i32>} : memref<2x128x64xi32, #tpu.memory_space<vmem>>, vector<16xi32>,
        %bitcast3A_936 = vector.bitcast %get3A_935 : vector<16xi32> to vector<32xbf16>
        %get3A_937 = arith.constant 1 : i32
        %get3A_938 = arith.index_cast %get3A_937 : i32 to index
        %get3A_939 = arith.index_cast %add3A_881 : i32 to index
        %get3A_940 = arith.constant 48 : index
        %get3A_941 = tpu.vector_load %arg9[%get3A_938, %get3A_939, %get3A_940] {strides = array<i32>} : memref<2x128x64xi32, #tpu.memory_space<vmem>>, vector<16xi32>,
        %bitcast3A_942 = vector.bitcast %get3A_941 : vector<16xi32> to vector<32xbf16>
        %mul3A_943 = arith.mulf %bitcast3A_936, %bitcast3A_942 : vector<32xbf16>
        %unpack3A_944 = tpu.unpack_subelements %mul3A_943, 0 {pack_format = #tpu.pack_format<interleaved>} : vector<32xbf16> -> vector<16xf32>
        %unpack3A_945 = tpu.unpack_subelements %mul3A_943, 1 {pack_format = #tpu.pack_format<interleaved>} : vector<32xbf16> -> vector<16xf32>
        %add3A_946 = arith.addf %add3A_929, %unpack3A_944 : vector<16xf32>
        %add3A_947 = arith.addf %add3A_930, %unpack3A_945 : vector<16xf32>
        %add3A_948 = arith.addf %add3A_946, %add3A_947 : vector<16xf32>
        %add3A_949 = arith.constant 12 : i32
        %add3A_950 = arith.addi %mul3A_123, %add3A_949 : i32
        %get3A_951 = arith.constant 1 : i32
        %get3A_952 = arith.index_cast %get3A_951 : i32 to index
        %get3A_953 = arith.index_cast %add3A_950 : i32 to index
        %get3A_954 = arith.constant 0 : index
        %get3A_955 = tpu.vector_load %arg8[%get3A_952, %get3A_953, %get3A_954] {strides = array<i32>} : memref<2x128x64xi32, #tpu.memory_space<vmem>>, vector<16xi32>,
        %bitcast3A_956 = vector.bitcast %get3A_955 : vector<16xi32> to vector<32xbf16>
        %get3A_957 = arith.constant 1 : i32
        %get3A_958 = arith.index_cast %get3A_957 : i32 to index
        %get3A_959 = arith.index_cast %add3A_950 : i32 to index
        %get3A_960 = arith.constant 0 : index
        %get3A_961 = tpu.vector_load %arg9[%get3A_958, %get3A_959, %get3A_960] {strides = array<i32>} : memref<2x128x64xi32, #tpu.memory_space<vmem>>, vector<16xi32>,
        %bitcast3A_962 = vector.bitcast %get3A_961 : vector<16xi32> to vector<32xbf16>
        %mul3A_963 = arith.mulf %bitcast3A_956, %bitcast3A_962 : vector<32xbf16>
        %unpack3A_964 = tpu.unpack_subelements %mul3A_963, 0 {pack_format = #tpu.pack_format<interleaved>} : vector<32xbf16> -> vector<16xf32>
        %unpack3A_965 = tpu.unpack_subelements %mul3A_963, 1 {pack_format = #tpu.pack_format<interleaved>} : vector<32xbf16> -> vector<16xf32>
        %get3A_966 = arith.constant 1 : i32
        %get3A_967 = arith.index_cast %get3A_966 : i32 to index
        %get3A_968 = arith.index_cast %add3A_950 : i32 to index
        %get3A_969 = arith.constant 16 : index
        %get3A_970 = tpu.vector_load %arg8[%get3A_967, %get3A_968, %get3A_969] {strides = array<i32>} : memref<2x128x64xi32, #tpu.memory_space<vmem>>, vector<16xi32>,
        %bitcast3A_971 = vector.bitcast %get3A_970 : vector<16xi32> to vector<32xbf16>
        %get3A_972 = arith.constant 1 : i32
        %get3A_973 = arith.index_cast %get3A_972 : i32 to index
        %get3A_974 = arith.index_cast %add3A_950 : i32 to index
        %get3A_975 = arith.constant 16 : index
        %get3A_976 = tpu.vector_load %arg9[%get3A_973, %get3A_974, %get3A_975] {strides = array<i32>} : memref<2x128x64xi32, #tpu.memory_space<vmem>>, vector<16xi32>,
        %bitcast3A_977 = vector.bitcast %get3A_976 : vector<16xi32> to vector<32xbf16>
        %mul3A_978 = arith.mulf %bitcast3A_971, %bitcast3A_977 : vector<32xbf16>
        %unpack3A_979 = tpu.unpack_subelements %mul3A_978, 0 {pack_format = #tpu.pack_format<interleaved>} : vector<32xbf16> -> vector<16xf32>
        %unpack3A_980 = tpu.unpack_subelements %mul3A_978, 1 {pack_format = #tpu.pack_format<interleaved>} : vector<32xbf16> -> vector<16xf32>
        %add3A_981 = arith.addf %unpack3A_964, %unpack3A_979 : vector<16xf32>
        %add3A_982 = arith.addf %unpack3A_965, %unpack3A_980 : vector<16xf32>
        %get3A_983 = arith.constant 1 : i32
        %get3A_984 = arith.index_cast %get3A_983 : i32 to index
        %get3A_985 = arith.index_cast %add3A_950 : i32 to index
        %get3A_986 = arith.constant 32 : index
        %get3A_987 = tpu.vector_load %arg8[%get3A_984, %get3A_985, %get3A_986] {strides = array<i32>} : memref<2x128x64xi32, #tpu.memory_space<vmem>>, vector<16xi32>,
        %bitcast3A_988 = vector.bitcast %get3A_987 : vector<16xi32> to vector<32xbf16>
        %get3A_989 = arith.constant 1 : i32
        %get3A_990 = arith.index_cast %get3A_989 : i32 to index
        %get3A_991 = arith.index_cast %add3A_950 : i32 to index
        %get3A_992 = arith.constant 32 : index
        %get3A_993 = tpu.vector_load %arg9[%get3A_990, %get3A_991, %get3A_992] {strides = array<i32>} : memref<2x128x64xi32, #tpu.memory_space<vmem>>, vector<16xi32>,
        %bitcast3A_994 = vector.bitcast %get3A_993 : vector<16xi32> to vector<32xbf16>
        %mul3A_995 = arith.mulf %bitcast3A_988, %bitcast3A_994 : vector<32xbf16>
        %unpack3A_996 = tpu.unpack_subelements %mul3A_995, 0 {pack_format = #tpu.pack_format<interleaved>} : vector<32xbf16> -> vector<16xf32>
        %unpack3A_997 = tpu.unpack_subelements %mul3A_995, 1 {pack_format = #tpu.pack_format<interleaved>} : vector<32xbf16> -> vector<16xf32>
        %add3A_998 = arith.addf %add3A_981, %unpack3A_996 : vector<16xf32>
        %add3A_999 = arith.addf %add3A_982, %unpack3A_997 : vector<16xf32>
        %get3A_1000 = arith.constant 1 : i32
        %get3A_1001 = arith.index_cast %get3A_1000 : i32 to index
        %get3A_1002 = arith.index_cast %add3A_950 : i32 to index
        %get3A_1003 = arith.constant 48 : index
        %get3A_1004 = tpu.vector_load %arg8[%get3A_1001, %get3A_1002, %get3A_1003] {strides = array<i32>} : memref<2x128x64xi32, #tpu.memory_space<vmem>>, vector<16xi32>,
        %bitcast3A_1005 = vector.bitcast %get3A_1004 : vector<16xi32> to vector<32xbf16>
        %get3A_1006 = arith.constant 1 : i32
        %get3A_1007 = arith.index_cast %get3A_1006 : i32 to index
        %get3A_1008 = arith.index_cast %add3A_950 : i32 to index
        %get3A_1009 = arith.constant 48 : index
        %get3A_1010 = tpu.vector_load %arg9[%get3A_1007, %get3A_1008, %get3A_1009] {strides = array<i32>} : memref<2x128x64xi32, #tpu.memory_space<vmem>>, vector<16xi32>,
        %bitcast3A_1011 = vector.bitcast %get3A_1010 : vector<16xi32> to vector<32xbf16>
        %mul3A_1012 = arith.mulf %bitcast3A_1005, %bitcast3A_1011 : vector<32xbf16>
        %unpack3A_1013 = tpu.unpack_subelements %mul3A_1012, 0 {pack_format = #tpu.pack_format<interleaved>} : vector<32xbf16> -> vector<16xf32>
        %unpack3A_1014 = tpu.unpack_subelements %mul3A_1012, 1 {pack_format = #tpu.pack_format<interleaved>} : vector<32xbf16> -> vector<16xf32>
        %add3A_1015 = arith.addf %add3A_998, %unpack3A_1013 : vector<16xf32>
        %add3A_1016 = arith.addf %add3A_999, %unpack3A_1014 : vector<16xf32>
        %add3A_1017 = arith.addf %add3A_1015, %add3A_1016 : vector<16xf32>
        %add3A_1018 = arith.constant 13 : i32
        %add3A_1019 = arith.addi %mul3A_123, %add3A_1018 : i32
        %get3A_1020 = arith.constant 1 : i32
        %get3A_1021 = arith.index_cast %get3A_1020 : i32 to index
        %get3A_1022 = arith.index_cast %add3A_1019 : i32 to index
        %get3A_1023 = arith.constant 0 : index
        %get3A_1024 = tpu.vector_load %arg8[%get3A_1021, %get3A_1022, %get3A_1023] {strides = array<i32>} : memref<2x128x64xi32, #tpu.memory_space<vmem>>, vector<16xi32>,
        %bitcast3A_1025 = vector.bitcast %get3A_1024 : vector<16xi32> to vector<32xbf16>
        %get3A_1026 = arith.constant 1 : i32
        %get3A_1027 = arith.index_cast %get3A_1026 : i32 to index
        %get3A_1028 = arith.index_cast %add3A_1019 : i32 to index
        %get3A_1029 = arith.constant 0 : index
        %get3A_1030 = tpu.vector_load %arg9[%get3A_1027, %get3A_1028, %get3A_1029] {strides = array<i32>} : memref<2x128x64xi32, #tpu.memory_space<vmem>>, vector<16xi32>,
        %bitcast3A_1031 = vector.bitcast %get3A_1030 : vector<16xi32> to vector<32xbf16>
        %mul3A_1032 = arith.mulf %bitcast3A_1025, %bitcast3A_1031 : vector<32xbf16>
        %unpack3A_1033 = tpu.unpack_subelements %mul3A_1032, 0 {pack_format = #tpu.pack_format<interleaved>} : vector<32xbf16> -> vector<16xf32>
        %unpack3A_1034 = tpu.unpack_subelements %mul3A_1032, 1 {pack_format = #tpu.pack_format<interleaved>} : vector<32xbf16> -> vector<16xf32>
        %get3A_1035 = arith.constant 1 : i32
        %get3A_1036 = arith.index_cast %get3A_1035 : i32 to index
        %get3A_1037 = arith.index_cast %add3A_1019 : i32 to index
        %get3A_1038 = arith.constant 16 : index
        %get3A_1039 = tpu.vector_load %arg8[%get3A_1036, %get3A_1037, %get3A_1038] {strides = array<i32>} : memref<2x128x64xi32, #tpu.memory_space<vmem>>, vector<16xi32>,
        %bitcast3A_1040 = vector.bitcast %get3A_1039 : vector<16xi32> to vector<32xbf16>
        %get3A_1041 = arith.constant 1 : i32
        %get3A_1042 = arith.index_cast %get3A_1041 : i32 to index
        %get3A_1043 = arith.index_cast %add3A_1019 : i32 to index
        %get3A_1044 = arith.constant 16 : index
        %get3A_1045 = tpu.vector_load %arg9[%get3A_1042, %get3A_1043, %get3A_1044] {strides = array<i32>} : memref<2x128x64xi32, #tpu.memory_space<vmem>>, vector<16xi32>,
        %bitcast3A_1046 = vector.bitcast %get3A_1045 : vector<16xi32> to vector<32xbf16>
        %mul3A_1047 = arith.mulf %bitcast3A_1040, %bitcast3A_1046 : vector<32xbf16>
        %unpack3A_1048 = tpu.unpack_subelements %mul3A_1047, 0 {pack_format = #tpu.pack_format<interleaved>} : vector<32xbf16> -> vector<16xf32>
        %unpack3A_1049 = tpu.unpack_subelements %mul3A_1047, 1 {pack_format = #tpu.pack_format<interleaved>} : vector<32xbf16> -> vector<16xf32>
        %add3A_1050 = arith.addf %unpack3A_1033, %unpack3A_1048 : vector<16xf32>
        %add3A_1051 = arith.addf %unpack3A_1034, %unpack3A_1049 : vector<16xf32>
        %get3A_1052 = arith.constant 1 : i32
        %get3A_1053 = arith.index_cast %get3A_1052 : i32 to index
        %get3A_1054 = arith.index_cast %add3A_1019 : i32 to index
        %get3A_1055 = arith.constant 32 : index
        %get3A_1056 = tpu.vector_load %arg8[%get3A_1053, %get3A_1054, %get3A_1055] {strides = array<i32>} : memref<2x128x64xi32, #tpu.memory_space<vmem>>, vector<16xi32>,
        %bitcast3A_1057 = vector.bitcast %get3A_1056 : vector<16xi32> to vector<32xbf16>
        %get3A_1058 = arith.constant 1 : i32
        %get3A_1059 = arith.index_cast %get3A_1058 : i32 to index
        %get3A_1060 = arith.index_cast %add3A_1019 : i32 to index
        %get3A_1061 = arith.constant 32 : index
        %get3A_1062 = tpu.vector_load %arg9[%get3A_1059, %get3A_1060, %get3A_1061] {strides = array<i32>} : memref<2x128x64xi32, #tpu.memory_space<vmem>>, vector<16xi32>,
        %bitcast3A_1063 = vector.bitcast %get3A_1062 : vector<16xi32> to vector<32xbf16>
        %mul3A_1064 = arith.mulf %bitcast3A_1057, %bitcast3A_1063 : vector<32xbf16>
        %unpack3A_1065 = tpu.unpack_subelements %mul3A_1064, 0 {pack_format = #tpu.pack_format<interleaved>} : vector<32xbf16> -> vector<16xf32>
        %unpack3A_1066 = tpu.unpack_subelements %mul3A_1064, 1 {pack_format = #tpu.pack_format<interleaved>} : vector<32xbf16> -> vector<16xf32>
        %add3A_1067 = arith.addf %add3A_1050, %unpack3A_1065 : vector<16xf32>
        %add3A_1068 = arith.addf %add3A_1051, %unpack3A_1066 : vector<16xf32>
        %get3A_1069 = arith.constant 1 : i32
        %get3A_1070 = arith.index_cast %get3A_1069 : i32 to index
        %get3A_1071 = arith.index_cast %add3A_1019 : i32 to index
        %get3A_1072 = arith.constant 48 : index
        %get3A_1073 = tpu.vector_load %arg8[%get3A_1070, %get3A_1071, %get3A_1072] {strides = array<i32>} : memref<2x128x64xi32, #tpu.memory_space<vmem>>, vector<16xi32>,
        %bitcast3A_1074 = vector.bitcast %get3A_1073 : vector<16xi32> to vector<32xbf16>
        %get3A_1075 = arith.constant 1 : i32
        %get3A_1076 = arith.index_cast %get3A_1075 : i32 to index
        %get3A_1077 = arith.index_cast %add3A_1019 : i32 to index
        %get3A_1078 = arith.constant 48 : index
        %get3A_1079 = tpu.vector_load %arg9[%get3A_1076, %get3A_1077, %get3A_1078] {strides = array<i32>} : memref<2x128x64xi32, #tpu.memory_space<vmem>>, vector<16xi32>,
        %bitcast3A_1080 = vector.bitcast %get3A_1079 : vector<16xi32> to vector<32xbf16>
        %mul3A_1081 = arith.mulf %bitcast3A_1074, %bitcast3A_1080 : vector<32xbf16>
        %unpack3A_1082 = tpu.unpack_subelements %mul3A_1081, 0 {pack_format = #tpu.pack_format<interleaved>} : vector<32xbf16> -> vector<16xf32>
        %unpack3A_1083 = tpu.unpack_subelements %mul3A_1081, 1 {pack_format = #tpu.pack_format<interleaved>} : vector<32xbf16> -> vector<16xf32>
        %add3A_1084 = arith.addf %add3A_1067, %unpack3A_1082 : vector<16xf32>
        %add3A_1085 = arith.addf %add3A_1068, %unpack3A_1083 : vector<16xf32>
        %add3A_1086 = arith.addf %add3A_1084, %add3A_1085 : vector<16xf32>
        %add3A_1087 = arith.constant 14 : i32
        %add3A_1088 = arith.addi %mul3A_123, %add3A_1087 : i32
        %get3A_1089 = arith.constant 1 : i32
        %get3A_1090 = arith.index_cast %get3A_1089 : i32 to index
        %get3A_1091 = arith.index_cast %add3A_1088 : i32 to index
        %get3A_1092 = arith.constant 0 : index
        %get3A_1093 = tpu.vector_load %arg8[%get3A_1090, %get3A_1091, %get3A_1092] {strides = array<i32>} : memref<2x128x64xi32, #tpu.memory_space<vmem>>, vector<16xi32>,
        %bitcast3A_1094 = vector.bitcast %get3A_1093 : vector<16xi32> to vector<32xbf16>
        %get3A_1095 = arith.constant 1 : i32
        %get3A_1096 = arith.index_cast %get3A_1095 : i32 to index
        %get3A_1097 = arith.index_cast %add3A_1088 : i32 to index
        %get3A_1098 = arith.constant 0 : index
        %get3A_1099 = tpu.vector_load %arg9[%get3A_1096, %get3A_1097, %get3A_1098] {strides = array<i32>} : memref<2x128x64xi32, #tpu.memory_space<vmem>>, vector<16xi32>,
        %bitcast3A_1100 = vector.bitcast %get3A_1099 : vector<16xi32> to vector<32xbf16>
        %mul3A_1101 = arith.mulf %bitcast3A_1094, %bitcast3A_1100 : vector<32xbf16>
        %unpack3A_1102 = tpu.unpack_subelements %mul3A_1101, 0 {pack_format = #tpu.pack_format<interleaved>} : vector<32xbf16> -> vector<16xf32>
        %unpack3A_1103 = tpu.unpack_subelements %mul3A_1101, 1 {pack_format = #tpu.pack_format<interleaved>} : vector<32xbf16> -> vector<16xf32>
        %get3A_1104 = arith.constant 1 : i32
        %get3A_1105 = arith.index_cast %get3A_1104 : i32 to index
        %get3A_1106 = arith.index_cast %add3A_1088 : i32 to index
        %get3A_1107 = arith.constant 16 : index
        %get3A_1108 = tpu.vector_load %arg8[%get3A_1105, %get3A_1106, %get3A_1107] {strides = array<i32>} : memref<2x128x64xi32, #tpu.memory_space<vmem>>, vector<16xi32>,
        %bitcast3A_1109 = vector.bitcast %get3A_1108 : vector<16xi32> to vector<32xbf16>
        %get3A_1110 = arith.constant 1 : i32
        %get3A_1111 = arith.index_cast %get3A_1110 : i32 to index
        %get3A_1112 = arith.index_cast %add3A_1088 : i32 to index
        %get3A_1113 = arith.constant 16 : index
        %get3A_1114 = tpu.vector_load %arg9[%get3A_1111, %get3A_1112, %get3A_1113] {strides = array<i32>} : memref<2x128x64xi32, #tpu.memory_space<vmem>>, vector<16xi32>,
        %bitcast3A_1115 = vector.bitcast %get3A_1114 : vector<16xi32> to vector<32xbf16>
        %mul3A_1116 = arith.mulf %bitcast3A_1109, %bitcast3A_1115 : vector<32xbf16>
        %unpack3A_1117 = tpu.unpack_subelements %mul3A_1116, 0 {pack_format = #tpu.pack_format<interleaved>} : vector<32xbf16> -> vector<16xf32>
        %unpack3A_1118 = tpu.unpack_subelements %mul3A_1116, 1 {pack_format = #tpu.pack_format<interleaved>} : vector<32xbf16> -> vector<16xf32>
        %add3A_1119 = arith.addf %unpack3A_1102, %unpack3A_1117 : vector<16xf32>
        %add3A_1120 = arith.addf %unpack3A_1103, %unpack3A_1118 : vector<16xf32>
        %get3A_1121 = arith.constant 1 : i32
        %get3A_1122 = arith.index_cast %get3A_1121 : i32 to index
        %get3A_1123 = arith.index_cast %add3A_1088 : i32 to index
        %get3A_1124 = arith.constant 32 : index
        %get3A_1125 = tpu.vector_load %arg8[%get3A_1122, %get3A_1123, %get3A_1124] {strides = array<i32>} : memref<2x128x64xi32, #tpu.memory_space<vmem>>, vector<16xi32>,
        %bitcast3A_1126 = vector.bitcast %get3A_1125 : vector<16xi32> to vector<32xbf16>
        %get3A_1127 = arith.constant 1 : i32
        %get3A_1128 = arith.index_cast %get3A_1127 : i32 to index
        %get3A_1129 = arith.index_cast %add3A_1088 : i32 to index
        %get3A_1130 = arith.constant 32 : index
        %get3A_1131 = tpu.vector_load %arg9[%get3A_1128, %get3A_1129, %get3A_1130] {strides = array<i32>} : memref<2x128x64xi32, #tpu.memory_space<vmem>>, vector<16xi32>,
        %bitcast3A_1132 = vector.bitcast %get3A_1131 : vector<16xi32> to vector<32xbf16>
        %mul3A_1133 = arith.mulf %bitcast3A_1126, %bitcast3A_1132 : vector<32xbf16>
        %unpack3A_1134 = tpu.unpack_subelements %mul3A_1133, 0 {pack_format = #tpu.pack_format<interleaved>} : vector<32xbf16> -> vector<16xf32>
        %unpack3A_1135 = tpu.unpack_subelements %mul3A_1133, 1 {pack_format = #tpu.pack_format<interleaved>} : vector<32xbf16> -> vector<16xf32>
        %add3A_1136 = arith.addf %add3A_1119, %unpack3A_1134 : vector<16xf32>
        %add3A_1137 = arith.addf %add3A_1120, %unpack3A_1135 : vector<16xf32>
        %get3A_1138 = arith.constant 1 : i32
        %get3A_1139 = arith.index_cast %get3A_1138 : i32 to index
        %get3A_1140 = arith.index_cast %add3A_1088 : i32 to index
        %get3A_1141 = arith.constant 48 : index
        %get3A_1142 = tpu.vector_load %arg8[%get3A_1139, %get3A_1140, %get3A_1141] {strides = array<i32>} : memref<2x128x64xi32, #tpu.memory_space<vmem>>, vector<16xi32>,
        %bitcast3A_1143 = vector.bitcast %get3A_1142 : vector<16xi32> to vector<32xbf16>
        %get3A_1144 = arith.constant 1 : i32
        %get3A_1145 = arith.index_cast %get3A_1144 : i32 to index
        %get3A_1146 = arith.index_cast %add3A_1088 : i32 to index
        %get3A_1147 = arith.constant 48 : index
        %get3A_1148 = tpu.vector_load %arg9[%get3A_1145, %get3A_1146, %get3A_1147] {strides = array<i32>} : memref<2x128x64xi32, #tpu.memory_space<vmem>>, vector<16xi32>,
        %bitcast3A_1149 = vector.bitcast %get3A_1148 : vector<16xi32> to vector<32xbf16>
        %mul3A_1150 = arith.mulf %bitcast3A_1143, %bitcast3A_1149 : vector<32xbf16>
        %unpack3A_1151 = tpu.unpack_subelements %mul3A_1150, 0 {pack_format = #tpu.pack_format<interleaved>} : vector<32xbf16> -> vector<16xf32>
        %unpack3A_1152 = tpu.unpack_subelements %mul3A_1150, 1 {pack_format = #tpu.pack_format<interleaved>} : vector<32xbf16> -> vector<16xf32>
        %add3A_1153 = arith.addf %add3A_1136, %unpack3A_1151 : vector<16xf32>
        %add3A_1154 = arith.addf %add3A_1137, %unpack3A_1152 : vector<16xf32>
        %add3A_1155 = arith.addf %add3A_1153, %add3A_1154 : vector<16xf32>
        %add3A_1156 = arith.constant 15 : i32
        %add3A_1157 = arith.addi %mul3A_123, %add3A_1156 : i32
        %get3A_1158 = arith.constant 1 : i32
        %get3A_1159 = arith.index_cast %get3A_1158 : i32 to index
        %get3A_1160 = arith.index_cast %add3A_1157 : i32 to index
        %get3A_1161 = arith.constant 0 : index
        %get3A_1162 = tpu.vector_load %arg8[%get3A_1159, %get3A_1160, %get3A_1161] {strides = array<i32>} : memref<2x128x64xi32, #tpu.memory_space<vmem>>, vector<16xi32>,
        %bitcast3A_1163 = vector.bitcast %get3A_1162 : vector<16xi32> to vector<32xbf16>
        %get3A_1164 = arith.constant 1 : i32
        %get3A_1165 = arith.index_cast %get3A_1164 : i32 to index
        %get3A_1166 = arith.index_cast %add3A_1157 : i32 to index
        %get3A_1167 = arith.constant 0 : index
        %get3A_1168 = tpu.vector_load %arg9[%get3A_1165, %get3A_1166, %get3A_1167] {strides = array<i32>} : memref<2x128x64xi32, #tpu.memory_space<vmem>>, vector<16xi32>,
        %bitcast3A_1169 = vector.bitcast %get3A_1168 : vector<16xi32> to vector<32xbf16>
        %mul3A_1170 = arith.mulf %bitcast3A_1163, %bitcast3A_1169 : vector<32xbf16>
        %unpack3A_1171 = tpu.unpack_subelements %mul3A_1170, 0 {pack_format = #tpu.pack_format<interleaved>} : vector<32xbf16> -> vector<16xf32>
        %unpack3A_1172 = tpu.unpack_subelements %mul3A_1170, 1 {pack_format = #tpu.pack_format<interleaved>} : vector<32xbf16> -> vector<16xf32>
        %get3A_1173 = arith.constant 1 : i32
        %get3A_1174 = arith.index_cast %get3A_1173 : i32 to index
        %get3A_1175 = arith.index_cast %add3A_1157 : i32 to index
        %get3A_1176 = arith.constant 16 : index
        %get3A_1177 = tpu.vector_load %arg8[%get3A_1174, %get3A_1175, %get3A_1176] {strides = array<i32>} : memref<2x128x64xi32, #tpu.memory_space<vmem>>, vector<16xi32>,
        %bitcast3A_1178 = vector.bitcast %get3A_1177 : vector<16xi32> to vector<32xbf16>
        %get3A_1179 = arith.constant 1 : i32
        %get3A_1180 = arith.index_cast %get3A_1179 : i32 to index
        %get3A_1181 = arith.index_cast %add3A_1157 : i32 to index
        %get3A_1182 = arith.constant 16 : index
        %get3A_1183 = tpu.vector_load %arg9[%get3A_1180, %get3A_1181, %get3A_1182] {strides = array<i32>} : memref<2x128x64xi32, #tpu.memory_space<vmem>>, vector<16xi32>,
        %bitcast3A_1184 = vector.bitcast %get3A_1183 : vector<16xi32> to vector<32xbf16>
        %mul3A_1185 = arith.mulf %bitcast3A_1178, %bitcast3A_1184 : vector<32xbf16>
        %unpack3A_1186 = tpu.unpack_subelements %mul3A_1185, 0 {pack_format = #tpu.pack_format<interleaved>} : vector<32xbf16> -> vector<16xf32>
        %unpack3A_1187 = tpu.unpack_subelements %mul3A_1185, 1 {pack_format = #tpu.pack_format<interleaved>} : vector<32xbf16> -> vector<16xf32>
        %add3A_1188 = arith.addf %unpack3A_1171, %unpack3A_1186 : vector<16xf32>
        %add3A_1189 = arith.addf %unpack3A_1172, %unpack3A_1187 : vector<16xf32>
        %get3A_1190 = arith.constant 1 : i32
        %get3A_1191 = arith.index_cast %get3A_1190 : i32 to index
        %get3A_1192 = arith.index_cast %add3A_1157 : i32 to index
        %get3A_1193 = arith.constant 32 : index
        %get3A_1194 = tpu.vector_load %arg8[%get3A_1191, %get3A_1192, %get3A_1193] {strides = array<i32>} : memref<2x128x64xi32, #tpu.memory_space<vmem>>, vector<16xi32>,
        %bitcast3A_1195 = vector.bitcast %get3A_1194 : vector<16xi32> to vector<32xbf16>
        %get3A_1196 = arith.constant 1 : i32
        %get3A_1197 = arith.index_cast %get3A_1196 : i32 to index
        %get3A_1198 = arith.index_cast %add3A_1157 : i32 to index
        %get3A_1199 = arith.constant 32 : index
        %get3A_1200 = tpu.vector_load %arg9[%get3A_1197, %get3A_1198, %get3A_1199] {strides = array<i32>} : memref<2x128x64xi32, #tpu.memory_space<vmem>>, vector<16xi32>,
        %bitcast3A_1201 = vector.bitcast %get3A_1200 : vector<16xi32> to vector<32xbf16>
        %mul3A_1202 = arith.mulf %bitcast3A_1195, %bitcast3A_1201 : vector<32xbf16>
        %unpack3A_1203 = tpu.unpack_subelements %mul3A_1202, 0 {pack_format = #tpu.pack_format<interleaved>} : vector<32xbf16> -> vector<16xf32>
        %unpack3A_1204 = tpu.unpack_subelements %mul3A_1202, 1 {pack_format = #tpu.pack_format<interleaved>} : vector<32xbf16> -> vector<16xf32>
        %add3A_1205 = arith.addf %add3A_1188, %unpack3A_1203 : vector<16xf32>
        %add3A_1206 = arith.addf %add3A_1189, %unpack3A_1204 : vector<16xf32>
        %get3A_1207 = arith.constant 1 : i32
        %get3A_1208 = arith.index_cast %get3A_1207 : i32 to index
        %get3A_1209 = arith.index_cast %add3A_1157 : i32 to index
        %get3A_1210 = arith.constant 48 : index
        %get3A_1211 = tpu.vector_load %arg8[%get3A_1208, %get3A_1209, %get3A_1210] {strides = array<i32>} : memref<2x128x64xi32, #tpu.memory_space<vmem>>, vector<16xi32>,
        %bitcast3A_1212 = vector.bitcast %get3A_1211 : vector<16xi32> to vector<32xbf16>
        %get3A_1213 = arith.constant 1 : i32
        %get3A_1214 = arith.index_cast %get3A_1213 : i32 to index
        %get3A_1215 = arith.index_cast %add3A_1157 : i32 to index
        %get3A_1216 = arith.constant 48 : index
        %get3A_1217 = tpu.vector_load %arg9[%get3A_1214, %get3A_1215, %get3A_1216] {strides = array<i32>} : memref<2x128x64xi32, #tpu.memory_space<vmem>>, vector<16xi32>,
        %bitcast3A_1218 = vector.bitcast %get3A_1217 : vector<16xi32> to vector<32xbf16>
        %mul3A_1219 = arith.mulf %bitcast3A_1212, %bitcast3A_1218 : vector<32xbf16>
        %unpack3A_1220 = tpu.unpack_subelements %mul3A_1219, 0 {pack_format = #tpu.pack_format<interleaved>} : vector<32xbf16> -> vector<16xf32>
        %unpack3A_1221 = tpu.unpack_subelements %mul3A_1219, 1 {pack_format = #tpu.pack_format<interleaved>} : vector<32xbf16> -> vector<16xf32>
        %add3A_1222 = arith.addf %add3A_1205, %unpack3A_1220 : vector<16xf32>
        %add3A_1223 = arith.addf %add3A_1206, %unpack3A_1221 : vector<16xf32>
        %add3A_1224 = arith.addf %add3A_1222, %add3A_1223 : vector<16xf32>
        %swap3A = arith.constant 0 : i32
        %swap3A_1225 = arith.index_cast %swap3A : i32 to index
        %swap3A_1226 = arith.constant 0 : index
        %swap3A_1227 = tpu.vector_load %arg11[%swap3A_1225, %swap3A_1226] {strides = array<i32>} : memref<16x17xf32, #tpu.memory_space<vmem>>, vector<16xf32>,
        tpu.vector_store %arg11[%swap3A_1225, %swap3A_1226], %add3A_189 {strides = array<i32>} : memref<16x17xf32, #tpu.memory_space<vmem>>, vector<16xf32>,
        %swap3A_1228 = arith.constant 1 : i32
        %swap3A_1229 = arith.index_cast %swap3A_1228 : i32 to index
        %swap3A_1230 = arith.constant 0 : index
        %swap3A_1231 = tpu.vector_load %arg11[%swap3A_1229, %swap3A_1230] {strides = array<i32>} : memref<16x17xf32, #tpu.memory_space<vmem>>, vector<16xf32>,
        tpu.vector_store %arg11[%swap3A_1229, %swap3A_1230], %add3A_258 {strides = array<i32>} : memref<16x17xf32, #tpu.memory_space<vmem>>, vector<16xf32>,
        %swap3A_1232 = arith.constant 2 : i32
        %swap3A_1233 = arith.index_cast %swap3A_1232 : i32 to index
        %swap3A_1234 = arith.constant 0 : index
        %swap3A_1235 = tpu.vector_load %arg11[%swap3A_1233, %swap3A_1234] {strides = array<i32>} : memref<16x17xf32, #tpu.memory_space<vmem>>, vector<16xf32>,
        tpu.vector_store %arg11[%swap3A_1233, %swap3A_1234], %add3A_327 {strides = array<i32>} : memref<16x17xf32, #tpu.memory_space<vmem>>, vector<16xf32>,
        %swap3A_1236 = arith.constant 3 : i32
        %swap3A_1237 = arith.index_cast %swap3A_1236 : i32 to index
        %swap3A_1238 = arith.constant 0 : index
        %swap3A_1239 = tpu.vector_load %arg11[%swap3A_1237, %swap3A_1238] {strides = array<i32>} : memref<16x17xf32, #tpu.memory_space<vmem>>, vector<16xf32>,
        tpu.vector_store %arg11[%swap3A_1237, %swap3A_1238], %add3A_396 {strides = array<i32>} : memref<16x17xf32, #tpu.memory_space<vmem>>, vector<16xf32>,
        %swap3A_1240 = arith.constant 4 : i32
        %swap3A_1241 = arith.index_cast %swap3A_1240 : i32 to index
        %swap3A_1242 = arith.constant 0 : index
        %swap3A_1243 = tpu.vector_load %arg11[%swap3A_1241, %swap3A_1242] {strides = array<i32>} : memref<16x17xf32, #tpu.memory_space<vmem>>, vector<16xf32>,
        tpu.vector_store %arg11[%swap3A_1241, %swap3A_1242], %add3A_465 {strides = array<i32>} : memref<16x17xf32, #tpu.memory_space<vmem>>, vector<16xf32>,
        %swap3A_1244 = arith.constant 5 : i32
        %swap3A_1245 = arith.index_cast %swap3A_1244 : i32 to index
        %swap3A_1246 = arith.constant 0 : index
        %swap3A_1247 = tpu.vector_load %arg11[%swap3A_1245, %swap3A_1246] {strides = array<i32>} : memref<16x17xf32, #tpu.memory_space<vmem>>, vector<16xf32>,
        tpu.vector_store %arg11[%swap3A_1245, %swap3A_1246], %add3A_534 {strides = array<i32>} : memref<16x17xf32, #tpu.memory_space<vmem>>, vector<16xf32>,
        %swap3A_1248 = arith.constant 6 : i32
        %swap3A_1249 = arith.index_cast %swap3A_1248 : i32 to index
        %swap3A_1250 = arith.constant 0 : index
        %swap3A_1251 = tpu.vector_load %arg11[%swap3A_1249, %swap3A_1250] {strides = array<i32>} : memref<16x17xf32, #tpu.memory_space<vmem>>, vector<16xf32>,
        tpu.vector_store %arg11[%swap3A_1249, %swap3A_1250], %add3A_603 {strides = array<i32>} : memref<16x17xf32, #tpu.memory_space<vmem>>, vector<16xf32>,
        %swap3A_1252 = arith.constant 7 : i32
        %swap3A_1253 = arith.index_cast %swap3A_1252 : i32 to index
        %swap3A_1254 = arith.constant 0 : index
        %swap3A_1255 = tpu.vector_load %arg11[%swap3A_1253, %swap3A_1254] {strides = array<i32>} : memref<16x17xf32, #tpu.memory_space<vmem>>, vector<16xf32>,
        tpu.vector_store %arg11[%swap3A_1253, %swap3A_1254], %add3A_672 {strides = array<i32>} : memref<16x17xf32, #tpu.memory_space<vmem>>, vector<16xf32>,
        %swap3A_1256 = arith.constant 8 : i32
        %swap3A_1257 = arith.index_cast %swap3A_1256 : i32 to index
        %swap3A_1258 = arith.constant 0 : index
        %swap3A_1259 = tpu.vector_load %arg11[%swap3A_1257, %swap3A_1258] {strides = array<i32>} : memref<16x17xf32, #tpu.memory_space<vmem>>, vector<16xf32>,
        tpu.vector_store %arg11[%swap3A_1257, %swap3A_1258], %add3A_741 {strides = array<i32>} : memref<16x17xf32, #tpu.memory_space<vmem>>, vector<16xf32>,
        %swap3A_1260 = arith.constant 9 : i32
        %swap3A_1261 = arith.index_cast %swap3A_1260 : i32 to index
        %swap3A_1262 = arith.constant 0 : index
        %swap3A_1263 = tpu.vector_load %arg11[%swap3A_1261, %swap3A_1262] {strides = array<i32>} : memref<16x17xf32, #tpu.memory_space<vmem>>, vector<16xf32>,
        tpu.vector_store %arg11[%swap3A_1261, %swap3A_1262], %add3A_810 {strides = array<i32>} : memref<16x17xf32, #tpu.memory_space<vmem>>, vector<16xf32>,
        %swap3A_1264 = arith.constant 10 : i32
        %swap3A_1265 = arith.index_cast %swap3A_1264 : i32 to index
        %swap3A_1266 = arith.constant 0 : index
        %swap3A_1267 = tpu.vector_load %arg11[%swap3A_1265, %swap3A_1266] {strides = array<i32>} : memref<16x17xf32, #tpu.memory_space<vmem>>, vector<16xf32>,
        tpu.vector_store %arg11[%swap3A_1265, %swap3A_1266], %add3A_879 {strides = array<i32>} : memref<16x17xf32, #tpu.memory_space<vmem>>, vector<16xf32>,
        %swap3A_1268 = arith.constant 11 : i32
        %swap3A_1269 = arith.index_cast %swap3A_1268 : i32 to index
        %swap3A_1270 = arith.constant 0 : index
        %swap3A_1271 = tpu.vector_load %arg11[%swap3A_1269, %swap3A_1270] {strides = array<i32>} : memref<16x17xf32, #tpu.memory_space<vmem>>, vector<16xf32>,
        tpu.vector_store %arg11[%swap3A_1269, %swap3A_1270], %add3A_948 {strides = array<i32>} : memref<16x17xf32, #tpu.memory_space<vmem>>, vector<16xf32>,
        %swap3A_1272 = arith.constant 12 : i32
        %swap3A_1273 = arith.index_cast %swap3A_1272 : i32 to index
        %swap3A_1274 = arith.constant 0 : index
        %swap3A_1275 = tpu.vector_load %arg11[%swap3A_1273, %swap3A_1274] {strides = array<i32>} : memref<16x17xf32, #tpu.memory_space<vmem>>, vector<16xf32>,
        tpu.vector_store %arg11[%swap3A_1273, %swap3A_1274], %add3A_1017 {strides = array<i32>} : memref<16x17xf32, #tpu.memory_space<vmem>>, vector<16xf32>,
        %swap3A_1276 = arith.constant 13 : i32
        %swap3A_1277 = arith.index_cast %swap3A_1276 : i32 to index
        %swap3A_1278 = arith.constant 0 : index
        %swap3A_1279 = tpu.vector_load %arg11[%swap3A_1277, %swap3A_1278] {strides = array<i32>} : memref<16x17xf32, #tpu.memory_space<vmem>>, vector<16xf32>,
        tpu.vector_store %arg11[%swap3A_1277, %swap3A_1278], %add3A_1086 {strides = array<i32>} : memref<16x17xf32, #tpu.memory_space<vmem>>, vector<16xf32>,
        %swap3A_1280 = arith.constant 14 : i32
        %swap3A_1281 = arith.index_cast %swap3A_1280 : i32 to index
        %swap3A_1282 = arith.constant 0 : index
        %swap3A_1283 = tpu.vector_load %arg11[%swap3A_1281, %swap3A_1282] {strides = array<i32>} : memref<16x17xf32, #tpu.memory_space<vmem>>, vector<16xf32>,
        tpu.vector_store %arg11[%swap3A_1281, %swap3A_1282], %add3A_1155 {strides = array<i32>} : memref<16x17xf32, #tpu.memory_space<vmem>>, vector<16xf32>,
        %swap3A_1284 = arith.constant 15 : i32
        %swap3A_1285 = arith.index_cast %swap3A_1284 : i32 to index
        %swap3A_1286 = arith.constant 0 : index
        %swap3A_1287 = tpu.vector_load %arg11[%swap3A_1285, %swap3A_1286] {strides = array<i32>} : memref<16x17xf32, #tpu.memory_space<vmem>>, vector<16xf32>,
        tpu.vector_store %arg11[%swap3A_1285, %swap3A_1286], %add3A_1224 {strides = array<i32>} : memref<16x17xf32, #tpu.memory_space<vmem>>, vector<16xf32>,
        %broadcast_in_dim3A = arith.constant 0 : i32
        %broadcast_in_dim3A_1288 = vector.broadcast %broadcast_in_dim3A : i32 to vector<16xi32>
        %gather3A = tpu.vector_load_idx %arg11[%iota3A, %broadcast_in_dim3A_1288] : memref<16x17xf32, #tpu.memory_space<vmem>>[vector<16xi32>, vector<16xi32>], vector<16xf32>,
        %broadcast_in_dim3A_1289 = arith.constant 1 : i32
        %broadcast_in_dim3A_1290 = vector.broadcast %broadcast_in_dim3A_1289 : i32 to vector<16xi32>
        %gather3A_1291 = tpu.vector_load_idx %arg11[%iota3A, %broadcast_in_dim3A_1290] : memref<16x17xf32, #tpu.memory_space<vmem>>[vector<16xi32>, vector<16xi32>], vector<16xf32>,
        %broadcast_in_dim3A_1292 = arith.constant 2 : i32
        %broadcast_in_dim3A_1293 = vector.broadcast %broadcast_in_dim3A_1292 : i32 to vector<16xi32>
        %gather3A_1294 = tpu.vector_load_idx %arg11[%iota3A, %broadcast_in_dim3A_1293] : memref<16x17xf32, #tpu.memory_space<vmem>>[vector<16xi32>, vector<16xi32>], vector<16xf32>,
        %add3A_1295 = arith.addf %gather3A, %gather3A_1294 : vector<16xf32>
        %broadcast_in_dim3A_1296 = arith.constant 3 : i32
        %broadcast_in_dim3A_1297 = vector.broadcast %broadcast_in_dim3A_1296 : i32 to vector<16xi32>
        %gather3A_1298 = tpu.vector_load_idx %arg11[%iota3A, %broadcast_in_dim3A_1297] : memref<16x17xf32, #tpu.memory_space<vmem>>[vector<16xi32>, vector<16xi32>], vector<16xf32>,
        %add3A_1299 = arith.addf %gather3A_1291, %gather3A_1298 : vector<16xf32>
        %broadcast_in_dim3A_1300 = arith.constant 4 : i32
        %broadcast_in_dim3A_1301 = vector.broadcast %broadcast_in_dim3A_1300 : i32 to vector<16xi32>
        %gather3A_1302 = tpu.vector_load_idx %arg11[%iota3A, %broadcast_in_dim3A_1301] : memref<16x17xf32, #tpu.memory_space<vmem>>[vector<16xi32>, vector<16xi32>], vector<16xf32>,
        %add3A_1303 = arith.addf %add3A_1295, %gather3A_1302 : vector<16xf32>
        %broadcast_in_dim3A_1304 = arith.constant 5 : i32
        %broadcast_in_dim3A_1305 = vector.broadcast %broadcast_in_dim3A_1304 : i32 to vector<16xi32>
        %gather3A_1306 = tpu.vector_load_idx %arg11[%iota3A, %broadcast_in_dim3A_1305] : memref<16x17xf32, #tpu.memory_space<vmem>>[vector<16xi32>, vector<16xi32>], vector<16xf32>,
        %add3A_1307 = arith.addf %add3A_1299, %gather3A_1306 : vector<16xf32>
        %broadcast_in_dim3A_1308 = arith.constant 6 : i32
        %broadcast_in_dim3A_1309 = vector.broadcast %broadcast_in_dim3A_1308 : i32 to vector<16xi32>
        %gather3A_1310 = tpu.vector_load_idx %arg11[%iota3A, %broadcast_in_dim3A_1309] : memref<16x17xf32, #tpu.memory_space<vmem>>[vector<16xi32>, vector<16xi32>], vector<16xf32>,
        %add3A_1311 = arith.addf %add3A_1303, %gather3A_1310 : vector<16xf32>
        %broadcast_in_dim3A_1312 = arith.constant 7 : i32
        %broadcast_in_dim3A_1313 = vector.broadcast %broadcast_in_dim3A_1312 : i32 to vector<16xi32>
        %gather3A_1314 = tpu.vector_load_idx %arg11[%iota3A, %broadcast_in_dim3A_1313] : memref<16x17xf32, #tpu.memory_space<vmem>>[vector<16xi32>, vector<16xi32>], vector<16xf32>,
        %add3A_1315 = arith.addf %add3A_1307, %gather3A_1314 : vector<16xf32>
        %broadcast_in_dim3A_1316 = arith.constant 8 : i32
        %broadcast_in_dim3A_1317 = vector.broadcast %broadcast_in_dim3A_1316 : i32 to vector<16xi32>
        %gather3A_1318 = tpu.vector_load_idx %arg11[%iota3A, %broadcast_in_dim3A_1317] : memref<16x17xf32, #tpu.memory_space<vmem>>[vector<16xi32>, vector<16xi32>], vector<16xf32>,
        %add3A_1319 = arith.addf %add3A_1311, %gather3A_1318 : vector<16xf32>
        %broadcast_in_dim3A_1320 = arith.constant 9 : i32
        %broadcast_in_dim3A_1321 = vector.broadcast %broadcast_in_dim3A_1320 : i32 to vector<16xi32>
        %gather3A_1322 = tpu.vector_load_idx %arg11[%iota3A, %broadcast_in_dim3A_1321] : memref<16x17xf32, #tpu.memory_space<vmem>>[vector<16xi32>, vector<16xi32>], vector<16xf32>,
        %add3A_1323 = arith.addf %add3A_1315, %gather3A_1322 : vector<16xf32>
        %broadcast_in_dim3A_1324 = arith.constant 10 : i32
        %broadcast_in_dim3A_1325 = vector.broadcast %broadcast_in_dim3A_1324 : i32 to vector<16xi32>
        %gather3A_1326 = tpu.vector_load_idx %arg11[%iota3A, %broadcast_in_dim3A_1325] : memref<16x17xf32, #tpu.memory_space<vmem>>[vector<16xi32>, vector<16xi32>], vector<16xf32>,
        %add3A_1327 = arith.addf %add3A_1319, %gather3A_1326 : vector<16xf32>
        %broadcast_in_dim3A_1328 = arith.constant 11 : i32
        %broadcast_in_dim3A_1329 = vector.broadcast %broadcast_in_dim3A_1328 : i32 to vector<16xi32>
        %gather3A_1330 = tpu.vector_load_idx %arg11[%iota3A, %broadcast_in_dim3A_1329] : memref<16x17xf32, #tpu.memory_space<vmem>>[vector<16xi32>, vector<16xi32>], vector<16xf32>,
        %add3A_1331 = arith.addf %add3A_1323, %gather3A_1330 : vector<16xf32>
        %broadcast_in_dim3A_1332 = arith.constant 12 : i32
        %broadcast_in_dim3A_1333 = vector.broadcast %broadcast_in_dim3A_1332 : i32 to vector<16xi32>
        %gather3A_1334 = tpu.vector_load_idx %arg11[%iota3A, %broadcast_in_dim3A_1333] : memref<16x17xf32, #tpu.memory_space<vmem>>[vector<16xi32>, vector<16xi32>], vector<16xf32>,
        %add3A_1335 = arith.addf %add3A_1327, %gather3A_1334 : vector<16xf32>
        %broadcast_in_dim3A_1336 = arith.constant 13 : i32
        %broadcast_in_dim3A_1337 = vector.broadcast %broadcast_in_dim3A_1336 : i32 to vector<16xi32>
        %gather3A_1338 = tpu.vector_load_idx %arg11[%iota3A, %broadcast_in_dim3A_1337] : memref<16x17xf32, #tpu.memory_space<vmem>>[vector<16xi32>, vector<16xi32>], vector<16xf32>,
        %add3A_1339 = arith.addf %add3A_1331, %gather3A_1338 : vector<16xf32>
        %broadcast_in_dim3A_1340 = arith.constant 14 : i32
        %broadcast_in_dim3A_1341 = vector.broadcast %broadcast_in_dim3A_1340 : i32 to vector<16xi32>
        %gather3A_1342 = tpu.vector_load_idx %arg11[%iota3A, %broadcast_in_dim3A_1341] : memref<16x17xf32, #tpu.memory_space<vmem>>[vector<16xi32>, vector<16xi32>], vector<16xf32>,
        %add3A_1343 = arith.addf %add3A_1335, %gather3A_1342 : vector<16xf32>
        %broadcast_in_dim3A_1344 = arith.constant 15 : i32
        %broadcast_in_dim3A_1345 = vector.broadcast %broadcast_in_dim3A_1344 : i32 to vector<16xi32>
        %gather3A_1346 = tpu.vector_load_idx %arg11[%iota3A, %broadcast_in_dim3A_1345] : memref<16x17xf32, #tpu.memory_space<vmem>>[vector<16xi32>, vector<16xi32>], vector<16xf32>,
        %add3A_1347 = arith.addf %add3A_1339, %gather3A_1346 : vector<16xf32>
        %add3A_1348 = arith.addf %add3A_1343, %add3A_1347 : vector<16xf32>
        %add3A_1349 = arith.addi %min3A_114, %mul3A_123 : i32
        %swap3A_1350 = arith.index_cast %add3A_1349 : i32 to index
        %swap3A_1351 = tpu.vector_load %arg10[%swap3A_1350] {strides = array<i32>} : memref<10000xf32, #tpu.memory_space<vmem>>, vector<16xf32>,
        tpu.vector_store %arg10[%swap3A_1350], %add3A_1348 {strides = array<i32>} : memref<10000xf32, #tpu.memory_space<vmem>>, vector<16xf32>,
      }
      %scan3A_120 = arith.constant 8 : i32
    }
    %scan3A_37 = arith.constant 40 : i32
    "tpu.region"() ({
      %run_scoped3A_38 = tpu.sem_alloc : memref<!tpu.dma_semaphore, #tpu.memory_space<semaphore_mem>>
      %dma_start3A_39 = tpu.memref_slice %arg6[%mul3A_2] : memref<320000xf32, #tpu.memory_space<hbm>> -> memref<10000xf32, #tpu.memory_space<hbm>>
      %dma_start3A_40 = tpu.memref_slice %arg6[%mul3A_2] : memref<320000xf32, #tpu.memory_space<hbm>> -> memref<10000xf32, #tpu.memory_space<hbm>>
      tpu.enqueue_dma source(%arg10 : memref<10000xf32, #tpu.memory_space<vmem>>) target(%dma_start3A_40 : memref<10000xf32, #tpu.memory_space<hbm>>) target_semaphore(%run_scoped3A_38 : memref<!tpu.dma_semaphore, #tpu.memory_space<semaphore_mem>>)
      %dma_wait3A = tpu.memref_slice %arg6[%mul3A_2] : memref<320000xf32, #tpu.memory_space<hbm>> -> memref<10000xf32, #tpu.memory_space<hbm>>
      %dma_wait3A_41 = tpu.memref_slice %arg6[%mul3A_2] : memref<320000xf32, #tpu.memory_space<hbm>> -> memref<10000xf32, #tpu.memory_space<hbm>>
      tpu.wait_dma2 semaphore(%run_scoped3A_38 : memref<!tpu.dma_semaphore, #tpu.memory_space<semaphore_mem>>) src(%arg10 : memref<10000xf32, #tpu.memory_space<vmem>>) dst(%dma_wait3A_41 : memref<10000xf32, #tpu.memory_space<hbm>>)
      tpu.yield
    }) : () -> ()
    return
  }
}

</mosaic_0001>

<sc_bundles>
// kernel: kernel.3.cloned.1.call-start
scs
__scs_entry_jumppad:
0x0: {  	(pc) =	sbr.rel $0x88, $3  }
0x1: {  	(tag) =	ssettag $0x0;
	lr =	simm.s32 $0x1  }
0x2: {  	[smem:$0x3F9E] =	sst lr;
	_ =	strace $0xD0000000  }
0x3: {  	_ = 	snop  }
0x4: {  	_ = 	snop  }
0x5: {  	_ = 	snop  }
0x6: {  	_ = 	snop  }
0x7: {  	_ = 	snop  }
__scs_overlays_trampoline_lowered:
0x8: {  	[smem:$0x3FAD] =	sst s0  }
0x9: {  	[smem:$0x3FAE] =	sst s1  }
0xa: {  	[smem:$0x3FAF] =	sst s2  }
0xb: {  	[smem:$0x3FB0] =	sst s3  }
0xc: {  	[smem:$0x3FB1] =	sst s4  }
0xd: {  	[smem:$0x3FB2] =	sst s5  }
0xe: {  	[smem:$0x3FB3] =	sst s6  }
0xf: {  	[smem:$0x3FB4] =	sst s7  }
0x10: {  	[smem:$0x3FB5] =	sst s8  }
0x11: {  	[smem:$0x3FB6] =	sst s9;
	s0 =	simm.s32 @!p0 $0x0  }
0x12: {  	s1 =	sld [smem:$0x3F9C];
	s0 =	simm.s32 @p0 $0x1  }
0x13: {  	[smem:$0x3FB7] =	sst s0;
	s0 =	simm.s32 @!p1 $0x0  }
0x14: {  	s2 =	sld [smem:$0x3F9B];
	s0 =	simm.s32 @p1 $0x1  }
0x15: {  	[smem:$0x3FB8] =	sst s0;
	s0 =	simm.s32 @!p2 $0x0  }
0x16: {  	s3 =	sld [smem:$0x3FDB];
	s0 =	simm.s32 @p2 $0x1  }
0x17: {  	s4 =	simm.s32 $0x1BF5;
	[smem:$0x3FBA] =	sst s0  }
0x18: {  	s0 =	sld [smem:$0x3F9D];
	_ =	swait.ge [sflag:s4], $0x0  }
0x19: {  	s7 =	sld [smem:$0x3F9E]  }
0x1a: {  	s8 =	sadd.s32 $0xFFFFE003, lr  }
0x1b: {  	s9 =	sadd.s32 $0xFFFFFEF7, lr;
	s5 =	simm.s32 $0xFFFFFFFF;
	p2 =	slt.u32 s8, $0xFFFFF086  }
0x1c: {  	p1 =	slt.u32 s9, $0xF7A;
	s5 =	simm.s32 @!p2 $0x0  }
0x1d: {  	s5 =	simm.s32 @p1 $0x1;
	p0 =	seq.s32 s7, s2  }
0x1e: {  	s7 =	smul.u32 @!p0 $0xF7A, s2;
	p2 =	seq.s32 @!p0 s5, $0x0  }
0x1f: {  	s9 =	smul.u32 $0xF7A, s1;
	s8 =	simm.s32 @!p0 $0x1BF5;
	p2 =	por !p2, p0  }
0x20: {  	[sflag:s8] =	ssyncset.s32 @!p0 $0xFFFFF086;
	s6 =	sadd.s32 @!p0 s3, s7;
	s7 =	simm.s32 @!p0 $0x108  }
0x21: {  	s3 =	sadd.s32 s3, s9;
	s6 =	sadd.s32 @!p0 $0x88, s6;
	s7 =	simm.s32 @p2 $0x1082  }
0x22: {  	[simem:s7], [sflag:s8] =	dma.local @!p0 [hbm:s6], $0xF7A  }
0x23: {  	s9 =	sor.u32 $0xD0000000, s2;
	s6 =	simm.s32 $0x108;
	_ =	swait.ge @!p0 [sflag:s8], $0x0  }
0x24: {  	s3 =	sadd.s32 $0x88, s3;
	s6 =	simm.s32 @!p1 $0x1082;
	[sflag:s4] =	ssyncset.s32 $0xFFFFF086  }
0x25: {  	[simem:s6], [sflag:s4] =	dma.local [hbm:s3], $0xF7A  }
0x26: {  	[smem:$0x3F9E] =	sst s1;
	(tag) =	ssettag s2;
	_ =	strace s9  }
0x27: {  	s1 =	sld [smem:$0x3FAE]  }
0x28: {  	s2 =	sld [smem:$0x3FAF]  }
0x29: {  	s4 =	sld [smem:$0x3FB1]  }
0x2a: {  	p0 =	seq.s32 s5, $0x0;
	s5 =	sld [smem:$0x3FB2]  }
0x2b: {  	s6 =	sld [smem:$0x3FB3]  }
0x2c: {  	s7 =	sld [smem:$0x3FB4]  }
0x2d: {  	s3 =	simm.s32 $0x108;
	s8 =	sld [smem:$0x3FB5]  }
0x2e: {  	s3 =	simm.s32 @!p0 $0x1082;
	s9 =	sld [smem:$0x3FB6]  }
0x2f: {  	lr =	sadd.s32 s0, s3;
	s0 =	sld [smem:$0x3FAD]  }
0x30: {  	s3 =	sld [smem:$0x3FB0]  }
0x31: {  	[smem:$0x3FB9] =	sst s10  }
0x32: {  	s10 =	sld [smem:$0x3FB7];
	_ =	sdelay $0x3  }
0x33: {  	p0 =	seq.s32 s10, $0x1;
	s10 =	sld [smem:$0x3FB9];
	_ =	sdelay $0x3  }
0x34: {  	[smem:$0x3FB9] =	sst s10  }
0x35: {  	s10 =	sld [smem:$0x3FB8];
	_ =	sdelay $0x3  }
0x36: {  	p1 =	seq.s32 s10, $0x1;
	s10 =	sld [smem:$0x3FB9];
	_ =	sdelay $0x3  }
0x37: {  	[smem:$0x3FB9] =	sst s10  }
0x38: {  	s10 =	sld [smem:$0x3FBA]  }
0x39: {  	_ = 	snop;
	(pc) =	sbr.ind lr, $3  }
0x3a: {  	_ = 	snop  }
0x3b: {  	_ = 	snop  }
0x3c: {  	p2 =	seq.s32 s10, $0x1;
	s10 =	sld [smem:$0x3FB9]  }
0x3d: {  	_ =	shalt  }
0x3e: {  	_ =	shalt  }
0x3f: {  	_ =	shalt  }
0x40: {  	_ =	shalt  }
0x41: {  	_ =	shalt  }
0x42: {  	_ =	shalt  }
0x43: {  	_ =	shalt  }
0x44: {  	_ =	shalt  }
0x45: {  	_ =	shalt  }
0x46: {  	_ =	shalt  }
0x47: {  	_ =	shalt  }
0x48: {  	_ =	shalt  }
0x49: {  	_ =	shalt  }
0x4a: {  	_ =	shalt  }
0x4b: {  	_ =	shalt  }
0x4c: {  	_ =	shalt  }
0x4d: {  	_ =	shalt  }
0x4e: {  	_ =	shalt  }
0x4f: {  	_ =	shalt  }
0x50: {  	_ =	shalt  }
0x51: {  	_ =	shalt  }
0x52: {  	_ =	shalt  }
0x53: {  	_ =	shalt  }
0x54: {  	_ =	shalt  }
0x55: {  	_ =	shalt  }
0x56: {  	_ =	shalt  }
0x57: {  	_ =	shalt  }
0x58: {  	_ =	shalt  }
0x59: {  	_ =	shalt  }
0x5a: {  	_ =	shalt  }
0x5b: {  	_ =	shalt  }
0x5c: {  	_ =	shalt  }
0x5d: {  	_ =	shalt  }
0x5e: {  	_ =	shalt  }
0x5f: {  	_ =	shalt  }
0x60: {  	_ =	shalt  }
0x61: {  	_ =	shalt  }
0x62: {  	_ =	shalt  }
0x63: {  	_ =	shalt  }
0x64: {  	_ =	shalt  }
0x65: {  	_ =	shalt  }
0x66: {  	_ =	shalt  }
0x67: {  	_ =	shalt  }
0x68: {  	_ =	shalt  }
0x69: {  	_ =	shalt  }
0x6a: {  	_ =	shalt  }
0x6b: {  	_ =	shalt  }
0x6c: {  	_ =	shalt  }
0x6d: {  	_ =	shalt  }
0x6e: {  	_ =	shalt  }
0x6f: {  	_ =	shalt  }
0x70: {  	_ =	shalt  }
0x71: {  	_ =	shalt  }
0x72: {  	_ =	shalt  }
0x73: {  	_ =	shalt  }
0x74: {  	_ =	shalt  }
0x75: {  	_ =	shalt  }
0x76: {  	_ =	shalt  }
0x77: {  	_ =	shalt  }
0x78: {  	_ =	shalt  }
0x79: {  	_ =	shalt  }
0x7a: {  	_ =	shalt  }
0x7b: {  	_ =	shalt  }
0x7c: {  	_ =	shalt  }
0x7d: {  	_ =	shalt  }
0x7e: {  	_ =	shalt  }
0x7f: {  	_ =	shalt  }
0x80: {  	_ =	shalt  }
0x81: {  	_ =	shalt  }
0x82: {  	_ =	shalt  }
0x83: {  	_ =	shalt  }
0x84: {  	_ =	shalt  }
0x85: {  	_ =	shalt  }
0x86: {  	_ =	shalt  }
0x87: {  	_ =	shalt  }
.Lfunc_end0:
.L_simem_size_0:
called_computation_lowered:
.L_overlay_start_0:
0x88: {  	s2 =	sld [smem:$0x3FD9]  }
0x89: {  	s3 =	sld [smem:$0x3FFE];
	_ =	sdelay $0x1  }
0x8a: {  	s1 =	srdreg.scid  }
0x8b: {  	s0 =	sand.u32 $0x1, s1  }
0x8c: {  	s17 =	sshll.u32 s0, $0xA;
	s2 =	sadd.s32 s3, s2  }
0x8d: {  	s2 =	sadd.s32 s2, s17  }
0x8e: {  	[smem:$0x3FC5] =	sst s2  }
0x8f: {  	_ = 	snop  }
0x90: {  	s2 =	sld [smem:$0x3FD0];
	(tm) =	ssettm $0x1  }
0x91: {  	s18 =	sld [smem:$0x3FFB];
	_ =	sdelay $0x3  }
0x92: {  	_ =	strace s18  }
0x93: {  	s3 =	sld [smem:$0x3FFC];
	_ =	sdelay $0x3  }
0x94: {  	_ =	strace s3  }
0x95: {  	s3 =	sld [smem:$0x3FFD];
	_ =	sdelay $0x3  }
0x96: {  	_ =	strace s3  }
0x97: {  	_ =	strace $0x8FFFFFFF  }
0x98: {  	s19 =	sld [smem:$0x3FDB];
	_ =	sdelay $0x1  }
0x99: {  	s4 =	simm.s32 $_scs_section_size  }
0x9a: {  	s5 =	simm.s32 $_size__tile_overlayer_lowered;
	s6 =	simm.s32 $_tile_overlayer_lowered  }
0x9b: {  	s22 =	simm.s32 $0x1BFF;
	s21 =	sshll.u32 s6, $0x1;
	s3 =	sadd.s32 s4, s19  }
0x9c: {  	s7 =	simm.s32 $0x0;
	s20 =	sshll.u32 s5, $0x1;
	s5 =	sadd.s32 s21, s3  }
0x9d: {  	[timem:s7], [sflag:s22] =	dma.local [hbm:s5], s20  }
0x9e: {  	_ =	swait.ge [sflag:s22], s20  }
0x9f: {  	s4 =	ssub.s32 $0x0, s20;
	[sflag:s22] =	ssyncset.done $0x0  }
0xa0: {  	[sflag:s22] =	ssyncadd.s32 s4;
	_ =	sdelay $0x1  }
0xa1: {  	s23 =	simm.s32 $0x1B8B  }
0xa2: {  	_ =	swait.ge [sflag:s23], $0x1  }
0xa3: {  	[sflag:s23] =	ssyncset.done $0x0  }
0xa4: {  	s25 =	simm.s32 $0x1B8E;
	s24 =	sld [smem:$0x3FFE];
	[sflag:s23] =	ssyncadd.s32 $0xFFFFFFFF  }
0xa5: {  	s26 =	simm.s32 $execute0_lowered;
	[smem:$0x3FD2] =	sst s25  }
0xa6: {  	s5 =	sshll.u32 s26, $0x1;
	_ =	strace $0x80000046;
	[dreg:$0x1] =	wrdreg $0xFFFFFFFF  }
0xa7: {  	s28 =	simm.s32 $_size_execute0_lowered;
	s3 =	sadd.s32 s3, s5;
	[dreg:$0x0] =	wrdreg $0x0  }
0xa8: {  	s5 =	sshll.u32 s28, $0x1;
	[dreg:$0x2] =	wrdreg s3  }
0xa9: {  	[dreg:$0x3] =	wrdreg s5  }
0xaa: {  	[dreg:$0x4] =	wrdreg $0xC0  }
0xab: {  	_ =	task [dreg:s7], $0x5FFFF  }
0xac: {  	[dreg:$0x1] =	wrdreg $0xFFFFFFFF  }
0xad: {  	[dreg:$0x0] =	wrdreg $0x60  }
0xae: {  	[dreg:$0x2] =	wrdreg s24  }
0xaf: {  	[dreg:$0x3] =	wrdreg s2  }
0xb0: {  	[dreg:$0x4] =	wrdreg $0xF6B00  }
0xb1: {  	[dreg:$0x5] =	wrdreg $0x9  }
0xb2: {  	_ =	task.clear_ibuf [dreg:s7], $0x6FFFF;
	_ =	strace $0x90000046  }
0xb3: {  	s29 =	simm.s32 $0x9;
	_ =	strace $0x80000048  }
0xb4: {  	_ =	swait.ge [sflag:s29], $0x1  }
0xb5: {  	[sflag:s29] =	ssyncadd.s32 $0xFFFFFFFF  }
0xb6: {  	_ =	strace $0x90000048  }
0xb7: {  	_ =	sfence  }
0xb8: {  	s30 =	sld [smem:$0x0];
	_ =	sdelay $0x2  }
0xb9: {  	s31 =	sshll.u32 s1, $0xD;
	s1 =	sshrl.u32 s1, $0x2  }
0xba: {  	s3 =	sand.u32 $0x4000, s31;
	s1 =	sadd.s32 s1, s30  }
0xbb: {  	s0 =	sor.u32 s3, s0;
	s1 =	sshll.u32 s1, $0x11  }
0xbc: {  	s0 =	sor.u32 s1, s0  }
0xbd: {  	s0 =	sadd.s32 $0x8F2B, s0  }
0xbe: {  	[sflag:s0] =	ssyncadd.remote.s32 $0x1  }
0xbf: {  	_ =	sfence.sel $0xFFFF  }
0xc0: {  	[dreg:$0x0] =	wrdreg $0xFFFFFFFF;
	(pc) =	sbr.abs _section_cstart, $3  }
0xc1: {  	[dreg:$0x1] =	wrdreg $0xFFFFFFFF  }
0xc2: {  	_ =	task.clear_ibuf [dreg:s7], $0x2FFFF;
	_ =	strace $0x9FFFFFFF  }
0xc3: {  	(tm) =	ssettm $0x7FFFFFFF  }
tec
execute0_lowered:
.L_overlay_start_1:
0x0: {  	(tag) =	ssettag $0x1  }
0x1: {  	s2 =	rddreg [dreg:$0x0]  }
0x2: {  	s0 =	rddreg [dreg:$0x1]  }
0x3: {  	s3 =	rddreg [dreg:$0x2]  }
0x4: {  	s10 =	stileid.u32;
	s1 =	srdreg.scid  }
0x5: {  	s4 =	simm.s32 $0x0;
	s12 =	simm.s32 $0x5;
	s13 =	simm.s32 $0x2710  }
0x6: {  	s15 =	simm.s32 $0x8E20;
	s16 =	simm.s32 $0x80;
	s17 =	simm.s32 $0x6E20  }
0x7: {  	s18 =	simm.s32 $0xAE20;
	s19 =	simm.s32 $0x1;
	s20 =	simm.s32 $0x3  }
0x8: {  	s21 =	simm.s32 $0xF530;
	s22 =	simm.s32 $0x2;
	s23 =	simm.s32 $0x4  }
0x9: {  	v0 =	vlaneseq.u32;
	s24 =	simm.s32 $0xCE20;
	s25 =	simm.s32 $0x0;
	s1 =	sand.u32 $0x1, s1  }
0xa: {  	s5 =	sshll.u32 s10, $0x1;
	s6 =	smul.u32 $0x9C40, s10;
	[smem:$0x7FF] =	sst s4;
	v0 =	vmul.u32 $0x18, v0  }
0xb: {  	s31 =	sshll.u32 s10, $0x6;
	s5 =	sor.u32 s1, s5;
	_ =	strace $0x80000047  }
0xc: {  	s1 =	ssub.s32 $0x2, s1;
	s9 =	smul.u32 $0x4E2, s5;
	s30 =	sshrl.u32 s6, $0x3;
	v1 =	vor.u32 $0x1, v0;
	v2 =	vor.u32 $0x2, v0;
	v3 =	vor.u32 $0x3, v0  }
0xd: {  	s7 =	sshrl.u32 s1, $0x1;
	s11 =	sadd.s32 s6, s3;
	s6 =	sor.u32 $0x1C05, s31;
	v4 =	vor.u32 $0x4, v0;
	v5 =	vor.u32 $0x5, v0;
	v6 =	vor.u32 $0x6, v0  }
0xe: {  	v7 =	vor.u32 $0x7, v0;
	v8 =	vadd.s32 $0x8, v0;
	v9 =	vadd.s32 $0x9, v0;
	s5 =	sadd.s32 s30, s2;
	s1 =	ssub.s32 s1, s7;
	s11 =	sshrl.u32 s11, $0x3  }
0xf: {  	v10 =	vadd.s32 $0xA, v0;
	v11 =	vadd.s32 $0xB, v0;
	v12 =	vadd.s32 $0xC, v0;
	s8 =	sadd.s32 s9, s2;
	s5 =	sadd.s32 $0x13A00, s5;
	s9 =	sadd.s32 s0, s9  }
0x10: {  	v13 =	vadd.s32 $0xD, v0;
	v14 =	vadd.s32 $0xE, v0;
	v15 =	vadd.s32 $0xF, v0;
	s10 =	smax.u32 s1, $0x1;
	s7 =	sadd.s32 $0x31200, s8;
	s8 =	sadd.s32 $0x27400, s8  }
.LBB2_1:
0x11: {  	[spmem:s11], [sflag:s6] =	dma.local [hbm:s5], $0x1388  }
0x12: {  	_ =	swait.ge [sflag:s12], $0x1388  }
0x13: {  	[sflag:s12] =	ssyncset.done $0x0  }
0x14: {  	[sflag:s12] =	ssyncadd.s32 $0xFFFFEC78  }
0x15: {  	[tilespmem:s4], [sflag:$0x5] =	stream.linear.gather [hbm4b:s7+s4], $0x2710, $0x38;
	[tilespmem:$0x192F0] =	vst v63  }
0x16: {  	_ =	swait.ge [sflag:s12], $0x2710  }
0x17: {  	[sflag:s12] =	ssyncset.done $0x0  }
0x18: {  	[sflag:s12] =	ssyncadd.s32 $0xFFFFD8F0  }
0x19: {  	[tilespmem:s13], [sflag:$0x5] =	stream.linear.gather [hbm4b:s8+s4], $0x2710, $0x38;
	[tilespmem:$0x192F0] =	vst v63  }
0x1a: {  	_ =	swait.ge [sflag:s12], $0x2710  }
0x1b: {  	[sflag:s12] =	ssyncset.done $0x0  }
0x1c: {  	[sflag:s12] =	ssyncadd.s32 $0xFFFFD8F0  }
0x1d: {  	s0 =	simm.s32 $0x4E20;
	[bflag:$0x0] =	sbarrier.arrive $0xFFFF  }
0x1e: {  	[tilespmem:s0], [sflag:$0x1] =	stream.indirect.gather [hbm4b:s2+s16], $0x40, s4, s16, $0xb8;
	[tilespmem:$0x192F0] =	vst v63  }
0x1f: {  	s26 =	simm.s32 $0x80;
	s28 =	simm.s32 $0x0;
	s29 =	simm.s32 $0x0  }
0x20: {  	[tilespmem:s15], [sflag:$0x3] =	stream.indirect.gather [spmem:s3], $0x40, s13, s16, $0xb8;
	[tilespmem:$0x192F0] =	vst v63  }
.LBB2_2:
0x21: {  	s31 =	sshll.u32 s29, $0x8  }
0x22: {  	s0 =	sor.u32 $0x80, s31  }
0x23: {  	s0 =	smin.u32 s0, $0x2690  }
0x24: {  	[tilespmem:s17], [sflag:$0x2] =	stream.indirect.gather [hbm4b:s2+s16], $0x40, s0, s16, $0xb8;
	[tilespmem:$0x192F0] =	vst v63  }
0x25: {  	s0 =	sadd.s32 $0x2710, s0  }
0x26: {  	[tilespmem:s18], [sflag:$0x4] =	stream.indirect.gather [spmem:s3], $0x40, s0, s16, $0xb8;
	[tilespmem:$0x192F0] =	vst v63  }
0x27: {  	_ =	swait.ge [sflag:s19], $0x2000  }
0x28: {  	[sflag:s19] =	ssyncset.done $0x0  }
0x29: {  	[sflag:s19] =	ssyncadd.s32 $0xFFFFE000  }
0x2a: {  	s1 =	smin.u32 s26, $0x2690;
	_ =	swait.ge [sflag:s20], $0x2000  }
0x2b: {  	s14 =	smin.u32 s28, $0x2690;
	s30 =	sadd.s32 $0xCE20, s1;
	[sflag:s20] =	ssyncset.done $0x0  }
0x2c: {  	s1 =	simm.s32 $0x0;
	s0 =	sadd.s32 $0xCE20, s14;
	[sflag:s20] =	ssyncadd.s32 $0xFFFFE000  }
.LBB2_3:
0x2d: {  	s14 =	sshra.s32 s1, $0x2  }
0x2e: {  	v16 =	vld [tilespmem:s14+$0x4E20]  }
0x2f: {  	v17 =	vld [tilespmem:s14+$0x8E20]  }
0x30: {  	v18 =	vld [tilespmem:s14+$0x4E30]  }
0x31: {  	v19 =	vld [tilespmem:s14+$0x8E30]  }
0x32: {  	v20 =	vld [tilespmem:s14+$0x4E40]  }
0x33: {  	v21 =	vld [tilespmem:s14+$0x8E40]  }
0x34: {  	v22 =	vld [tilespmem:s14+$0x4E50]  }
0x35: {  	v23 =	vld [tilespmem:s14+$0x8E50]  }
0x36: {  	v24 =	vld [tilespmem:s14+$0x4E60]  }
0x37: {  	v25 =	vld [tilespmem:s14+$0x8E60]  }
0x38: {  	v26 =	vld [tilespmem:s14+$0x4E70]  }
0x39: {  	v27 =	vld [tilespmem:s14+$0x8E70]  }
0x3a: {  	v28 =	vld [tilespmem:s14+$0x4E80]  }
0x3b: {  	v29 =	vld [tilespmem:s14+$0x8E80]  }
0x3c: {  	v30 =	vld [tilespmem:s14+$0x4E90]  }
0x3d: {  	v31 =	vld [tilespmem:s14+$0x8E90]  }
0x3e: {  	v32 =	vld [tilespmem:s14+$0x4EA0]  }
0x3f: {  	v33 =	vld [tilespmem:s14+$0x8EA0]  }
0x40: {  	v34 =	vld [tilespmem:s14+$0x4EB0]  }
0x41: {  	v35 =	vld [tilespmem:s14+$0x8EB0]  }
0x42: {  	v36 =	vld [tilespmem:s14+$0x4EC0]  }
0x43: {  	v37 =	vld [tilespmem:s14+$0x8EC0]  }
0x44: {  	v38 =	vld [tilespmem:s14+$0x4ED0]  }
0x45: {  	v39 =	vld [tilespmem:s14+$0x8ED0]  }
0x46: {  	v40 =	vld [tilespmem:s14+$0x4EE0]  }
0x47: {  	v41 =	vld [tilespmem:s14+$0x8EE0]  }
0x48: {  	v42 =	vld [tilespmem:s14+$0x4EF0]  }
0x49: {  	v43 =	vld [tilespmem:s14+$0x8EF0]  }
0x4a: {  	v44 =	vld [tilespmem:s14+$0x4F00]  }
0x4b: {  	v45 =	vld [tilespmem:s14+$0x8F00]  }
0x4c: {  	v46 =	vld [tilespmem:s14+$0x4F10]  }
0x4d: {  	v47 =	vld [tilespmem:s14+$0x8F10]  }
0x4e: {  	v48 =	vld [tilespmem:s14+$0x4F20]  }
0x4f: {  	v49 =	vld [tilespmem:s14+$0x8F20]  }
0x50: {  	v50 =	vld [tilespmem:s14+$0x8F30]  }
0x51: {  	v52 =	vld [tilespmem:s14+$0x8F50]  }
0x52: {  	v16 =	vmul.bf16 v17, v16;
	v17 =	vmul.bf16 v19, v18;
	v19 =	vld [tilespmem:s14+$0x4F30]  }
0x53: {  	v20 =	vmul.bf16 v21, v20;
	v21 =	vld [tilespmem:s14+$0x4F40]  }
0x54: {  	v22 =	vmul.bf16 v23, v22;
	v23 =	vld [tilespmem:s14+$0x4F50]  }
0x55: {  	v59 =	vmul.bf16 v25, v24;
	v24 =	vld [tilespmem:s14+$0x4F60]  }
0x56: {  	v60 =	vmul.bf16 v27, v26;
	v25 =	vld [tilespmem:s14+$0x8F60];
	v28 =	vmul.bf16 v29, v28  }
0x57: {  	v26 =	vld [tilespmem:s14+$0x4F70];
	v63 =	vmul.bf16 v31, v30;
	v54 =	vmul.bf16 v33, v32  }
0x58: {  	v29 =	vld [tilespmem:s14+$0x8F70];
	v55 =	vmul.bf16 v35, v34;
	v57 =	vunpack.i.l.bf16.f32 v16;
	v51 =	vunpack.i.l.bf16.f32 v17  }
0x59: {  	v30 =	vld [tilespmem:s14+$0x8F80];
	v16 =	vunpack.i.u.bf16.f32 v16;
	v17 =	vunpack.i.u.bf16.f32 v17;
	v58 =	vunpack.i.l.bf16.f32 v22  }
0x5a: {  	v33 =	vld [tilespmem:s14+$0x8F90];
	v22 =	vunpack.i.u.bf16.f32 v22;
	v61 =	vunpack.i.u.bf16.f32 v59;
	v27 =	vunpack.i.u.bf16.f32 v60  }
0x5b: {  	v56 =	vunpack.i.l.bf16.f32 v54;
	v31 =	vunpack.i.u.bf16.f32 v54;
	v54 =	vmul.bf16 v45, v44;
	v44 =	vld [tilespmem:s14+$0x4FE0]  }
0x5c: {  	v53 =	vunpack.i.u.bf16.f32 v63;
	v34 =	vunpack.i.l.bf16.f32 v55;
	v32 =	vunpack.i.u.bf16.f32 v55;
	v45 =	vld [tilespmem:s14+$0x4FF0]  }
0x5d: {  	v18 =	vadd.f32 v51, v57;
	v51 =	vld [tilespmem:s14+$0x8F40];
	v16 =	vadd.f32 v17, v16;
	v17 =	vunpack.i.l.bf16.f32 v20  }
0x5e: {  	v20 =	vunpack.i.u.bf16.f32 v20;
	v62 =	vadd.f32 v27, v61;
	v27 =	vld [tilespmem:s14+$0x4F80];
	v31 =	vadd.f32 v32, v31  }
0x5f: {  	v57 =	vmul.bf16 v37, v36;
	v36 =	vld [tilespmem:s14+$0x8FA0];
	v17 =	vadd.f32 v17, v18;
	v16 =	vadd.f32 v20, v16  }
0x60: {  	v32 =	vld [tilespmem:s14+$0x4FC0];
	v20 =	vunpack.i.l.bf16.f32 v59;
	v18 =	vunpack.i.l.bf16.f32 v60;
	v59 =	vmul.bf16 v39, v38  }
0x61: {  	v38 =	vld [tilespmem:s14+$0x8FB0];
	v60 =	vunpack.i.u.bf16.f32 v57;
	v19 =	vmul.bf16 v50, v19;
	v23 =	vmul.bf16 v52, v23  }
0x62: {  	v39 =	vld [tilespmem:s14+$0x8FC0];
	v24 =	vmul.bf16 v25, v24;
	v26 =	vmul.bf16 v29, v26;
	v18 =	vadd.f32 v18, v20  }
0x63: {  	v25 =	vld [tilespmem:s14+$0x5030];
	v20 =	vadd.f32 v34, v56;
	v56 =	vmul.bf16 v47, v46;
	v17 =	vadd.f32 v58, v17  }
0x64: {  	v29 =	vld [tilespmem:s14+$0x9030];
	v16 =	vadd.f32 v22, v16;
	v22 =	vunpack.i.l.bf16.f32 v63;
	v58 =	vunpack.i.l.bf16.f32 v57  }
0x65: {  	v34 =	vld [tilespmem:s14+$0x4FB0];
	v61 =	vunpack.i.l.bf16.f32 v59;
	v37 =	vunpack.i.u.bf16.f32 v59;
	v63 =	vmul.bf16 v43, v42  }
0x66: {  	v47 =	vld [tilespmem:s14+$0x5000];
	v57 =	vunpack.i.u.bf16.f32 v54;
	v43 =	vunpack.i.l.bf16.f32 v54;
	v59 =	vmul.bf16 v49, v48  }
0x67: {  	v49 =	vld [tilespmem:s14+$0x5010];
	v52 =	vunpack.i.l.bf16.f32 v23;
	v23 =	vunpack.i.u.bf16.f32 v23;
	v54 =	vunpack.i.u.bf16.f32 v26  }
0x68: {  	v48 =	vld [tilespmem:s14+$0x9010];
	v26 =	vunpack.i.l.bf16.f32 v26;
	v20 =	vadd.f32 v58, v20;
	v58 =	vunpack.i.u.bf16.f32 v56  }
0x69: {  	v21 =	vmul.bf16 v51, v21;
	v51 =	vld [tilespmem:s14+$0x5020];
	v27 =	vmul.bf16 v30, v27;
	v16 =	vadd.f32 v17, v16  }
0x6a: {  	v30 =	vld [tilespmem:s14+$0x9040];
	v17 =	vunpack.i.u.bf16.f32 v28;
	v28 =	vunpack.i.l.bf16.f32 v28;
	v42 =	vunpack.i.u.bf16.f32 v63  }
0x6b: {  	v46 =	vunpack.i.u.bf16.f32 v59;
	v18 =	vadd.f32 v28, v18;
	v17 =	vadd.f32 v17, v62;
	v28 =	vld [tilespmem:s14+$0x4F90]  }
0x6c: {  	v62 =	vmul.bf16 v41, v40;
	v20 =	vadd.f32 v61, v20;
	v40 =	vld [tilespmem:s14+$0x4FD0];
	v61 =	vunpack.i.l.bf16.f32 v19  }
0x6d: {  	v41 =	vld [tilespmem:s14+$0x8FD0];
	v19 =	vunpack.i.u.bf16.f32 v19;
	v32 =	vmul.bf16 v39, v32;
	v25 =	vmul.bf16 v29, v25  }
0x6e: {  	v39 =	vld [tilespmem:s14+$0x9070];
	v46 =	vadd.f32 v19, v46;
	v34 =	vmul.bf16 v38, v34;
	v18 =	vadd.f32 v22, v18  }
0x6f: {  	v29 =	vld [tilespmem:s14+$0x50D0];
	v17 =	vadd.f32 v53, v17;
	v53 =	vunpack.i.u.bf16.f32 v62;
	v35 =	vunpack.i.l.bf16.f32 v62  }
0x70: {  	v22 =	vld [tilespmem:s14+$0x4FA0];
	v55 =	vadd.f32 v42, v53;
	v53 =	vunpack.i.u.bf16.f32 v24;
	v24 =	vunpack.i.l.bf16.f32 v24  }
0x71: {  	v42 =	vld [tilespmem:s14+$0x8FE0];
	v17 =	vadd.f32 v18, v17;
	v18 =	vadd.f32 v60, v31;
	v31 =	vunpack.i.l.bf16.f32 v63  }
0x72: {  	v62 =	vunpack.i.l.bf16.f32 v21;
	v24 =	vadd.f32 v26, v24;
	v31 =	vadd.f32 v31, v35;
	v35 =	vld [tilespmem:s14+$0x9000]  }
0x73: {  	v40 =	vmul.bf16 v41, v40;
	v41 =	vld [tilespmem:s14+$0x9080];
	v18 =	vadd.f32 v37, v18;
	v37 =	vunpack.i.l.bf16.f32 v56  }
0x74: {  	v56 =	vunpack.i.u.bf16.f32 v27;
	v27 =	vunpack.i.l.bf16.f32 v27;
	v31 =	vadd.f32 v43, v31;
	v43 =	vld [tilespmem:s14+$0x8FF0]  }
0x75: {  	v38 =	vunpack.i.l.bf16.f32 v34;
	v34 =	vunpack.i.u.bf16.f32 v34;
	v24 =	vadd.f32 v27, v24;
	v27 =	vld [tilespmem:s14+$0x5060]  }
0x76: {  	v60 =	vunpack.i.l.bf16.f32 v59;
	v63 =	vunpack.i.u.bf16.f32 v21;
	v22 =	vmul.bf16 v36, v22;
	v36 =	vld [tilespmem:s14+$0x9060]  }
0x77: {  	v18 =	vadd.f32 v20, v18;
	v20 =	vadd.f32 v57, v55;
	v55 =	vmul.bf16 v33, v28;
	v28 =	vld [tilespmem:s14+$0x5050]  }
0x78: {  	v59 =	vunpack.i.l.bf16.f32 v32;
	v33 =	vld [tilespmem:s14+$0x9050];
	v31 =	vadd.f32 v37, v31;
	v37 =	vadd.f32 v61, v60  }
0x79: {  	v60 =	vunpack.i.u.bf16.f32 v32;
	v32 =	vld [tilespmem:s14+$0x5090];
	v61 =	vunpack.i.l.bf16.f32 v40;
	v40 =	vunpack.i.u.bf16.f32 v40  }
0x7a: {  	v20 =	vadd.f32 v58, v20;
	v26 =	vunpack.i.l.bf16.f32 v55;
	v35 =	vmul.bf16 v35, v47;
	v47 =	vld [tilespmem:s14+$0x50C0]  }
0x7b: {  	v58 =	vunpack.i.l.bf16.f32 v22;
	v22 =	vunpack.i.u.bf16.f32 v22;
	v50 =	vadd.f32 v62, v37;
	v37 =	vld [tilespmem:s14+$0x5040]  }
0x7c: {  	v57 =	vunpack.i.u.bf16.f32 v55;
	v24 =	vadd.f32 v26, v24;
	v26 =	vld [tilespmem:s14+$0x5070];
	v22 =	vadd.f32 v34, v22  }
0x7d: {  	v62 =	vmul.bf16 v42, v44;
	v42 =	vld [tilespmem:s14+$0x9090];
	v19 =	vadd.f32 v31, v20;
	v20 =	vadd.f32 v63, v46  }
0x7e: {  	v44 =	vld [tilespmem:s14+$0x90A0];
	v63 =	vmul.bf16 v43, v45;
	v27 =	vmul.bf16 v36, v27;
	v21 =	vadd.f32 v52, v50  }
0x7f: {  	v31 =	vld [tilespmem:s14+$0x9020];
	v22 =	vadd.f32 v60, v22;
	v50 =	vunpack.i.u.bf16.f32 v62;
	v34 =	vunpack.i.l.bf16.f32 v62  }
0x80: {  	v43 =	vld [tilespmem:s14+$0x50A0];
	v28 =	vmul.bf16 v33, v28;
	v20 =	vadd.f32 v23, v20;
	v23 =	vadd.f32 v54, v53  }
0x81: {  	v46 =	vld [tilespmem:s14+$0x50B0];
	v45 =	vunpack.i.u.bf16.f32 v63;
	v53 =	vmul.bf16 v48, v49;
	v54 =	vunpack.i.u.bf16.f32 v35  }
0x82: {  	v36 =	vld [tilespmem:s14+$0x5100];
	v35 =	vunpack.i.l.bf16.f32 v35;
	v62 =	vunpack.i.u.bf16.f32 v27;
	v22 =	vadd.f32 v40, v22  }
0x83: {  	v33 =	vld [tilespmem:s14+$0x50F0];
	v27 =	vunpack.i.l.bf16.f32 v27;
	v52 =	vadd.f32 v45, v50;
	v20 =	vadd.f32 v21, v20  }
0x84: {  	v48 =	vld [tilespmem:s14+$0x90E0];
	v21 =	vadd.f32 v56, v23;
	v23 =	vadd.f32 v38, v58;
	v30 =	vmul.bf16 v30, v37  }
0x85: {  	v45 =	vld [tilespmem:s14+$0x90B0];
	v55 =	vunpack.i.u.bf16.f32 v53;
	v26 =	vmul.bf16 v39, v26;
	v50 =	vmul.bf16 v42, v32  }
0x86: {  	v38 =	vld [tilespmem:s14+$0x5080];
	v40 =	vunpack.i.l.bf16.f32 v53;
	v31 =	vmul.bf16 v31, v51;
	v53 =	vmul.bf16 v44, v43  }
0x87: {  	v37 =	vld [tilespmem:s14+$0x50E0];
	v21 =	vadd.f32 v57, v21;
	v23 =	vadd.f32 v59, v23;
	v57 =	vunpack.i.l.bf16.f32 v25  }
0x88: {  	v39 =	vld [tilespmem:s14+$0x5110];
	v25 =	vunpack.i.u.bf16.f32 v25;
	v58 =	vunpack.i.l.bf16.f32 v30;
	v59 =	vunpack.i.u.bf16.f32 v30  }
0x89: {  	v32 =	vld [tilespmem:s14+$0x5120];
	v56 =	vunpack.i.l.bf16.f32 v31;
	v31 =	vunpack.i.u.bf16.f32 v31;
	v42 =	vunpack.i.u.bf16.f32 v53  }
0x8a: {  	v44 =	vld [tilespmem:s14+$0x9130];
	v21 =	vadd.f32 v24, v21;
	v23 =	vadd.f32 v61, v23;
	v24 =	vunpack.i.l.bf16.f32 v63  }
0x8b: {  	v30 =	vld [tilespmem:s14+$0x9100];
	v25 =	vadd.f32 v25, v31;
	v61 =	vunpack.i.l.bf16.f32 v28;
	v28 =	vunpack.i.u.bf16.f32 v28  }
0x8c: {  	v31 =	vld [tilespmem:s14+$0x90F0];
	v63 =	vunpack.i.u.bf16.f32 v26;
	v26 =	vunpack.i.l.bf16.f32 v26;
	v24 =	vadd.f32 v24, v34  }
0x8d: {  	v34 =	vld [tilespmem:s14+$0x90D0];
	v38 =	vmul.bf16 v41, v38;
	v26 =	vadd.f32 v26, v27;
	v49 =	vadd.f32 v63, v62  }
0x8e: {  	v41 =	vld [tilespmem:s14+$0x9110];
	v37 =	vmul.bf16 v48, v37;
	v22 =	vadd.f32 v23, v22;
	v23 =	vadd.f32 v54, v52  }
0x8f: {  	v27 =	vld [tilespmem:s14+$0x5140];
	v52 =	vunpack.i.u.bf16.f32 v50;
	v54 =	vmul.bf16 v45, v46;
	v24 =	vadd.f32 v35, v24  }
0x90: {  	v62 =	vld [tilespmem:s14+$0x9170];
	v51 =	vunpack.i.u.bf16.f32 v38;
	v38 =	vunpack.i.l.bf16.f32 v38;
	v30 =	vmul.bf16 v30, v36  }
0x91: {  	v35 =	vld [tilespmem:s14+$0x90C0];
	v23 =	vadd.f32 v55, v23;
	v26 =	vadd.f32 v38, v26;
	v55 =	vunpack.i.l.bf16.f32 v53  }
0x92: {  	v48 =	vld [tilespmem:s14+$0x5180];
	v43 =	vunpack.i.u.bf16.f32 v54;
	v24 =	vadd.f32 v40, v24;
	v40 =	vadd.f32 v57, v56  }
0x93: {  	v38 =	vld [tilespmem:s14+$0x5130];
	v45 =	vunpack.i.l.bf16.f32 v54;
	v42 =	vadd.f32 v43, v42;
	v31 =	vmul.bf16 v31, v33  }
0x94: {  	v54 =	vld [tilespmem:s14+$0x9190];
	v29 =	vmul.bf16 v34, v29;
	v23 =	vadd.f32 v24, v23;
	v60 =	vadd.f32 v58, v40  }
0x95: {  	v56 =	vld [tilespmem:s14+$0x9140];
	v24 =	vadd.f32 v59, v25;
	v63 =	vunpack.i.u.bf16.f32 v31;
	v31 =	vunpack.i.l.bf16.f32 v31  }
0x96: {  	v33 =	vld [tilespmem:s14+$0x5170];
	v35 =	vmul.bf16 v35, v47;
	v59 =	vunpack.i.l.bf16.f32 v29;
	v29 =	vunpack.i.u.bf16.f32 v29  }
0x97: {  	v43 =	vld [tilespmem:s14+$0x91D0];
	v25 =	vadd.f32 v61, v60;
	v24 =	vadd.f32 v28, v24;
	v28 =	vunpack.i.l.bf16.f32 v50  }
0x98: {  	v34 =	vld [tilespmem:s14+$0x9150];
	v61 =	vunpack.i.u.bf16.f32 v37;
	v37 =	vunpack.i.l.bf16.f32 v37;
	v38 =	vmul.bf16 v44, v38  }
0x99: {  	v40 =	vld [tilespmem:s14+$0x9120];
	v26 =	vadd.f32 v28, v26;
	v28 =	vadd.f32 v45, v55;
	v57 =	vunpack.i.l.bf16.f32 v35  }
0x9a: {  	v60 =	vld [tilespmem:s14+$0x9160];
	v58 =	vunpack.i.u.bf16.f32 v35;
	v31 =	vadd.f32 v31, v37;
	v27 =	vmul.bf16 v56, v27  }
0x9b: {  	v50 =	vld [tilespmem:s14+$0x9180];
	v33 =	vmul.bf16 v62, v33;
	v24 =	vadd.f32 v25, v24;
	v25 =	vadd.f32 v51, v49  }
0x9c: {  	v45 =	vld [tilespmem:s14+$0x5150];
	v49 =	vmul.bf16 v41, v39;
	v51 =	vunpack.i.u.bf16.f32 v30;
	v30 =	vunpack.i.l.bf16.f32 v30  }
0x9d: {  	v35 =	vld [tilespmem:s14+$0x5160];
	v44 =	vunpack.i.l.bf16.f32 v38;
	v38 =	vunpack.i.u.bf16.f32 v38;
	v28 =	vadd.f32 v57, v28  }
0x9e: {  	v56 =	vld [tilespmem:s14+$0x51B0];
	v30 =	vadd.f32 v30, v31;
	v32 =	vmul.bf16 v40, v32;
	v62 =	vunpack.i.u.bf16.f32 v33  }
0x9f: {  	v39 =	vld [tilespmem:s14+$0x51E0];
	v33 =	vunpack.i.l.bf16.f32 v33;
	v25 =	vadd.f32 v52, v25;
	v37 =	vunpack.i.l.bf16.f32 v49  }
0xa0: {  	v40 =	vld [tilespmem:s14+$0x51A0];
	v53 =	vunpack.i.u.bf16.f32 v49;
	v28 =	vadd.f32 v59, v28;
	v30 =	vadd.f32 v37, v30  }
0xa1: {  	v57 =	vld [tilespmem:s14+$0x91B0];
	v55 =	vunpack.i.l.bf16.f32 v32;
	v32 =	vunpack.i.u.bf16.f32 v32;
	v25 =	vadd.f32 v26, v25  }
0xa2: {  	v52 =	vld [tilespmem:s14+$0x5190];
	v36 =	vmul.bf16 v50, v48;
	v26 =	vadd.f32 v58, v42;
	v37 =	vadd.f32 v44, v55  }
0xa3: {  	v59 =	vld [tilespmem:s14+$0x91C0];
	v32 =	vadd.f32 v38, v32;
	v58 =	vunpack.i.l.bf16.f32 v27;
	v34 =	vmul.bf16 v34, v45  }
0xa4: {  	v48 =	vld [tilespmem:s14+$0x91E0];
	v27 =	vunpack.i.u.bf16.f32 v27;
	v35 =	vmul.bf16 v60, v35;
	v49 =	vunpack.i.u.bf16.f32 v36  }
0xa5: {  	v50 =	vld [tilespmem:s14+$0x51F0];
	v36 =	vunpack.i.l.bf16.f32 v36;
	v26 =	vadd.f32 v29, v26;
	v29 =	vadd.f32 v63, v61  }
0xa6: {  	v45 =	vld [tilespmem:s14+$0x51C0];
	v37 =	vadd.f32 v58, v37;
	v27 =	vadd.f32 v27, v32;
	v60 =	vunpack.i.l.bf16.f32 v34  }
0xa7: {  	v42 =	vld [tilespmem:s14+$0x51D0];
	v61 =	vunpack.i.u.bf16.f32 v35;
	v35 =	vunpack.i.l.bf16.f32 v35;
	v34 =	vunpack.i.u.bf16.f32 v34  }
0xa8: {  	v55 =	vld [tilespmem:s14+$0x9200];
	v56 =	vmul.bf16 v57, v56;
	v33 =	vadd.f32 v33, v35;
	v63 =	vadd.f32 v62, v61  }
0xa9: {  	v57 =	vld [tilespmem:s14+$0x5210];
	v31 =	vmul.bf16 v54, v52;
	v26 =	vadd.f32 v28, v26;
	v28 =	vadd.f32 v51, v29  }
0xaa: {  	v58 =	vld [tilespmem:s14+$0x9210];
	v32 =	vadd.f32 v60, v37;
	v27 =	vadd.f32 v34, v27;
	v61 =	vunpack.i.u.bf16.f32 v56  }
0xab: {  	v29 =	vld [tilespmem:s14+$0x91A0];
	v33 =	vadd.f32 v36, v33;
	v35 =	vadd.f32 v49, v63;
	v52 =	vunpack.i.u.bf16.f32 v31  }
0xac: {  	v51 =	vld [tilespmem:s14+$0x91F0];
	v31 =	vunpack.i.l.bf16.f32 v31;
	v59 =	vmul.bf16 v59, v45;
	v62 =	vmul.bf16 v43, v42  }
0xad: {  	v28 =	vadd.f32 v53, v28;
	v53 =	vld [tilespmem:s14+$0x5200];
	v27 =	vadd.f32 v32, v27;
	[tilespmem:$0xF530] =	vst v16;
	v16 =	vunpack.i.l.bf16.f32 v56  }
0xae: {  	v31 =	vadd.f32 v31, v33;
	v54 =	vadd.f32 v52, v35;
	v63 =	vunpack.i.l.bf16.f32 v59  }
0xaf: {  	[tilespmem:$0xF548] =	vst v17;
	v37 =	vunpack.i.u.bf16.f32 v59;
	v46 =	vmul.bf16 v58, v57;
	v47 =	vunpack.i.u.bf16.f32 v62  }
0xb0: {  	[tilespmem:$0xF560] =	vst v18;
	v28 =	vadd.f32 v30, v28;
	v30 =	vmul.bf16 v48, v39;
	v29 =	vmul.bf16 v29, v40  }
0xb1: {  	[tilespmem:$0xF578] =	vst v19;
	v39 =	vunpack.i.l.bf16.f32 v62;
	v31 =	vadd.f32 v31, v54;
	v38 =	vmul.bf16 v51, v50  }
0xb2: {  	[tilespmem:$0xF590] =	vst v20;
	v40 =	vunpack.i.u.bf16.f32 v30;
	v18 =	vunpack.i.l.bf16.f32 v30;
	v60 =	vunpack.i.l.bf16.f32 v29  }
0xb3: {  	[tilespmem:$0xF5A8] =	vst v21;
	v17 =	vunpack.i.u.bf16.f32 v29;
	v41 =	vunpack.i.u.bf16.f32 v38;
	v42 =	vmul.bf16 v55, v53  }
0xb4: {  	[tilespmem:$0xF5C0] =	vst v22;
	v19 =	vunpack.i.l.bf16.f32 v38;
	v16 =	vadd.f32 v16, v60;
	v17 =	vadd.f32 v61, v17  }
0xb5: {  	[tilespmem:$0xF5D8] =	vst v23;
	v18 =	vadd.f32 v19, v18;
	v43 =	vadd.f32 v41, v40;
	v44 =	vunpack.i.u.bf16.f32 v42  }
0xb6: {  	[tilespmem:$0xF5F0] =	vst v24;
	v45 =	vunpack.i.l.bf16.f32 v42;
	v16 =	vadd.f32 v63, v16;
	v17 =	vadd.f32 v37, v17  }
0xb7: {  	[tilespmem:$0xF608] =	vst v25;
	v48 =	vunpack.i.u.bf16.f32 v46;
	v18 =	vadd.f32 v45, v18;
	v19 =	vadd.f32 v44, v43  }
0xb8: {  	[tilespmem:$0xF620] =	vst v26;
	v49 =	vunpack.i.l.bf16.f32 v46;
	v16 =	vadd.f32 v39, v16;
	v17 =	vadd.f32 v47, v17  }
0xb9: {  	[tilespmem:$0xF650] =	vst v27;
	v18 =	vadd.f32 v49, v18;
	v19 =	vadd.f32 v48, v19  }
0xba: {  	[tilespmem:$0xF638] =	vst v28;
	v16 =	vadd.f32 v16, v17  }
0xbb: {  	[tilespmem:$0xF668] =	vst v31;
	v17 =	vadd.f32 v18, v19  }
0xbc: {  	[tilespmem:$0xF680] =	vst v16  }
0xbd: {  	[tilespmem:$0xF698] =	vst v17  }
0xbe: {  	v16 =	vld.idx.msk [tilespmem:v0+s21+$0x0], $0xffff  }
0xbf: {  	v17 =	vld.idx.msk [tilespmem:v1+s21+$0x0], $0xffff  }
0xc0: {  	v50 =	vld.idx.msk [tilespmem:v2+s21+$0x0], $0xffff  }
0xc1: {  	v51 =	vld.idx.msk [tilespmem:v3+s21+$0x0], $0xffff  }
0xc2: {  	v52 =	vld.idx.msk [tilespmem:v4+s21+$0x0], $0xffff  }
0xc3: {  	v53 =	vld.idx.msk [tilespmem:v5+s21+$0x0], $0xffff  }
0xc4: {  	v54 =	vld.idx.msk [tilespmem:v6+s21+$0x0], $0xffff  }
0xc5: {  	v55 =	vld.idx.msk [tilespmem:v7+s21+$0x0], $0xffff  }
0xc6: {  	v56 =	vld.idx.msk [tilespmem:v8+s21+$0x0], $0xffff;
	v16 =	vadd.f32 v50, v16;
	v17 =	vadd.f32 v51, v17  }
0xc7: {  	v57 =	vld.idx.msk [tilespmem:v9+s21+$0x0], $0xffff  }
0xc8: {  	v58 =	vld.idx.msk [tilespmem:v10+s21+$0x0], $0xffff;
	v16 =	vadd.f32 v52, v16;
	v17 =	vadd.f32 v53, v17  }
0xc9: {  	v59 =	vld.idx.msk [tilespmem:v11+s21+$0x0], $0xffff  }
0xca: {  	v60 =	vld.idx.msk [tilespmem:v12+s21+$0x0], $0xffff;
	v16 =	vadd.f32 v54, v16;
	v17 =	vadd.f32 v55, v17  }
0xcb: {  	v61 =	vld.idx.msk [tilespmem:v13+s21+$0x0], $0xffff  }
0xcc: {  	v62 =	vld.idx.msk [tilespmem:v14+s21+$0x0], $0xffff;
	v16 =	vadd.f32 v56, v16;
	v17 =	vadd.f32 v57, v17  }
0xcd: {  	v63 =	vld.idx.msk [tilespmem:v15+s21+$0x0], $0xffff  }
0xce: {  	v16 =	vadd.f32 v58, v16;
	v17 =	vadd.f32 v59, v17;
	_ =	sdelay $0x1  }
0xcf: {  	v16 =	vadd.f32 v60, v16;
	v17 =	vadd.f32 v61, v17  }
0xd0: {  	p0 =	sne.s32 s1, $0x7000  }
.Ltmp0:
0xd1: {  	v16 =	vadd.f32 v62, v16;
	v17 =	vadd.f32 v63, v17;
	(pc) =	sbr.rel @p0 .LBB2_3-.Ltmp0, $3  }
0xd2: {  	_ = 	snop  }
0xd3: {  	v16 =	vadd.f32 v17, v16;
	_ =	sdelay $0x1  }
0xd4: {  	s1 =	sadd.s32 $0x1000, s1;
	[tilespmem:s0+$0x0] =	vst v16;
	s0 =	sadd.s32 $0x10, s0  }
0xd5: {  	p0 =	seq.s32 s29, $0x27  }
0xd6: {  	s0 =	smin.u32 @!p0 s31, $0x2590  }
0xd7: {  	s14 =	simm.s32 @!p0 $0x80;
	s31 =	simm.s32 @!p0 $0x4E20;
	s1 =	sadd.s32 @!p0 $0x100, s0  }
0xd8: {  	[tilespmem:s31], [sflag:$0x1] =	stream.indirect.gather @!p0 [hbm4b:s2+s14], $0x40, s1, s14, $0xb8;
	[tilespmem:$0x192F0] =	vst v63  }
0xd9: {  	s0 =	sadd.s32 @!p0 $0x2810, s0;
	s1 =	simm.s32 @!p0 $0x8E20  }
0xda: {  	[tilespmem:s1], [sflag:$0x3] =	stream.indirect.gather @!p0 [spmem:s3], $0x40, s0, s14, $0xb8;
	[tilespmem:$0x192F0] =	vst v63  }
0xdb: {  	_ =	swait.ge [sflag:s22], $0x2000  }
0xdc: {  	[sflag:s22] =	ssyncset.done $0x0  }
0xdd: {  	[sflag:s22] =	ssyncadd.s32 $0xFFFFE000  }
0xde: {  	_ =	swait.ge [sflag:s23], $0x2000  }
0xdf: {  	[sflag:s23] =	ssyncset.done $0x0  }
0xe0: {  	s0 =	simm.s32 $0x0;
	[sflag:s23] =	ssyncadd.s32 $0xFFFFE000  }
.LBB2_5:
0xe1: {  	s1 =	sshra.s32 s0, $0x2  }
0xe2: {  	v16 =	vld [tilespmem:s1+$0x6E20]  }
0xe3: {  	v17 =	vld [tilespmem:s1+$0xAE20]  }
0xe4: {  	v18 =	vld [tilespmem:s1+$0x6E30]  }
0xe5: {  	v19 =	vld [tilespmem:s1+$0xAE30]  }
0xe6: {  	v20 =	vld [tilespmem:s1+$0x6E40]  }
0xe7: {  	v21 =	vld [tilespmem:s1+$0xAE40]  }
0xe8: {  	v22 =	vld [tilespmem:s1+$0x6E50]  }
0xe9: {  	v23 =	vld [tilespmem:s1+$0xAE50]  }
0xea: {  	v24 =	vld [tilespmem:s1+$0x6E60]  }
0xeb: {  	v25 =	vld [tilespmem:s1+$0xAE60]  }
0xec: {  	v26 =	vld [tilespmem:s1+$0x6E70]  }
0xed: {  	v27 =	vld [tilespmem:s1+$0xAE70]  }
0xee: {  	v28 =	vld [tilespmem:s1+$0x6E80]  }
0xef: {  	v29 =	vld [tilespmem:s1+$0xAE80]  }
0xf0: {  	v30 =	vld [tilespmem:s1+$0x6E90]  }
0xf1: {  	v31 =	vld [tilespmem:s1+$0xAE90]  }
0xf2: {  	v32 =	vld [tilespmem:s1+$0x6EA0]  }
0xf3: {  	v33 =	vld [tilespmem:s1+$0xAEA0]  }
0xf4: {  	v34 =	vld [tilespmem:s1+$0x6EB0]  }
0xf5: {  	v35 =	vld [tilespmem:s1+$0xAEB0]  }
0xf6: {  	v36 =	vld [tilespmem:s1+$0x6EC0]  }
0xf7: {  	v37 =	vld [tilespmem:s1+$0xAEC0]  }
0xf8: {  	v38 =	vld [tilespmem:s1+$0x6ED0]  }
0xf9: {  	v39 =	vld [tilespmem:s1+$0xAED0]  }
0xfa: {  	v40 =	vld [tilespmem:s1+$0x6EE0]  }
0xfb: {  	v41 =	vld [tilespmem:s1+$0xAEE0]  }
0xfc: {  	v42 =	vld [tilespmem:s1+$0x6EF0]  }
0xfd: {  	v43 =	vld [tilespmem:s1+$0xAEF0]  }
0xfe: {  	v44 =	vld [tilespmem:s1+$0x6F00]  }
0xff: {  	v45 =	vld [tilespmem:s1+$0xAF00]  }
0x100: {  	v46 =	vld [tilespmem:s1+$0x6F10]  }
0x101: {  	v47 =	vld [tilespmem:s1+$0xAF10]  }
0x102: {  	v48 =	vld [tilespmem:s1+$0x6F20]  }
0x103: {  	v49 =	vld [tilespmem:s1+$0xAF20]  }
0x104: {  	v50 =	vld [tilespmem:s1+$0xAF30]  }
0x105: {  	v52 =	vld [tilespmem:s1+$0xAF50]  }
0x106: {  	v16 =	vmul.bf16 v17, v16;
	v17 =	vmul.bf16 v19, v18;
	v19 =	vld [tilespmem:s1+$0x6F30]  }
0x107: {  	v20 =	vmul.bf16 v21, v20;
	v21 =	vld [tilespmem:s1+$0x6F40]  }
0x108: {  	v22 =	vmul.bf16 v23, v22;
	v23 =	vld [tilespmem:s1+$0x6F50]  }
0x109: {  	v59 =	vmul.bf16 v25, v24;
	v24 =	vld [tilespmem:s1+$0x6F60]  }
0x10a: {  	v60 =	vmul.bf16 v27, v26;
	v25 =	vld [tilespmem:s1+$0xAF60];
	v28 =	vmul.bf16 v29, v28  }
0x10b: {  	v26 =	vld [tilespmem:s1+$0x6F70];
	v63 =	vmul.bf16 v31, v30;
	v54 =	vmul.bf16 v33, v32  }
0x10c: {  	v29 =	vld [tilespmem:s1+$0xAF70];
	v55 =	vmul.bf16 v35, v34;
	v57 =	vunpack.i.l.bf16.f32 v16;
	v51 =	vunpack.i.l.bf16.f32 v17  }
0x10d: {  	v30 =	vld [tilespmem:s1+$0xAF80];
	v16 =	vunpack.i.u.bf16.f32 v16;
	v17 =	vunpack.i.u.bf16.f32 v17;
	v58 =	vunpack.i.l.bf16.f32 v22  }
0x10e: {  	v33 =	vld [tilespmem:s1+$0xAF90];
	v22 =	vunpack.i.u.bf16.f32 v22;
	v61 =	vunpack.i.u.bf16.f32 v59;
	v27 =	vunpack.i.u.bf16.f32 v60  }
0x10f: {  	v56 =	vunpack.i.l.bf16.f32 v54;
	v31 =	vunpack.i.u.bf16.f32 v54;
	v54 =	vmul.bf16 v45, v44;
	v44 =	vld [tilespmem:s1+$0x6FE0]  }
0x110: {  	v53 =	vunpack.i.u.bf16.f32 v63;
	v34 =	vunpack.i.l.bf16.f32 v55;
	v32 =	vunpack.i.u.bf16.f32 v55;
	v45 =	vld [tilespmem:s1+$0x6FF0]  }
0x111: {  	v18 =	vadd.f32 v51, v57;
	v51 =	vld [tilespmem:s1+$0xAF40];
	v16 =	vadd.f32 v17, v16;
	v17 =	vunpack.i.l.bf16.f32 v20  }
0x112: {  	v20 =	vunpack.i.u.bf16.f32 v20;
	v62 =	vadd.f32 v27, v61;
	v27 =	vld [tilespmem:s1+$0x6F80];
	v31 =	vadd.f32 v32, v31  }
0x113: {  	v57 =	vmul.bf16 v37, v36;
	v36 =	vld [tilespmem:s1+$0xAFA0];
	v17 =	vadd.f32 v17, v18;
	v16 =	vadd.f32 v20, v16  }
0x114: {  	v32 =	vld [tilespmem:s1+$0x6FC0];
	v20 =	vunpack.i.l.bf16.f32 v59;
	v18 =	vunpack.i.l.bf16.f32 v60;
	v59 =	vmul.bf16 v39, v38  }
0x115: {  	v38 =	vld [tilespmem:s1+$0xAFB0];
	v60 =	vunpack.i.u.bf16.f32 v57;
	v19 =	vmul.bf16 v50, v19;
	v23 =	vmul.bf16 v52, v23  }
0x116: {  	v39 =	vld [tilespmem:s1+$0xAFC0];
	v24 =	vmul.bf16 v25, v24;
	v26 =	vmul.bf16 v29, v26;
	v18 =	vadd.f32 v18, v20  }
0x117: {  	v25 =	vld [tilespmem:s1+$0x7030];
	v20 =	vadd.f32 v34, v56;
	v56 =	vmul.bf16 v47, v46;
	v17 =	vadd.f32 v58, v17  }
0x118: {  	v29 =	vld [tilespmem:s1+$0xB030];
	v16 =	vadd.f32 v22, v16;
	v22 =	vunpack.i.l.bf16.f32 v63;
	v58 =	vunpack.i.l.bf16.f32 v57  }
0x119: {  	v34 =	vld [tilespmem:s1+$0x6FB0];
	v61 =	vunpack.i.l.bf16.f32 v59;
	v37 =	vunpack.i.u.bf16.f32 v59;
	v63 =	vmul.bf16 v43, v42  }
0x11a: {  	v47 =	vld [tilespmem:s1+$0x7000];
	v57 =	vunpack.i.u.bf16.f32 v54;
	v43 =	vunpack.i.l.bf16.f32 v54;
	v59 =	vmul.bf16 v49, v48  }
0x11b: {  	v49 =	vld [tilespmem:s1+$0x7010];
	v52 =	vunpack.i.l.bf16.f32 v23;
	v23 =	vunpack.i.u.bf16.f32 v23;
	v54 =	vunpack.i.u.bf16.f32 v26  }
0x11c: {  	v48 =	vld [tilespmem:s1+$0xB010];
	v26 =	vunpack.i.l.bf16.f32 v26;
	v20 =	vadd.f32 v58, v20;
	v58 =	vunpack.i.u.bf16.f32 v56  }
0x11d: {  	v21 =	vmul.bf16 v51, v21;
	v51 =	vld [tilespmem:s1+$0x7020];
	v27 =	vmul.bf16 v30, v27;
	v16 =	vadd.f32 v17, v16  }
0x11e: {  	v30 =	vld [tilespmem:s1+$0xB040];
	v17 =	vunpack.i.u.bf16.f32 v28;
	v28 =	vunpack.i.l.bf16.f32 v28;
	v42 =	vunpack.i.u.bf16.f32 v63  }
0x11f: {  	v46 =	vunpack.i.u.bf16.f32 v59;
	v18 =	vadd.f32 v28, v18;
	v17 =	vadd.f32 v17, v62;
	v28 =	vld [tilespmem:s1+$0x6F90]  }
0x120: {  	v62 =	vmul.bf16 v41, v40;
	v20 =	vadd.f32 v61, v20;
	v40 =	vld [tilespmem:s1+$0x6FD0];
	v61 =	vunpack.i.l.bf16.f32 v19  }
0x121: {  	v41 =	vld [tilespmem:s1+$0xAFD0];
	v19 =	vunpack.i.u.bf16.f32 v19;
	v32 =	vmul.bf16 v39, v32;
	v25 =	vmul.bf16 v29, v25  }
0x122: {  	v39 =	vld [tilespmem:s1+$0xB070];
	v46 =	vadd.f32 v19, v46;
	v34 =	vmul.bf16 v38, v34;
	v18 =	vadd.f32 v22, v18  }
0x123: {  	v29 =	vld [tilespmem:s1+$0x70D0];
	v17 =	vadd.f32 v53, v17;
	v53 =	vunpack.i.u.bf16.f32 v62;
	v35 =	vunpack.i.l.bf16.f32 v62  }
0x124: {  	v22 =	vld [tilespmem:s1+$0x6FA0];
	v55 =	vadd.f32 v42, v53;
	v53 =	vunpack.i.u.bf16.f32 v24;
	v24 =	vunpack.i.l.bf16.f32 v24  }
0x125: {  	v42 =	vld [tilespmem:s1+$0xAFE0];
	v17 =	vadd.f32 v18, v17;
	v18 =	vadd.f32 v60, v31;
	v31 =	vunpack.i.l.bf16.f32 v63  }
0x126: {  	v62 =	vunpack.i.l.bf16.f32 v21;
	v24 =	vadd.f32 v26, v24;
	v31 =	vadd.f32 v31, v35;
	v35 =	vld [tilespmem:s1+$0xB000]  }
0x127: {  	v40 =	vmul.bf16 v41, v40;
	v41 =	vld [tilespmem:s1+$0xB080];
	v18 =	vadd.f32 v37, v18;
	v37 =	vunpack.i.l.bf16.f32 v56  }
0x128: {  	v56 =	vunpack.i.u.bf16.f32 v27;
	v27 =	vunpack.i.l.bf16.f32 v27;
	v31 =	vadd.f32 v43, v31;
	v43 =	vld [tilespmem:s1+$0xAFF0]  }
0x129: {  	v38 =	vunpack.i.l.bf16.f32 v34;
	v34 =	vunpack.i.u.bf16.f32 v34;
	v24 =	vadd.f32 v27, v24;
	v27 =	vld [tilespmem:s1+$0x7060]  }
0x12a: {  	v60 =	vunpack.i.l.bf16.f32 v59;
	v63 =	vunpack.i.u.bf16.f32 v21;
	v22 =	vmul.bf16 v36, v22;
	v36 =	vld [tilespmem:s1+$0xB060]  }
0x12b: {  	v18 =	vadd.f32 v20, v18;
	v20 =	vadd.f32 v57, v55;
	v55 =	vmul.bf16 v33, v28;
	v28 =	vld [tilespmem:s1+$0x7050]  }
0x12c: {  	v59 =	vunpack.i.l.bf16.f32 v32;
	v33 =	vld [tilespmem:s1+$0xB050];
	v31 =	vadd.f32 v37, v31;
	v37 =	vadd.f32 v61, v60  }
0x12d: {  	v60 =	vunpack.i.u.bf16.f32 v32;
	v32 =	vld [tilespmem:s1+$0x7090];
	v61 =	vunpack.i.l.bf16.f32 v40;
	v40 =	vunpack.i.u.bf16.f32 v40  }
0x12e: {  	v20 =	vadd.f32 v58, v20;
	v26 =	vunpack.i.l.bf16.f32 v55;
	v35 =	vmul.bf16 v35, v47;
	v47 =	vld [tilespmem:s1+$0x70C0]  }
0x12f: {  	v58 =	vunpack.i.l.bf16.f32 v22;
	v22 =	vunpack.i.u.bf16.f32 v22;
	v50 =	vadd.f32 v62, v37;
	v37 =	vld [tilespmem:s1+$0x7040]  }
0x130: {  	v57 =	vunpack.i.u.bf16.f32 v55;
	v24 =	vadd.f32 v26, v24;
	v26 =	vld [tilespmem:s1+$0x7070];
	v22 =	vadd.f32 v34, v22  }
0x131: {  	v62 =	vmul.bf16 v42, v44;
	v42 =	vld [tilespmem:s1+$0xB090];
	v19 =	vadd.f32 v31, v20;
	v20 =	vadd.f32 v63, v46  }
0x132: {  	v44 =	vld [tilespmem:s1+$0xB0A0];
	v63 =	vmul.bf16 v43, v45;
	v27 =	vmul.bf16 v36, v27;
	v21 =	vadd.f32 v52, v50  }
0x133: {  	v31 =	vld [tilespmem:s1+$0xB020];
	v22 =	vadd.f32 v60, v22;
	v50 =	vunpack.i.u.bf16.f32 v62;
	v34 =	vunpack.i.l.bf16.f32 v62  }
0x134: {  	v43 =	vld [tilespmem:s1+$0x70A0];
	v28 =	vmul.bf16 v33, v28;
	v20 =	vadd.f32 v23, v20;
	v23 =	vadd.f32 v54, v53  }
0x135: {  	v46 =	vld [tilespmem:s1+$0x70B0];
	v45 =	vunpack.i.u.bf16.f32 v63;
	v53 =	vmul.bf16 v48, v49;
	v54 =	vunpack.i.u.bf16.f32 v35  }
0x136: {  	v36 =	vld [tilespmem:s1+$0x7100];
	v35 =	vunpack.i.l.bf16.f32 v35;
	v62 =	vunpack.i.u.bf16.f32 v27;
	v22 =	vadd.f32 v40, v22  }
0x137: {  	v33 =	vld [tilespmem:s1+$0x70F0];
	v27 =	vunpack.i.l.bf16.f32 v27;
	v52 =	vadd.f32 v45, v50;
	v20 =	vadd.f32 v21, v20  }
0x138: {  	v48 =	vld [tilespmem:s1+$0xB0E0];
	v21 =	vadd.f32 v56, v23;
	v23 =	vadd.f32 v38, v58;
	v30 =	vmul.bf16 v30, v37  }
0x139: {  	v45 =	vld [tilespmem:s1+$0xB0B0];
	v55 =	vunpack.i.u.bf16.f32 v53;
	v26 =	vmul.bf16 v39, v26;
	v50 =	vmul.bf16 v42, v32  }
0x13a: {  	v38 =	vld [tilespmem:s1+$0x7080];
	v40 =	vunpack.i.l.bf16.f32 v53;
	v31 =	vmul.bf16 v31, v51;
	v53 =	vmul.bf16 v44, v43  }
0x13b: {  	v37 =	vld [tilespmem:s1+$0x70E0];
	v21 =	vadd.f32 v57, v21;
	v23 =	vadd.f32 v59, v23;
	v57 =	vunpack.i.l.bf16.f32 v25  }
0x13c: {  	v39 =	vld [tilespmem:s1+$0x7110];
	v25 =	vunpack.i.u.bf16.f32 v25;
	v58 =	vunpack.i.l.bf16.f32 v30;
	v59 =	vunpack.i.u.bf16.f32 v30  }
0x13d: {  	v32 =	vld [tilespmem:s1+$0x7120];
	v56 =	vunpack.i.l.bf16.f32 v31;
	v31 =	vunpack.i.u.bf16.f32 v31;
	v42 =	vunpack.i.u.bf16.f32 v53  }
0x13e: {  	v44 =	vld [tilespmem:s1+$0xB130];
	v21 =	vadd.f32 v24, v21;
	v23 =	vadd.f32 v61, v23;
	v24 =	vunpack.i.l.bf16.f32 v63  }
0x13f: {  	v30 =	vld [tilespmem:s1+$0xB100];
	v25 =	vadd.f32 v25, v31;
	v61 =	vunpack.i.l.bf16.f32 v28;
	v28 =	vunpack.i.u.bf16.f32 v28  }
0x140: {  	v31 =	vld [tilespmem:s1+$0xB0F0];
	v63 =	vunpack.i.u.bf16.f32 v26;
	v26 =	vunpack.i.l.bf16.f32 v26;
	v24 =	vadd.f32 v24, v34  }
0x141: {  	v34 =	vld [tilespmem:s1+$0xB0D0];
	v38 =	vmul.bf16 v41, v38;
	v26 =	vadd.f32 v26, v27;
	v49 =	vadd.f32 v63, v62  }
0x142: {  	v41 =	vld [tilespmem:s1+$0xB110];
	v37 =	vmul.bf16 v48, v37;
	v22 =	vadd.f32 v23, v22;
	v23 =	vadd.f32 v54, v52  }
0x143: {  	v27 =	vld [tilespmem:s1+$0x7140];
	v52 =	vunpack.i.u.bf16.f32 v50;
	v54 =	vmul.bf16 v45, v46;
	v24 =	vadd.f32 v35, v24  }
0x144: {  	v62 =	vld [tilespmem:s1+$0xB170];
	v51 =	vunpack.i.u.bf16.f32 v38;
	v38 =	vunpack.i.l.bf16.f32 v38;
	v30 =	vmul.bf16 v30, v36  }
0x145: {  	v35 =	vld [tilespmem:s1+$0xB0C0];
	v23 =	vadd.f32 v55, v23;
	v26 =	vadd.f32 v38, v26;
	v55 =	vunpack.i.l.bf16.f32 v53  }
0x146: {  	v48 =	vld [tilespmem:s1+$0x7180];
	v43 =	vunpack.i.u.bf16.f32 v54;
	v24 =	vadd.f32 v40, v24;
	v40 =	vadd.f32 v57, v56  }
0x147: {  	v38 =	vld [tilespmem:s1+$0x7130];
	v45 =	vunpack.i.l.bf16.f32 v54;
	v42 =	vadd.f32 v43, v42;
	v31 =	vmul.bf16 v31, v33  }
0x148: {  	v54 =	vld [tilespmem:s1+$0xB190];
	v29 =	vmul.bf16 v34, v29;
	v23 =	vadd.f32 v24, v23;
	v60 =	vadd.f32 v58, v40  }
0x149: {  	v56 =	vld [tilespmem:s1+$0xB140];
	v24 =	vadd.f32 v59, v25;
	v63 =	vunpack.i.u.bf16.f32 v31;
	v31 =	vunpack.i.l.bf16.f32 v31  }
0x14a: {  	v33 =	vld [tilespmem:s1+$0x7170];
	v35 =	vmul.bf16 v35, v47;
	v59 =	vunpack.i.l.bf16.f32 v29;
	v29 =	vunpack.i.u.bf16.f32 v29  }
0x14b: {  	v43 =	vld [tilespmem:s1+$0xB1D0];
	v25 =	vadd.f32 v61, v60;
	v24 =	vadd.f32 v28, v24;
	v28 =	vunpack.i.l.bf16.f32 v50  }
0x14c: {  	v34 =	vld [tilespmem:s1+$0xB150];
	v61 =	vunpack.i.u.bf16.f32 v37;
	v37 =	vunpack.i.l.bf16.f32 v37;
	v38 =	vmul.bf16 v44, v38  }
0x14d: {  	v40 =	vld [tilespmem:s1+$0xB120];
	v26 =	vadd.f32 v28, v26;
	v28 =	vadd.f32 v45, v55;
	v57 =	vunpack.i.l.bf16.f32 v35  }
0x14e: {  	v60 =	vld [tilespmem:s1+$0xB160];
	v58 =	vunpack.i.u.bf16.f32 v35;
	v31 =	vadd.f32 v31, v37;
	v27 =	vmul.bf16 v56, v27  }
0x14f: {  	v50 =	vld [tilespmem:s1+$0xB180];
	v33 =	vmul.bf16 v62, v33;
	v24 =	vadd.f32 v25, v24;
	v25 =	vadd.f32 v51, v49  }
0x150: {  	v45 =	vld [tilespmem:s1+$0x7150];
	v49 =	vmul.bf16 v41, v39;
	v51 =	vunpack.i.u.bf16.f32 v30;
	v30 =	vunpack.i.l.bf16.f32 v30  }
0x151: {  	v35 =	vld [tilespmem:s1+$0x7160];
	v44 =	vunpack.i.l.bf16.f32 v38;
	v38 =	vunpack.i.u.bf16.f32 v38;
	v28 =	vadd.f32 v57, v28  }
0x152: {  	v56 =	vld [tilespmem:s1+$0x71B0];
	v30 =	vadd.f32 v30, v31;
	v32 =	vmul.bf16 v40, v32;
	v62 =	vunpack.i.u.bf16.f32 v33  }
0x153: {  	v39 =	vld [tilespmem:s1+$0x71E0];
	v33 =	vunpack.i.l.bf16.f32 v33;
	v25 =	vadd.f32 v52, v25;
	v37 =	vunpack.i.l.bf16.f32 v49  }
0x154: {  	v40 =	vld [tilespmem:s1+$0x71A0];
	v53 =	vunpack.i.u.bf16.f32 v49;
	v28 =	vadd.f32 v59, v28;
	v30 =	vadd.f32 v37, v30  }
0x155: {  	v57 =	vld [tilespmem:s1+$0xB1B0];
	v55 =	vunpack.i.l.bf16.f32 v32;
	v32 =	vunpack.i.u.bf16.f32 v32;
	v25 =	vadd.f32 v26, v25  }
0x156: {  	v52 =	vld [tilespmem:s1+$0x7190];
	v36 =	vmul.bf16 v50, v48;
	v26 =	vadd.f32 v58, v42;
	v37 =	vadd.f32 v44, v55  }
0x157: {  	v59 =	vld [tilespmem:s1+$0xB1C0];
	v32 =	vadd.f32 v38, v32;
	v58 =	vunpack.i.l.bf16.f32 v27;
	v34 =	vmul.bf16 v34, v45  }
0x158: {  	v48 =	vld [tilespmem:s1+$0xB1E0];
	v27 =	vunpack.i.u.bf16.f32 v27;
	v35 =	vmul.bf16 v60, v35;
	v49 =	vunpack.i.u.bf16.f32 v36  }
0x159: {  	v50 =	vld [tilespmem:s1+$0x71F0];
	v36 =	vunpack.i.l.bf16.f32 v36;
	v26 =	vadd.f32 v29, v26;
	v29 =	vadd.f32 v63, v61  }
0x15a: {  	v45 =	vld [tilespmem:s1+$0x71C0];
	v37 =	vadd.f32 v58, v37;
	v27 =	vadd.f32 v27, v32;
	v60 =	vunpack.i.l.bf16.f32 v34  }
0x15b: {  	v42 =	vld [tilespmem:s1+$0x71D0];
	v61 =	vunpack.i.u.bf16.f32 v35;
	v35 =	vunpack.i.l.bf16.f32 v35;
	v34 =	vunpack.i.u.bf16.f32 v34  }
0x15c: {  	v55 =	vld [tilespmem:s1+$0xB200];
	v56 =	vmul.bf16 v57, v56;
	v33 =	vadd.f32 v33, v35;
	v63 =	vadd.f32 v62, v61  }
0x15d: {  	v57 =	vld [tilespmem:s1+$0x7210];
	v31 =	vmul.bf16 v54, v52;
	v26 =	vadd.f32 v28, v26;
	v28 =	vadd.f32 v51, v29  }
0x15e: {  	v58 =	vld [tilespmem:s1+$0xB210];
	v32 =	vadd.f32 v60, v37;
	v27 =	vadd.f32 v34, v27;
	v61 =	vunpack.i.u.bf16.f32 v56  }
0x15f: {  	v29 =	vld [tilespmem:s1+$0xB1A0];
	v33 =	vadd.f32 v36, v33;
	v35 =	vadd.f32 v49, v63;
	v52 =	vunpack.i.u.bf16.f32 v31  }
0x160: {  	v51 =	vld [tilespmem:s1+$0xB1F0];
	v31 =	vunpack.i.l.bf16.f32 v31;
	v59 =	vmul.bf16 v59, v45;
	v62 =	vmul.bf16 v43, v42  }
0x161: {  	v28 =	vadd.f32 v53, v28;
	v53 =	vld [tilespmem:s1+$0x7200];
	v27 =	vadd.f32 v32, v27;
	[tilespmem:$0xF530] =	vst v16;
	v16 =	vunpack.i.l.bf16.f32 v56  }
0x162: {  	v31 =	vadd.f32 v31, v33;
	v54 =	vadd.f32 v52, v35;
	v63 =	vunpack.i.l.bf16.f32 v59  }
0x163: {  	[tilespmem:$0xF548] =	vst v17;
	v37 =	vunpack.i.u.bf16.f32 v59;
	v46 =	vmul.bf16 v58, v57;
	v47 =	vunpack.i.u.bf16.f32 v62  }
0x164: {  	[tilespmem:$0xF560] =	vst v18;
	v28 =	vadd.f32 v30, v28;
	v30 =	vmul.bf16 v48, v39;
	v29 =	vmul.bf16 v29, v40  }
0x165: {  	[tilespmem:$0xF578] =	vst v19;
	v39 =	vunpack.i.l.bf16.f32 v62;
	v31 =	vadd.f32 v31, v54;
	v38 =	vmul.bf16 v51, v50  }
0x166: {  	[tilespmem:$0xF590] =	vst v20;
	v40 =	vunpack.i.u.bf16.f32 v30;
	v18 =	vunpack.i.l.bf16.f32 v30;
	v60 =	vunpack.i.l.bf16.f32 v29  }
0x167: {  	[tilespmem:$0xF5A8] =	vst v21;
	v17 =	vunpack.i.u.bf16.f32 v29;
	v41 =	vunpack.i.u.bf16.f32 v38;
	v42 =	vmul.bf16 v55, v53  }
0x168: {  	[tilespmem:$0xF5C0] =	vst v22;
	v19 =	vunpack.i.l.bf16.f32 v38;
	v16 =	vadd.f32 v16, v60;
	v17 =	vadd.f32 v61, v17  }
0x169: {  	[tilespmem:$0xF5D8] =	vst v23;
	v18 =	vadd.f32 v19, v18;
	v43 =	vadd.f32 v41, v40;
	v44 =	vunpack.i.u.bf16.f32 v42  }
0x16a: {  	[tilespmem:$0xF5F0] =	vst v24;
	v45 =	vunpack.i.l.bf16.f32 v42;
	v16 =	vadd.f32 v63, v16;
	v17 =	vadd.f32 v37, v17  }
0x16b: {  	[tilespmem:$0xF608] =	vst v25;
	v48 =	vunpack.i.u.bf16.f32 v46;
	v18 =	vadd.f32 v45, v18;
	v19 =	vadd.f32 v44, v43  }
0x16c: {  	[tilespmem:$0xF620] =	vst v26;
	v49 =	vunpack.i.l.bf16.f32 v46;
	v16 =	vadd.f32 v39, v16;
	v17 =	vadd.f32 v47, v17  }
0x16d: {  	[tilespmem:$0xF650] =	vst v27;
	v18 =	vadd.f32 v49, v18;
	v19 =	vadd.f32 v48, v19  }
0x16e: {  	[tilespmem:$0xF638] =	vst v28;
	v16 =	vadd.f32 v16, v17  }
0x16f: {  	[tilespmem:$0xF668] =	vst v31;
	v17 =	vadd.f32 v18, v19  }
0x170: {  	[tilespmem:$0xF680] =	vst v16  }
0x171: {  	[tilespmem:$0xF698] =	vst v17  }
0x172: {  	v16 =	vld.idx.msk [tilespmem:v0+s21+$0x0], $0xffff  }
0x173: {  	v17 =	vld.idx.msk [tilespmem:v1+s21+$0x0], $0xffff  }
0x174: {  	v50 =	vld.idx.msk [tilespmem:v2+s21+$0x0], $0xffff  }
0x175: {  	v51 =	vld.idx.msk [tilespmem:v3+s21+$0x0], $0xffff  }
0x176: {  	v52 =	vld.idx.msk [tilespmem:v4+s21+$0x0], $0xffff  }
0x177: {  	v53 =	vld.idx.msk [tilespmem:v5+s21+$0x0], $0xffff  }
0x178: {  	v54 =	vld.idx.msk [tilespmem:v6+s21+$0x0], $0xffff  }
0x179: {  	v55 =	vld.idx.msk [tilespmem:v7+s21+$0x0], $0xffff  }
0x17a: {  	v56 =	vld.idx.msk [tilespmem:v8+s21+$0x0], $0xffff;
	v16 =	vadd.f32 v50, v16;
	v17 =	vadd.f32 v51, v17  }
0x17b: {  	v57 =	vld.idx.msk [tilespmem:v9+s21+$0x0], $0xffff  }
0x17c: {  	v58 =	vld.idx.msk [tilespmem:v10+s21+$0x0], $0xffff;
	v16 =	vadd.f32 v52, v16;
	v17 =	vadd.f32 v53, v17  }
0x17d: {  	v59 =	vld.idx.msk [tilespmem:v11+s21+$0x0], $0xffff  }
0x17e: {  	v60 =	vld.idx.msk [tilespmem:v12+s21+$0x0], $0xffff;
	v16 =	vadd.f32 v54, v16;
	v17 =	vadd.f32 v55, v17  }
0x17f: {  	v61 =	vld.idx.msk [tilespmem:v13+s21+$0x0], $0xffff  }
0x180: {  	v62 =	vld.idx.msk [tilespmem:v14+s21+$0x0], $0xffff;
	v16 =	vadd.f32 v56, v16;
	v17 =	vadd.f32 v57, v17  }
0x181: {  	v63 =	vld.idx.msk [tilespmem:v15+s21+$0x0], $0xffff  }
0x182: {  	v16 =	vadd.f32 v58, v16;
	v17 =	vadd.f32 v59, v17;
	_ =	sdelay $0x1  }
0x183: {  	v16 =	vadd.f32 v60, v16;
	v17 =	vadd.f32 v61, v17  }
0x184: {  	p0 =	sne.s32 s0, $0x7000  }
.Ltmp1:
0x185: {  	v16 =	vadd.f32 v62, v16;
	v17 =	vadd.f32 v63, v17;
	(pc) =	sbr.rel @p0 .LBB2_5-.Ltmp1, $3  }
0x186: {  	_ = 	snop  }
0x187: {  	v16 =	vadd.f32 v17, v16;
	_ =	sdelay $0x1  }
0x188: {  	s0 =	sadd.s32 $0x1000, s0;
	[tilespmem:s30+$0x0] =	vst v16;
	s30 =	sadd.s32 $0x10, s30  }
0x189: {  	s29 =	sadd.s32 $0x1, s29  }
0x18a: {  	p0 =	sne.s32 s29, $0x28  }
.Ltmp2:
0x18b: {  	_ = 	snop;
	(pc) =	sbr.rel @p0 .LBB2_2-.Ltmp2, $2  }
0x18c: {  	_ =	sdelay $0x2  }
0x18d: {  	s28 =	sadd.s32 $0x100, s28;
	s26 =	sadd.s32 $0x100, s26  }
0x18e: {  	s25 =	sadd.s32 $0x1, s25  }
0x18f: {  	p0 =	sne.s32 s25, s10  }
.Ltmp3:
0x190: {  	_ = 	snop;
	(pc) =	sbr.rel @p0 .LBB2_1-.Ltmp3, $4  }
0x191: {  	[hbm4b:s9+s4] =	stream.linear.scatter [tilespmem:s24], [sflag:$0x5], $0x2710, $0x38;
	[tilespmem:$0x192F0] =	vst v63  }
0x192: {  	_ =	swait.ge [sflag:s12], $0x2710  }
0x193: {  	[sflag:s12] =	ssyncset.done $0x0  }
0x194: {  	[sflag:s12] =	ssyncadd.s32 $0xFFFFD8F0  }
0x195: {  	_ =	sfence.sel $0x180000  }
0x196: {  	[bflag:$0x0] =	sbarrier.arrive $0xFFFF  }
0x197: {  	_ =	strace $0x90000047  }
0x198: {  	s0 =	stileid.u32;
	[bflag:$0x2] =	sbarrier.arrive $0xFFFF  }
0x199: {  	p0 =	sne.s32 s0, $0x0;
	s0 =	rddreg [dreg:$0x3]  }
0x19a: {  	s0 =	sadd.s32 @!p0 $0x100000, s0  }
0x19b: {  	[sflag:s0] =	ssyncadd.tile.s32 @!p0 $0x1;
	_ =	shalt  }
.Lfunc_end2:
_tile_overlayer_lowered:
.L_overlay_start_2:
0x19c: {  	(tag) =	ssettag $0x2  }
0x19d: {  	s0 =	rddreg [dreg:$0x0];
	s2 =	stileid.u32  }
0x19e: {  	s1 =	rddreg [dreg:$0x1];
	p0 =	sne.s32 s2, $0x0  }
0x19f: {  	s3 =	rddreg [dreg:$0x2];
	[bflag:$0x3] =	sbarrier.arrive $0xFFFF;
	s2 =	simm.s32 @!p0 $0x1C05  }
0x1a0: {  	[timem:s3], [sflag:s2] =	dma.local @!p0 [hbm:s0], s1  }
0x1a1: {  	s0 =	simm.s32 @!p0 $0x5  }
0x1a2: {  	_ =	swait.ge @!p0 [sflag:s0], s1  }
0x1a3: {  	s1 =	ssub.s32 @!p0 $0x0, s1;
	[sflag:s0] =	ssyncset.done @!p0 $0x0  }
0x1a4: {  	[sflag:s0] =	ssyncadd.s32 @!p0 s1  }
0x1a5: {  	[bflag:$0x3] =	sbarrier.arrive $0xFFFF  }
0x1a6: {  	_ =	shalt  }

</sc_bundles>
